<compile_context>
chip_gen: v7x
topology: tpu7x:2x2x1
jax: 0.10.2.dev20260603
libtpu: 0.0.44.dev20260713+nightly
codegen_flags: <defaults>
</compile_context>

<pallas_src>
import jax
import jax.numpy as jnp
from jax import lax
from jax.experimental import pallas as pl
from jax.experimental.pallas import tpu as pltpu
from jax.experimental.pallas import tpu_sc as plsc

TOT = 128
D = 4096
BATCH = 128
B = BATCH * TOT

_info = plsc.get_sparse_core_info()
NC, NS = _info.num_cores, _info.num_subcores
NW = NC * NS
B_PER_W = B // NW
S_ROWS = 192
SE = S_ROWS // 8
NDB = (B_PER_W - S_ROWS) // 16
STEPS = SE // 2


def _body(idx_hbm, table_hbm, out_hbm, idx_v, table_sp, buf0, buf1,
          dsem, g0, g1, s0, s1):
    sid = lax.axis_index("s")
    wid = sid * NC + lax.axis_index("c")
    base = wid * B_PER_W
    pltpu.sync_copy(idx_hbm.at[wid], idx_v)
    rpw = TOT // NS
    pltpu.sync_copy(table_hbm.at[pl.ds(sid * rpw, rpw)],
                    table_sp.at[pl.ds(sid * rpw, rpw)])
    plsc.subcore_barrier()

    def fire_direct(g):
        vec = idx_v[pl.ds(S_ROWS + g * 16, 16)]
        for jj in range(16):
            pltpu.async_copy(
                table_sp.at[pl.ds(vec[jj], 1)],
                out_hbm.at[pl.ds(base + S_ROWS + g * 16 + jj, 1)], dsem)

    def drain_direct16():
        for jj in range(16):
            pltpu.make_async_copy(table_sp.at[pl.ds(0, 1)],
                                  out_hbm.at[pl.ds(base, 1)], dsem).wait()

    def fire_stage(e, buf, sem):
        vec = idx_v[pl.ds(e * 8, 16)]
        for jj in range(8):
            pltpu.async_copy(table_sp.at[pl.ds(vec[jj], 1)],
                             buf.at[pl.ds(jj, 1)], sem)

    def drain_stage(buf, sem):
        for jj in range(8):
            pltpu.make_async_copy(table_sp.at[pl.ds(0, 1)],
                                  buf.at[pl.ds(jj, 1)], sem).wait()

    def fire_write(e, buf, sem):
        pltpu.async_copy(buf, out_hbm.at[pl.ds(base + e * 8, 8)], sem)

    def wait_write(e, buf, sem):
        pltpu.make_async_copy(buf, out_hbm.at[pl.ds(base + e * 8, 8)],
                              sem).wait()

    fire_stage(0, buf0, g0)
    fire_direct(0)

    def step(i, carry):
        a = 2 * i
        b = a + 1

        @pl.when(i >= 1)
        def _():
            wait_write(b - 2, buf1, s1)

        fire_stage(b, buf1, g1)

        @pl.when(i <= 10)
        def _():
            drain_direct16()

        drain_stage(buf0, g0)
        fire_write(a, buf0, s0)

        @pl.when(i <= 9)
        def _():
            fire_direct(2 * i + 1)

        wait_write(a, buf0, s0)

        @pl.when(b + 1 < SE)
        def _():
            fire_stage(b + 1, buf0, g0)

        drain_stage(buf1, g1)
        fire_write(b, buf1, s1)

        @pl.when(jnp.logical_and(i >= 1, i <= 9))
        def _():
            drain_direct16()

        @pl.when(i <= 8)
        def _():
            fire_direct(2 * i + 2)

        return carry

    lax.fori_loop(0, STEPS, step, 0)
    wait_write(SE - 1, buf1, s1)


_gather = pl.kernel(
    _body,
    out_type=jax.ShapeDtypeStruct((B, D), jnp.float32),
    mesh=plsc.VectorSubcoreMesh(core_axis_name="c", subcore_axis_name="s"),
    scratch_types=[
        pltpu.VMEM((B_PER_W,), jnp.int32),
        pltpu.VMEM_SHARED((TOT, D), jnp.float32),
        pltpu.VMEM((8, D), jnp.float32),
        pltpu.VMEM((8, D), jnp.float32),
        pltpu.SemaphoreType.DMA,
        pltpu.SemaphoreType.DMA,
        pltpu.SemaphoreType.DMA,
        pltpu.SemaphoreType.DMA,
        pltpu.SemaphoreType.DMA,
    ],
)


def kernel(indices, embedding):
    idx = indices.astype(jnp.int32).reshape(NW, B_PER_W)
    out = _gather(idx, embedding)
    return out.reshape(BATCH, TOT, D)

# --- scband reference (transcript-rebuilt; emitter-appended) ---
"""Pipeline reference for scband-prompt-embedding-lo-ra-10118942949859 (READ-ONLY COPY).

The authoritative reference and input builder live on the scoring server;
editing this copy changes nothing except your own understanding.
"""

import jax, jax.numpy as jnp
import numpy as np

TOTAL_VIRTUAL_TOKENS = 128
TOKEN_DIM = 4096
BATCH = 128

def setup_inputs(seed: int = 0) -> dict:
    key = jax.random.key(seed)
    k1, k2 = jax.random.split(key)
    # forward input: indices into the prompt embedding table, values in [0, total_virtual_tokens)
    indices = jax.random.randint(k1, (BATCH, TOTAL_VIRTUAL_TOKENS), 0, TOTAL_VIRTUAL_TOKENS, dtype=jnp.int64 if jax.config.jax_enable_x64 else jnp.int32)
    # learned parameter: nn.Embedding(total_virtual_tokens, token_dim) weight
    embedding = jax.random.normal(k2, (TOTAL_VIRTUAL_TOKENS, TOKEN_DIM), dtype=jnp.float32)
    return {"indices": indices, "embedding": embedding}

def reference(indices, embedding):
    # PromptEmbeddingLoRA.forward with config.scpp=False:
    #   prompt_embeddings = self.embedding(indices)
    # -> plain embedding gather, output [batch, total_virtual_tokens, token_dim]
    prompt_embeddings = jnp.take(embedding, indices, axis=0)
    return prompt_embeddings

if __name__ == "__main__":
    import jax
    _d = setup_inputs()
    print(jax.jit(kernel)(*tuple(_d.values())))

</pallas_src>

<mosaic_0001>
#map = affine_map<(d0, d1) -> (0, 0)>
module attributes {stable_mosaic.version = 14 : i64} {
  func.func @_body(%arg0: i32, %arg1: i32, %arg2: memref<32x512xi32, #tpu.memory_space<hbm>>, %arg3: memref<128x4096xf32, #tpu.memory_space<hbm>>, %arg4: memref<16384x4096xf32, #tpu.memory_space<hbm>>, %arg5: memref<512xi32, #tpu.memory_space<vmem>>, %arg6: memref<128x4096xf32, #tpu.memory_space<vmem_shared>>, %arg7: memref<8x4096xf32, #tpu.memory_space<vmem>>, %arg8: memref<8x4096xf32, #tpu.memory_space<vmem>>, %arg9: memref<!tpu.dma_semaphore, #tpu.memory_space<semaphore_mem>>, %arg10: memref<!tpu.dma_semaphore, #tpu.memory_space<semaphore_mem>>, %arg11: memref<!tpu.dma_semaphore, #tpu.memory_space<semaphore_mem>>, %arg12: memref<!tpu.dma_semaphore, #tpu.memory_space<semaphore_mem>>, %arg13: memref<!tpu.dma_semaphore, #tpu.memory_space<semaphore_mem>>) attributes {dimension_semantics = [#tpu.dimension_semantics<core_parallel>, #tpu.dimension_semantics<subcore_parallel>], iteration_bounds = array<i64: 2, 16>, scalar_prefetch = 0 : i64, scratch_operands = 9 : i64, tpu.core_type = #tpu.core_type<sc_vector_subcore>, window_params = [{transform_indices = #map}, {transform_indices = #map}, {transform_indices = #map}]} {
    %mul3A = arith.constant 2 : i32
    %mul3A_0 = arith.muli %arg1, %mul3A : i32
    %add3A = arith.addi %mul3A_0, %arg0 : i32
    %mul3A_1 = arith.constant 512 : i32
    %mul3A_2 = arith.muli %add3A, %mul3A_1 : i32
    "tpu.region"() ({
      %run_scoped3A = tpu.sem_alloc : memref<!tpu.dma_semaphore, #tpu.memory_space<semaphore_mem>>
      %dma_start3A_307 = arith.constant 0 : i32
      %dma_start3A_308 = tpu.memref_slice %arg2[%add3A, %dma_start3A_307] : memref<32x512xi32, #tpu.memory_space<hbm>> -> memref<1x512xi32, #tpu.memory_space<hbm>>
      %dma_start3A_309 = tpu.memref_squeeze %dma_start3A_308 : memref<1x512xi32, #tpu.memory_space<hbm>> -> memref<512xi32, #tpu.memory_space<hbm>>
      %dma_start3A_310 = arith.constant 0 : i32
      %dma_start3A_311 = tpu.memref_slice %arg2[%add3A, %dma_start3A_310] : memref<32x512xi32, #tpu.memory_space<hbm>> -> memref<1x512xi32, #tpu.memory_space<hbm>>
      %dma_start3A_312 = tpu.memref_squeeze %dma_start3A_311 : memref<1x512xi32, #tpu.memory_space<hbm>> -> memref<512xi32, #tpu.memory_space<hbm>>
      tpu.enqueue_dma source(%dma_start3A_312 : memref<512xi32, #tpu.memory_space<hbm>>) target(%arg5 : memref<512xi32, #tpu.memory_space<vmem>>) target_semaphore(%run_scoped3A : memref<!tpu.dma_semaphore, #tpu.memory_space<semaphore_mem>>)
      %dma_wait3A_313 = arith.constant 0 : i32
      %dma_wait3A_314 = tpu.memref_slice %arg2[%add3A, %dma_wait3A_313] : memref<32x512xi32, #tpu.memory_space<hbm>> -> memref<1x512xi32, #tpu.memory_space<hbm>>
      %dma_wait3A_315 = tpu.memref_squeeze %dma_wait3A_314 : memref<1x512xi32, #tpu.memory_space<hbm>> -> memref<512xi32, #tpu.memory_space<hbm>>
      %dma_wait3A_316 = arith.constant 0 : i32
      %dma_wait3A_317 = tpu.memref_slice %arg2[%add3A, %dma_wait3A_316] : memref<32x512xi32, #tpu.memory_space<hbm>> -> memref<1x512xi32, #tpu.memory_space<hbm>>
      %dma_wait3A_318 = tpu.memref_squeeze %dma_wait3A_317 : memref<1x512xi32, #tpu.memory_space<hbm>> -> memref<512xi32, #tpu.memory_space<hbm>>
      tpu.wait_dma2 semaphore(%run_scoped3A : memref<!tpu.dma_semaphore, #tpu.memory_space<semaphore_mem>>) src(%dma_wait3A_318 : memref<512xi32, #tpu.memory_space<hbm>>) dst(%arg5 : memref<512xi32, #tpu.memory_space<vmem>>)
      tpu.yield
    }) : () -> ()
    %mul3A_3 = arith.constant 8 : i32
    %mul3A_4 = arith.muli %arg1, %mul3A_3 : i32
    %mul3A_5 = arith.constant 8 : i32
    %mul3A_6 = arith.muli %arg1, %mul3A_5 : i32
    "tpu.region"() ({
      %run_scoped3A = tpu.sem_alloc : memref<!tpu.dma_semaphore, #tpu.memory_space<semaphore_mem>>
      %dma_start3A_307 = arith.constant 0 : i32
      %dma_start3A_308 = tpu.memref_slice %arg6[%mul3A_6, %dma_start3A_307] : memref<128x4096xf32, #tpu.memory_space<vmem_shared>> -> memref<8x4096xf32, #tpu.memory_space<vmem_shared>>
      %dma_start3A_309 = arith.constant 0 : i32
      %dma_start3A_310 = tpu.memref_slice %arg3[%mul3A_4, %dma_start3A_309] : memref<128x4096xf32, #tpu.memory_space<hbm>> -> memref<8x4096xf32, #tpu.memory_space<hbm>>
      tpu.enqueue_dma source(%dma_start3A_310 : memref<8x4096xf32, #tpu.memory_space<hbm>>) target(%dma_start3A_308 : memref<8x4096xf32, #tpu.memory_space<vmem_shared>>) target_semaphore(%run_scoped3A : memref<!tpu.dma_semaphore, #tpu.memory_space<semaphore_mem>>)
      %dma_wait3A_311 = arith.constant 0 : i32
      %dma_wait3A_312 = tpu.memref_slice %arg6[%mul3A_6, %dma_wait3A_311] : memref<128x4096xf32, #tpu.memory_space<vmem_shared>> -> memref<8x4096xf32, #tpu.memory_space<vmem_shared>>
      %dma_wait3A_313 = arith.constant 0 : i32
      %dma_wait3A_314 = tpu.memref_slice %arg3[%mul3A_4, %dma_wait3A_313] : memref<128x4096xf32, #tpu.memory_space<hbm>> -> memref<8x4096xf32, #tpu.memory_space<hbm>>
      tpu.wait_dma2 semaphore(%run_scoped3A : memref<!tpu.dma_semaphore, #tpu.memory_space<semaphore_mem>>) src(%dma_wait3A_314 : memref<8x4096xf32, #tpu.memory_space<hbm>>) dst(%dma_wait3A_312 : memref<8x4096xf32, #tpu.memory_space<vmem_shared>>)
      tpu.yield
    }) : () -> ()
    %barrier3A = arith.constant 0 : index
    tpu.barrier barrier_id(%barrier3A)
    %get3A = arith.constant 0 : index
    %get3A_7 = tpu.vector_load %arg5[%get3A] {strides = array<i32>} : memref<512xi32, #tpu.memory_space<vmem>>, vector<16xi32>,
    %get3A_8 = vector.shape_cast %get3A_7 : vector<16xi32> to vector<16xi32>
    %slice3A = vector.extract_strided_slice %get3A_8 {offsets = [0], sizes = [1], strides = [1]} : vector<16xi32> to vector<1xi32>
    %squeeze3A = vector.extract %slice3A[0] : i32 from vector<1xi32>
    %dma_start3A = arith.constant 0 : i32
    %dma_start3A_9 = arith.constant 0 : i32
    %dma_start3A_10 = tpu.memref_slice %arg7[%dma_start3A, %dma_start3A_9] : memref<8x4096xf32, #tpu.memory_space<vmem>> -> memref<1x4096xf32, #tpu.memory_space<vmem>>
    %dma_start3A_11 = arith.constant 0 : i32
    %dma_start3A_12 = tpu.memref_slice %arg6[%squeeze3A, %dma_start3A_11] : memref<128x4096xf32, #tpu.memory_space<vmem_shared>> -> memref<1x4096xf32, #tpu.memory_space<vmem_shared>>
    %dma_start3A_13 = arith.constant 0 : i32
    %dma_start3A_14 = arith.constant 0 : i32
    %dma_start3A_15 = tpu.memref_slice %arg7[%dma_start3A_13, %dma_start3A_14] : memref<8x4096xf32, #tpu.memory_space<vmem>> -> memref<1x4096xf32, #tpu.memory_space<vmem>>
    %dma_start3A_16 = arith.constant 0 : i32
    %dma_start3A_17 = tpu.memref_slice %arg6[%squeeze3A, %dma_start3A_16] : memref<128x4096xf32, #tpu.memory_space<vmem_shared>> -> memref<1x4096xf32, #tpu.memory_space<vmem_shared>>
    tpu.enqueue_dma source(%dma_start3A_17 : memref<1x4096xf32, #tpu.memory_space<vmem_shared>>) target(%dma_start3A_15 : memref<1x4096xf32, #tpu.memory_space<vmem>>) target_semaphore(%arg10 : memref<!tpu.dma_semaphore, #tpu.memory_space<semaphore_mem>>)
    %slice3A_18 = vector.extract_strided_slice %get3A_8 {offsets = [1], sizes = [1], strides = [1]} : vector<16xi32> to vector<1xi32>
    %squeeze3A_19 = vector.extract %slice3A_18[0] : i32 from vector<1xi32>
    %dma_start3A_20 = arith.constant 1 : i32
    %dma_start3A_21 = arith.constant 0 : i32
    %dma_start3A_22 = tpu.memref_slice %arg7[%dma_start3A_20, %dma_start3A_21] : memref<8x4096xf32, #tpu.memory_space<vmem>> -> memref<1x4096xf32, #tpu.memory_space<vmem>>
    %dma_start3A_23 = arith.constant 0 : i32
    %dma_start3A_24 = tpu.memref_slice %arg6[%squeeze3A_19, %dma_start3A_23] : memref<128x4096xf32, #tpu.memory_space<vmem_shared>> -> memref<1x4096xf32, #tpu.memory_space<vmem_shared>>
    %dma_start3A_25 = arith.constant 1 : i32
    %dma_start3A_26 = arith.constant 0 : i32
    %dma_start3A_27 = tpu.memref_slice %arg7[%dma_start3A_25, %dma_start3A_26] : memref<8x4096xf32, #tpu.memory_space<vmem>> -> memref<1x4096xf32, #tpu.memory_space<vmem>>
    %dma_start3A_28 = arith.constant 0 : i32
    %dma_start3A_29 = tpu.memref_slice %arg6[%squeeze3A_19, %dma_start3A_28] : memref<128x4096xf32, #tpu.memory_space<vmem_shared>> -> memref<1x4096xf32, #tpu.memory_space<vmem_shared>>
    tpu.enqueue_dma source(%dma_start3A_29 : memref<1x4096xf32, #tpu.memory_space<vmem_shared>>) target(%dma_start3A_27 : memref<1x4096xf32, #tpu.memory_space<vmem>>) target_semaphore(%arg10 : memref<!tpu.dma_semaphore, #tpu.memory_space<semaphore_mem>>)
    %slice3A_30 = vector.extract_strided_slice %get3A_8 {offsets = [2], sizes = [1], strides = [1]} : vector<16xi32> to vector<1xi32>
    %squeeze3A_31 = vector.extract %slice3A_30[0] : i32 from vector<1xi32>
    %dma_start3A_32 = arith.constant 2 : i32
    %dma_start3A_33 = arith.constant 0 : i32
    %dma_start3A_34 = tpu.memref_slice %arg7[%dma_start3A_32, %dma_start3A_33] : memref<8x4096xf32, #tpu.memory_space<vmem>> -> memref<1x4096xf32, #tpu.memory_space<vmem>>
    %dma_start3A_35 = arith.constant 0 : i32
    %dma_start3A_36 = tpu.memref_slice %arg6[%squeeze3A_31, %dma_start3A_35] : memref<128x4096xf32, #tpu.memory_space<vmem_shared>> -> memref<1x4096xf32, #tpu.memory_space<vmem_shared>>
    %dma_start3A_37 = arith.constant 2 : i32
    %dma_start3A_38 = arith.constant 0 : i32
    %dma_start3A_39 = tpu.memref_slice %arg7[%dma_start3A_37, %dma_start3A_38] : memref<8x4096xf32, #tpu.memory_space<vmem>> -> memref<1x4096xf32, #tpu.memory_space<vmem>>
    %dma_start3A_40 = arith.constant 0 : i32
    %dma_start3A_41 = tpu.memref_slice %arg6[%squeeze3A_31, %dma_start3A_40] : memref<128x4096xf32, #tpu.memory_space<vmem_shared>> -> memref<1x4096xf32, #tpu.memory_space<vmem_shared>>
    tpu.enqueue_dma source(%dma_start3A_41 : memref<1x4096xf32, #tpu.memory_space<vmem_shared>>) target(%dma_start3A_39 : memref<1x4096xf32, #tpu.memory_space<vmem>>) target_semaphore(%arg10 : memref<!tpu.dma_semaphore, #tpu.memory_space<semaphore_mem>>)
    %slice3A_42 = vector.extract_strided_slice %get3A_8 {offsets = [3], sizes = [1], strides = [1]} : vector<16xi32> to vector<1xi32>
    %squeeze3A_43 = vector.extract %slice3A_42[0] : i32 from vector<1xi32>
    %dma_start3A_44 = arith.constant 3 : i32
    %dma_start3A_45 = arith.constant 0 : i32
    %dma_start3A_46 = tpu.memref_slice %arg7[%dma_start3A_44, %dma_start3A_45] : memref<8x4096xf32, #tpu.memory_space<vmem>> -> memref<1x4096xf32, #tpu.memory_space<vmem>>
    %dma_start3A_47 = arith.constant 0 : i32
    %dma_start3A_48 = tpu.memref_slice %arg6[%squeeze3A_43, %dma_start3A_47] : memref<128x4096xf32, #tpu.memory_space<vmem_shared>> -> memref<1x4096xf32, #tpu.memory_space<vmem_shared>>
    %dma_start3A_49 = arith.constant 3 : i32
    %dma_start3A_50 = arith.constant 0 : i32
    %dma_start3A_51 = tpu.memref_slice %arg7[%dma_start3A_49, %dma_start3A_50] : memref<8x4096xf32, #tpu.memory_space<vmem>> -> memref<1x4096xf32, #tpu.memory_space<vmem>>
    %dma_start3A_52 = arith.constant 0 : i32
    %dma_start3A_53 = tpu.memref_slice %arg6[%squeeze3A_43, %dma_start3A_52] : memref<128x4096xf32, #tpu.memory_space<vmem_shared>> -> memref<1x4096xf32, #tpu.memory_space<vmem_shared>>
    tpu.enqueue_dma source(%dma_start3A_53 : memref<1x4096xf32, #tpu.memory_space<vmem_shared>>) target(%dma_start3A_51 : memref<1x4096xf32, #tpu.memory_space<vmem>>) target_semaphore(%arg10 : memref<!tpu.dma_semaphore, #tpu.memory_space<semaphore_mem>>)
    %slice3A_54 = vector.extract_strided_slice %get3A_8 {offsets = [4], sizes = [1], strides = [1]} : vector<16xi32> to vector<1xi32>
    %squeeze3A_55 = vector.extract %slice3A_54[0] : i32 from vector<1xi32>
    %dma_start3A_56 = arith.constant 4 : i32
    %dma_start3A_57 = arith.constant 0 : i32
    %dma_start3A_58 = tpu.memref_slice %arg7[%dma_start3A_56, %dma_start3A_57] : memref<8x4096xf32, #tpu.memory_space<vmem>> -> memref<1x4096xf32, #tpu.memory_space<vmem>>
    %dma_start3A_59 = arith.constant 0 : i32
    %dma_start3A_60 = tpu.memref_slice %arg6[%squeeze3A_55, %dma_start3A_59] : memref<128x4096xf32, #tpu.memory_space<vmem_shared>> -> memref<1x4096xf32, #tpu.memory_space<vmem_shared>>
    %dma_start3A_61 = arith.constant 4 : i32
    %dma_start3A_62 = arith.constant 0 : i32
    %dma_start3A_63 = tpu.memref_slice %arg7[%dma_start3A_61, %dma_start3A_62] : memref<8x4096xf32, #tpu.memory_space<vmem>> -> memref<1x4096xf32, #tpu.memory_space<vmem>>
    %dma_start3A_64 = arith.constant 0 : i32
    %dma_start3A_65 = tpu.memref_slice %arg6[%squeeze3A_55, %dma_start3A_64] : memref<128x4096xf32, #tpu.memory_space<vmem_shared>> -> memref<1x4096xf32, #tpu.memory_space<vmem_shared>>
    tpu.enqueue_dma source(%dma_start3A_65 : memref<1x4096xf32, #tpu.memory_space<vmem_shared>>) target(%dma_start3A_63 : memref<1x4096xf32, #tpu.memory_space<vmem>>) target_semaphore(%arg10 : memref<!tpu.dma_semaphore, #tpu.memory_space<semaphore_mem>>)
    %slice3A_66 = vector.extract_strided_slice %get3A_8 {offsets = [5], sizes = [1], strides = [1]} : vector<16xi32> to vector<1xi32>
    %squeeze3A_67 = vector.extract %slice3A_66[0] : i32 from vector<1xi32>
    %dma_start3A_68 = arith.constant 5 : i32
    %dma_start3A_69 = arith.constant 0 : i32
    %dma_start3A_70 = tpu.memref_slice %arg7[%dma_start3A_68, %dma_start3A_69] : memref<8x4096xf32, #tpu.memory_space<vmem>> -> memref<1x4096xf32, #tpu.memory_space<vmem>>
    %dma_start3A_71 = arith.constant 0 : i32
    %dma_start3A_72 = tpu.memref_slice %arg6[%squeeze3A_67, %dma_start3A_71] : memref<128x4096xf32, #tpu.memory_space<vmem_shared>> -> memref<1x4096xf32, #tpu.memory_space<vmem_shared>>
    %dma_start3A_73 = arith.constant 5 : i32
    %dma_start3A_74 = arith.constant 0 : i32
    %dma_start3A_75 = tpu.memref_slice %arg7[%dma_start3A_73, %dma_start3A_74] : memref<8x4096xf32, #tpu.memory_space<vmem>> -> memref<1x4096xf32, #tpu.memory_space<vmem>>
    %dma_start3A_76 = arith.constant 0 : i32
    %dma_start3A_77 = tpu.memref_slice %arg6[%squeeze3A_67, %dma_start3A_76] : memref<128x4096xf32, #tpu.memory_space<vmem_shared>> -> memref<1x4096xf32, #tpu.memory_space<vmem_shared>>
    tpu.enqueue_dma source(%dma_start3A_77 : memref<1x4096xf32, #tpu.memory_space<vmem_shared>>) target(%dma_start3A_75 : memref<1x4096xf32, #tpu.memory_space<vmem>>) target_semaphore(%arg10 : memref<!tpu.dma_semaphore, #tpu.memory_space<semaphore_mem>>)
    %slice3A_78 = vector.extract_strided_slice %get3A_8 {offsets = [6], sizes = [1], strides = [1]} : vector<16xi32> to vector<1xi32>
    %squeeze3A_79 = vector.extract %slice3A_78[0] : i32 from vector<1xi32>
    %dma_start3A_80 = arith.constant 6 : i32
    %dma_start3A_81 = arith.constant 0 : i32
    %dma_start3A_82 = tpu.memref_slice %arg7[%dma_start3A_80, %dma_start3A_81] : memref<8x4096xf32, #tpu.memory_space<vmem>> -> memref<1x4096xf32, #tpu.memory_space<vmem>>
    %dma_start3A_83 = arith.constant 0 : i32
    %dma_start3A_84 = tpu.memref_slice %arg6[%squeeze3A_79, %dma_start3A_83] : memref<128x4096xf32, #tpu.memory_space<vmem_shared>> -> memref<1x4096xf32, #tpu.memory_space<vmem_shared>>
    %dma_start3A_85 = arith.constant 6 : i32
    %dma_start3A_86 = arith.constant 0 : i32
    %dma_start3A_87 = tpu.memref_slice %arg7[%dma_start3A_85, %dma_start3A_86] : memref<8x4096xf32, #tpu.memory_space<vmem>> -> memref<1x4096xf32, #tpu.memory_space<vmem>>
    %dma_start3A_88 = arith.constant 0 : i32
    %dma_start3A_89 = tpu.memref_slice %arg6[%squeeze3A_79, %dma_start3A_88] : memref<128x4096xf32, #tpu.memory_space<vmem_shared>> -> memref<1x4096xf32, #tpu.memory_space<vmem_shared>>
    tpu.enqueue_dma source(%dma_start3A_89 : memref<1x4096xf32, #tpu.memory_space<vmem_shared>>) target(%dma_start3A_87 : memref<1x4096xf32, #tpu.memory_space<vmem>>) target_semaphore(%arg10 : memref<!tpu.dma_semaphore, #tpu.memory_space<semaphore_mem>>)
    %slice3A_90 = vector.extract_strided_slice %get3A_8 {offsets = [7], sizes = [1], strides = [1]} : vector<16xi32> to vector<1xi32>
    %squeeze3A_91 = vector.extract %slice3A_90[0] : i32 from vector<1xi32>
    %dma_start3A_92 = arith.constant 7 : i32
    %dma_start3A_93 = arith.constant 0 : i32
    %dma_start3A_94 = tpu.memref_slice %arg7[%dma_start3A_92, %dma_start3A_93] : memref<8x4096xf32, #tpu.memory_space<vmem>> -> memref<1x4096xf32, #tpu.memory_space<vmem>>
    %dma_start3A_95 = arith.constant 0 : i32
    %dma_start3A_96 = tpu.memref_slice %arg6[%squeeze3A_91, %dma_start3A_95] : memref<128x4096xf32, #tpu.memory_space<vmem_shared>> -> memref<1x4096xf32, #tpu.memory_space<vmem_shared>>
    %dma_start3A_97 = arith.constant 7 : i32
    %dma_start3A_98 = arith.constant 0 : i32
    %dma_start3A_99 = tpu.memref_slice %arg7[%dma_start3A_97, %dma_start3A_98] : memref<8x4096xf32, #tpu.memory_space<vmem>> -> memref<1x4096xf32, #tpu.memory_space<vmem>>
    %dma_start3A_100 = arith.constant 0 : i32
    %dma_start3A_101 = tpu.memref_slice %arg6[%squeeze3A_91, %dma_start3A_100] : memref<128x4096xf32, #tpu.memory_space<vmem_shared>> -> memref<1x4096xf32, #tpu.memory_space<vmem_shared>>
    tpu.enqueue_dma source(%dma_start3A_101 : memref<1x4096xf32, #tpu.memory_space<vmem_shared>>) target(%dma_start3A_99 : memref<1x4096xf32, #tpu.memory_space<vmem>>) target_semaphore(%arg10 : memref<!tpu.dma_semaphore, #tpu.memory_space<semaphore_mem>>)
    %get3A_102 = arith.constant 192 : index
    %get3A_103 = tpu.vector_load %arg5[%get3A_102] {strides = array<i32>} : memref<512xi32, #tpu.memory_space<vmem>>, vector<16xi32>,
    %get3A_104 = vector.shape_cast %get3A_103 : vector<16xi32> to vector<16xi32>
    %slice3A_105 = vector.extract_strided_slice %get3A_104 {offsets = [0], sizes = [1], strides = [1]} : vector<16xi32> to vector<1xi32>
    %squeeze3A_106 = vector.extract %slice3A_105[0] : i32 from vector<1xi32>
    %add3A_107 = arith.constant 192 : i32
    %add3A_108 = arith.addi %mul3A_2, %add3A_107 : i32
    %add3A_109 = arith.constant 0 : i32
    %add3A_110 = arith.addi %add3A_108, %add3A_109 : i32
    %add3A_111 = arith.constant 0 : i32
    %add3A_112 = arith.addi %add3A_110, %add3A_111 : i32
    %dma_start3A_113 = arith.constant 0 : i32
    %dma_start3A_114 = tpu.memref_slice %arg4[%add3A_112, %dma_start3A_113] : memref<16384x4096xf32, #tpu.memory_space<hbm>> -> memref<1x4096xf32, #tpu.memory_space<hbm>>
    %dma_start3A_115 = arith.constant 0 : i32
    %dma_start3A_116 = tpu.memref_slice %arg6[%squeeze3A_106, %dma_start3A_115] : memref<128x4096xf32, #tpu.memory_space<vmem_shared>> -> memref<1x4096xf32, #tpu.memory_space<vmem_shared>>
    tpu.enqueue_dma source(%dma_start3A_116 : memref<1x4096xf32, #tpu.memory_space<vmem_shared>>) target(%dma_start3A_114 : memref<1x4096xf32, #tpu.memory_space<hbm>>) target_semaphore(%arg9 : memref<!tpu.dma_semaphore, #tpu.memory_space<semaphore_mem>>)
    %slice3A_117 = vector.extract_strided_slice %get3A_104 {offsets = [1], sizes = [1], strides = [1]} : vector<16xi32> to vector<1xi32>
    %squeeze3A_118 = vector.extract %slice3A_117[0] : i32 from vector<1xi32>
    %add3A_119 = arith.constant 192 : i32
    %add3A_120 = arith.addi %mul3A_2, %add3A_119 : i32
    %add3A_121 = arith.constant 0 : i32
    %add3A_122 = arith.addi %add3A_120, %add3A_121 : i32
    %add3A_123 = arith.constant 1 : i32
    %add3A_124 = arith.addi %add3A_122, %add3A_123 : i32
    %dma_start3A_125 = arith.constant 0 : i32
    %dma_start3A_126 = tpu.memref_slice %arg4[%add3A_124, %dma_start3A_125] : memref<16384x4096xf32, #tpu.memory_space<hbm>> -> memref<1x4096xf32, #tpu.memory_space<hbm>>
    %dma_start3A_127 = arith.constant 0 : i32
    %dma_start3A_128 = tpu.memref_slice %arg6[%squeeze3A_118, %dma_start3A_127] : memref<128x4096xf32, #tpu.memory_space<vmem_shared>> -> memref<1x4096xf32, #tpu.memory_space<vmem_shared>>
    tpu.enqueue_dma source(%dma_start3A_128 : memref<1x4096xf32, #tpu.memory_space<vmem_shared>>) target(%dma_start3A_126 : memref<1x4096xf32, #tpu.memory_space<hbm>>) target_semaphore(%arg9 : memref<!tpu.dma_semaphore, #tpu.memory_space<semaphore_mem>>)
    %slice3A_129 = vector.extract_strided_slice %get3A_104 {offsets = [2], sizes = [1], strides = [1]} : vector<16xi32> to vector<1xi32>
    %squeeze3A_130 = vector.extract %slice3A_129[0] : i32 from vector<1xi32>
    %add3A_131 = arith.constant 192 : i32
    %add3A_132 = arith.addi %mul3A_2, %add3A_131 : i32
    %add3A_133 = arith.constant 0 : i32
    %add3A_134 = arith.addi %add3A_132, %add3A_133 : i32
    %add3A_135 = arith.constant 2 : i32
    %add3A_136 = arith.addi %add3A_134, %add3A_135 : i32
    %dma_start3A_137 = arith.constant 0 : i32
    %dma_start3A_138 = tpu.memref_slice %arg4[%add3A_136, %dma_start3A_137] : memref<16384x4096xf32, #tpu.memory_space<hbm>> -> memref<1x4096xf32, #tpu.memory_space<hbm>>
    %dma_start3A_139 = arith.constant 0 : i32
    %dma_start3A_140 = tpu.memref_slice %arg6[%squeeze3A_130, %dma_start3A_139] : memref<128x4096xf32, #tpu.memory_space<vmem_shared>> -> memref<1x4096xf32, #tpu.memory_space<vmem_shared>>
    tpu.enqueue_dma source(%dma_start3A_140 : memref<1x4096xf32, #tpu.memory_space<vmem_shared>>) target(%dma_start3A_138 : memref<1x4096xf32, #tpu.memory_space<hbm>>) target_semaphore(%arg9 : memref<!tpu.dma_semaphore, #tpu.memory_space<semaphore_mem>>)
    %slice3A_141 = vector.extract_strided_slice %get3A_104 {offsets = [3], sizes = [1], strides = [1]} : vector<16xi32> to vector<1xi32>
    %squeeze3A_142 = vector.extract %slice3A_141[0] : i32 from vector<1xi32>
    %add3A_143 = arith.constant 192 : i32
    %add3A_144 = arith.addi %mul3A_2, %add3A_143 : i32
    %add3A_145 = arith.constant 0 : i32
    %add3A_146 = arith.addi %add3A_144, %add3A_145 : i32
    %add3A_147 = arith.constant 3 : i32
    %add3A_148 = arith.addi %add3A_146, %add3A_147 : i32
    %dma_start3A_149 = arith.constant 0 : i32
    %dma_start3A_150 = tpu.memref_slice %arg4[%add3A_148, %dma_start3A_149] : memref<16384x4096xf32, #tpu.memory_space<hbm>> -> memref<1x4096xf32, #tpu.memory_space<hbm>>
    %dma_start3A_151 = arith.constant 0 : i32
    %dma_start3A_152 = tpu.memref_slice %arg6[%squeeze3A_142, %dma_start3A_151] : memref<128x4096xf32, #tpu.memory_space<vmem_shared>> -> memref<1x4096xf32, #tpu.memory_space<vmem_shared>>
    tpu.enqueue_dma source(%dma_start3A_152 : memref<1x4096xf32, #tpu.memory_space<vmem_shared>>) target(%dma_start3A_150 : memref<1x4096xf32, #tpu.memory_space<hbm>>) target_semaphore(%arg9 : memref<!tpu.dma_semaphore, #tpu.memory_space<semaphore_mem>>)
    %slice3A_153 = vector.extract_strided_slice %get3A_104 {offsets = [4], sizes = [1], strides = [1]} : vector<16xi32> to vector<1xi32>
    %squeeze3A_154 = vector.extract %slice3A_153[0] : i32 from vector<1xi32>
    %add3A_155 = arith.constant 192 : i32
    %add3A_156 = arith.addi %mul3A_2, %add3A_155 : i32
    %add3A_157 = arith.constant 0 : i32
    %add3A_158 = arith.addi %add3A_156, %add3A_157 : i32
    %add3A_159 = arith.constant 4 : i32
    %add3A_160 = arith.addi %add3A_158, %add3A_159 : i32
    %dma_start3A_161 = arith.constant 0 : i32
    %dma_start3A_162 = tpu.memref_slice %arg4[%add3A_160, %dma_start3A_161] : memref<16384x4096xf32, #tpu.memory_space<hbm>> -> memref<1x4096xf32, #tpu.memory_space<hbm>>
    %dma_start3A_163 = arith.constant 0 : i32
    %dma_start3A_164 = tpu.memref_slice %arg6[%squeeze3A_154, %dma_start3A_163] : memref<128x4096xf32, #tpu.memory_space<vmem_shared>> -> memref<1x4096xf32, #tpu.memory_space<vmem_shared>>
    tpu.enqueue_dma source(%dma_start3A_164 : memref<1x4096xf32, #tpu.memory_space<vmem_shared>>) target(%dma_start3A_162 : memref<1x4096xf32, #tpu.memory_space<hbm>>) target_semaphore(%arg9 : memref<!tpu.dma_semaphore, #tpu.memory_space<semaphore_mem>>)
    %slice3A_165 = vector.extract_strided_slice %get3A_104 {offsets = [5], sizes = [1], strides = [1]} : vector<16xi32> to vector<1xi32>
    %squeeze3A_166 = vector.extract %slice3A_165[0] : i32 from vector<1xi32>
    %add3A_167 = arith.constant 192 : i32
    %add3A_168 = arith.addi %mul3A_2, %add3A_167 : i32
    %add3A_169 = arith.constant 0 : i32
    %add3A_170 = arith.addi %add3A_168, %add3A_169 : i32
    %add3A_171 = arith.constant 5 : i32
    %add3A_172 = arith.addi %add3A_170, %add3A_171 : i32
    %dma_start3A_173 = arith.constant 0 : i32
    %dma_start3A_174 = tpu.memref_slice %arg4[%add3A_172, %dma_start3A_173] : memref<16384x4096xf32, #tpu.memory_space<hbm>> -> memref<1x4096xf32, #tpu.memory_space<hbm>>
    %dma_start3A_175 = arith.constant 0 : i32
    %dma_start3A_176 = tpu.memref_slice %arg6[%squeeze3A_166, %dma_start3A_175] : memref<128x4096xf32, #tpu.memory_space<vmem_shared>> -> memref<1x4096xf32, #tpu.memory_space<vmem_shared>>
    tpu.enqueue_dma source(%dma_start3A_176 : memref<1x4096xf32, #tpu.memory_space<vmem_shared>>) target(%dma_start3A_174 : memref<1x4096xf32, #tpu.memory_space<hbm>>) target_semaphore(%arg9 : memref<!tpu.dma_semaphore, #tpu.memory_space<semaphore_mem>>)
    %slice3A_177 = vector.extract_strided_slice %get3A_104 {offsets = [6], sizes = [1], strides = [1]} : vector<16xi32> to vector<1xi32>
    %squeeze3A_178 = vector.extract %slice3A_177[0] : i32 from vector<1xi32>
    %add3A_179 = arith.constant 192 : i32
    %add3A_180 = arith.addi %mul3A_2, %add3A_179 : i32
    %add3A_181 = arith.constant 0 : i32
    %add3A_182 = arith.addi %add3A_180, %add3A_181 : i32
    %add3A_183 = arith.constant 6 : i32
    %add3A_184 = arith.addi %add3A_182, %add3A_183 : i32
    %dma_start3A_185 = arith.constant 0 : i32
    %dma_start3A_186 = tpu.memref_slice %arg4[%add3A_184, %dma_start3A_185] : memref<16384x4096xf32, #tpu.memory_space<hbm>> -> memref<1x4096xf32, #tpu.memory_space<hbm>>
    %dma_start3A_187 = arith.constant 0 : i32
    %dma_start3A_188 = tpu.memref_slice %arg6[%squeeze3A_178, %dma_start3A_187] : memref<128x4096xf32, #tpu.memory_space<vmem_shared>> -> memref<1x4096xf32, #tpu.memory_space<vmem_shared>>
    tpu.enqueue_dma source(%dma_start3A_188 : memref<1x4096xf32, #tpu.memory_space<vmem_shared>>) target(%dma_start3A_186 : memref<1x4096xf32, #tpu.memory_space<hbm>>) target_semaphore(%arg9 : memref<!tpu.dma_semaphore, #tpu.memory_space<semaphore_mem>>)
    %slice3A_189 = vector.extract_strided_slice %get3A_104 {offsets = [7], sizes = [1], strides = [1]} : vector<16xi32> to vector<1xi32>
    %squeeze3A_190 = vector.extract %slice3A_189[0] : i32 from vector<1xi32>
    %add3A_191 = arith.constant 192 : i32
    %add3A_192 = arith.addi %mul3A_2, %add3A_191 : i32
    %add3A_193 = arith.constant 0 : i32
    %add3A_194 = arith.addi %add3A_192, %add3A_193 : i32
    %add3A_195 = arith.constant 7 : i32
    %add3A_196 = arith.addi %add3A_194, %add3A_195 : i32
    %dma_start3A_197 = arith.constant 0 : i32
    %dma_start3A_198 = tpu.memref_slice %arg4[%add3A_196, %dma_start3A_197] : memref<16384x4096xf32, #tpu.memory_space<hbm>> -> memref<1x4096xf32, #tpu.memory_space<hbm>>
    %dma_start3A_199 = arith.constant 0 : i32
    %dma_start3A_200 = tpu.memref_slice %arg6[%squeeze3A_190, %dma_start3A_199] : memref<128x4096xf32, #tpu.memory_space<vmem_shared>> -> memref<1x4096xf32, #tpu.memory_space<vmem_shared>>
    tpu.enqueue_dma source(%dma_start3A_200 : memref<1x4096xf32, #tpu.memory_space<vmem_shared>>) target(%dma_start3A_198 : memref<1x4096xf32, #tpu.memory_space<hbm>>) target_semaphore(%arg9 : memref<!tpu.dma_semaphore, #tpu.memory_space<semaphore_mem>>)
    %slice3A_201 = vector.extract_strided_slice %get3A_104 {offsets = [8], sizes = [1], strides = [1]} : vector<16xi32> to vector<1xi32>
    %squeeze3A_202 = vector.extract %slice3A_201[0] : i32 from vector<1xi32>
    %add3A_203 = arith.constant 192 : i32
    %add3A_204 = arith.addi %mul3A_2, %add3A_203 : i32
    %add3A_205 = arith.constant 0 : i32
    %add3A_206 = arith.addi %add3A_204, %add3A_205 : i32
    %add3A_207 = arith.constant 8 : i32
    %add3A_208 = arith.addi %add3A_206, %add3A_207 : i32
    %dma_start3A_209 = arith.constant 0 : i32
    %dma_start3A_210 = tpu.memref_slice %arg4[%add3A_208, %dma_start3A_209] : memref<16384x4096xf32, #tpu.memory_space<hbm>> -> memref<1x4096xf32, #tpu.memory_space<hbm>>
    %dma_start3A_211 = arith.constant 0 : i32
    %dma_start3A_212 = tpu.memref_slice %arg6[%squeeze3A_202, %dma_start3A_211] : memref<128x4096xf32, #tpu.memory_space<vmem_shared>> -> memref<1x4096xf32, #tpu.memory_space<vmem_shared>>
    tpu.enqueue_dma source(%dma_start3A_212 : memref<1x4096xf32, #tpu.memory_space<vmem_shared>>) target(%dma_start3A_210 : memref<1x4096xf32, #tpu.memory_space<hbm>>) target_semaphore(%arg9 : memref<!tpu.dma_semaphore, #tpu.memory_space<semaphore_mem>>)
    %slice3A_213 = vector.extract_strided_slice %get3A_104 {offsets = [9], sizes = [1], strides = [1]} : vector<16xi32> to vector<1xi32>
    %squeeze3A_214 = vector.extract %slice3A_213[0] : i32 from vector<1xi32>
    %add3A_215 = arith.constant 192 : i32
    %add3A_216 = arith.addi %mul3A_2, %add3A_215 : i32
    %add3A_217 = arith.constant 0 : i32
    %add3A_218 = arith.addi %add3A_216, %add3A_217 : i32
    %add3A_219 = arith.constant 9 : i32
    %add3A_220 = arith.addi %add3A_218, %add3A_219 : i32
    %dma_start3A_221 = arith.constant 0 : i32
    %dma_start3A_222 = tpu.memref_slice %arg4[%add3A_220, %dma_start3A_221] : memref<16384x4096xf32, #tpu.memory_space<hbm>> -> memref<1x4096xf32, #tpu.memory_space<hbm>>
    %dma_start3A_223 = arith.constant 0 : i32
    %dma_start3A_224 = tpu.memref_slice %arg6[%squeeze3A_214, %dma_start3A_223] : memref<128x4096xf32, #tpu.memory_space<vmem_shared>> -> memref<1x4096xf32, #tpu.memory_space<vmem_shared>>
    tpu.enqueue_dma source(%dma_start3A_224 : memref<1x4096xf32, #tpu.memory_space<vmem_shared>>) target(%dma_start3A_222 : memref<1x4096xf32, #tpu.memory_space<hbm>>) target_semaphore(%arg9 : memref<!tpu.dma_semaphore, #tpu.memory_space<semaphore_mem>>)
    %slice3A_225 = vector.extract_strided_slice %get3A_104 {offsets = [10], sizes = [1], strides = [1]} : vector<16xi32> to vector<1xi32>
    %squeeze3A_226 = vector.extract %slice3A_225[0] : i32 from vector<1xi32>
    %add3A_227 = arith.constant 192 : i32
    %add3A_228 = arith.addi %mul3A_2, %add3A_227 : i32
    %add3A_229 = arith.constant 0 : i32
    %add3A_230 = arith.addi %add3A_228, %add3A_229 : i32
    %add3A_231 = arith.constant 10 : i32
    %add3A_232 = arith.addi %add3A_230, %add3A_231 : i32
    %dma_start3A_233 = arith.constant 0 : i32
    %dma_start3A_234 = tpu.memref_slice %arg4[%add3A_232, %dma_start3A_233] : memref<16384x4096xf32, #tpu.memory_space<hbm>> -> memref<1x4096xf32, #tpu.memory_space<hbm>>
    %dma_start3A_235 = arith.constant 0 : i32
    %dma_start3A_236 = tpu.memref_slice %arg6[%squeeze3A_226, %dma_start3A_235] : memref<128x4096xf32, #tpu.memory_space<vmem_shared>> -> memref<1x4096xf32, #tpu.memory_space<vmem_shared>>
    tpu.enqueue_dma source(%dma_start3A_236 : memref<1x4096xf32, #tpu.memory_space<vmem_shared>>) target(%dma_start3A_234 : memref<1x4096xf32, #tpu.memory_space<hbm>>) target_semaphore(%arg9 : memref<!tpu.dma_semaphore, #tpu.memory_space<semaphore_mem>>)
    %slice3A_237 = vector.extract_strided_slice %get3A_104 {offsets = [11], sizes = [1], strides = [1]} : vector<16xi32> to vector<1xi32>
    %squeeze3A_238 = vector.extract %slice3A_237[0] : i32 from vector<1xi32>
    %add3A_239 = arith.constant 192 : i32
    %add3A_240 = arith.addi %mul3A_2, %add3A_239 : i32
    %add3A_241 = arith.constant 0 : i32
    %add3A_242 = arith.addi %add3A_240, %add3A_241 : i32
    %add3A_243 = arith.constant 11 : i32
    %add3A_244 = arith.addi %add3A_242, %add3A_243 : i32
    %dma_start3A_245 = arith.constant 0 : i32
    %dma_start3A_246 = tpu.memref_slice %arg4[%add3A_244, %dma_start3A_245] : memref<16384x4096xf32, #tpu.memory_space<hbm>> -> memref<1x4096xf32, #tpu.memory_space<hbm>>
    %dma_start3A_247 = arith.constant 0 : i32
    %dma_start3A_248 = tpu.memref_slice %arg6[%squeeze3A_238, %dma_start3A_247] : memref<128x4096xf32, #tpu.memory_space<vmem_shared>> -> memref<1x4096xf32, #tpu.memory_space<vmem_shared>>
    tpu.enqueue_dma source(%dma_start3A_248 : memref<1x4096xf32, #tpu.memory_space<vmem_shared>>) target(%dma_start3A_246 : memref<1x4096xf32, #tpu.memory_space<hbm>>) target_semaphore(%arg9 : memref<!tpu.dma_semaphore, #tpu.memory_space<semaphore_mem>>)
    %slice3A_249 = vector.extract_strided_slice %get3A_104 {offsets = [12], sizes = [1], strides = [1]} : vector<16xi32> to vector<1xi32>
    %squeeze3A_250 = vector.extract %slice3A_249[0] : i32 from vector<1xi32>
    %add3A_251 = arith.constant 192 : i32
    %add3A_252 = arith.addi %mul3A_2, %add3A_251 : i32
    %add3A_253 = arith.constant 0 : i32
    %add3A_254 = arith.addi %add3A_252, %add3A_253 : i32
    %add3A_255 = arith.constant 12 : i32
    %add3A_256 = arith.addi %add3A_254, %add3A_255 : i32
    %dma_start3A_257 = arith.constant 0 : i32
    %dma_start3A_258 = tpu.memref_slice %arg4[%add3A_256, %dma_start3A_257] : memref<16384x4096xf32, #tpu.memory_space<hbm>> -> memref<1x4096xf32, #tpu.memory_space<hbm>>
    %dma_start3A_259 = arith.constant 0 : i32
    %dma_start3A_260 = tpu.memref_slice %arg6[%squeeze3A_250, %dma_start3A_259] : memref<128x4096xf32, #tpu.memory_space<vmem_shared>> -> memref<1x4096xf32, #tpu.memory_space<vmem_shared>>
    tpu.enqueue_dma source(%dma_start3A_260 : memref<1x4096xf32, #tpu.memory_space<vmem_shared>>) target(%dma_start3A_258 : memref<1x4096xf32, #tpu.memory_space<hbm>>) target_semaphore(%arg9 : memref<!tpu.dma_semaphore, #tpu.memory_space<semaphore_mem>>)
    %slice3A_261 = vector.extract_strided_slice %get3A_104 {offsets = [13], sizes = [1], strides = [1]} : vector<16xi32> to vector<1xi32>
    %squeeze3A_262 = vector.extract %slice3A_261[0] : i32 from vector<1xi32>
    %add3A_263 = arith.constant 192 : i32
    %add3A_264 = arith.addi %mul3A_2, %add3A_263 : i32
    %add3A_265 = arith.constant 0 : i32
    %add3A_266 = arith.addi %add3A_264, %add3A_265 : i32
    %add3A_267 = arith.constant 13 : i32
    %add3A_268 = arith.addi %add3A_266, %add3A_267 : i32
    %dma_start3A_269 = arith.constant 0 : i32
    %dma_start3A_270 = tpu.memref_slice %arg4[%add3A_268, %dma_start3A_269] : memref<16384x4096xf32, #tpu.memory_space<hbm>> -> memref<1x4096xf32, #tpu.memory_space<hbm>>
    %dma_start3A_271 = arith.constant 0 : i32
    %dma_start3A_272 = tpu.memref_slice %arg6[%squeeze3A_262, %dma_start3A_271] : memref<128x4096xf32, #tpu.memory_space<vmem_shared>> -> memref<1x4096xf32, #tpu.memory_space<vmem_shared>>
    tpu.enqueue_dma source(%dma_start3A_272 : memref<1x4096xf32, #tpu.memory_space<vmem_shared>>) target(%dma_start3A_270 : memref<1x4096xf32, #tpu.memory_space<hbm>>) target_semaphore(%arg9 : memref<!tpu.dma_semaphore, #tpu.memory_space<semaphore_mem>>)
    %slice3A_273 = vector.extract_strided_slice %get3A_104 {offsets = [14], sizes = [1], strides = [1]} : vector<16xi32> to vector<1xi32>
    %squeeze3A_274 = vector.extract %slice3A_273[0] : i32 from vector<1xi32>
    %add3A_275 = arith.constant 192 : i32
    %add3A_276 = arith.addi %mul3A_2, %add3A_275 : i32
    %add3A_277 = arith.constant 0 : i32
    %add3A_278 = arith.addi %add3A_276, %add3A_277 : i32
    %add3A_279 = arith.constant 14 : i32
    %add3A_280 = arith.addi %add3A_278, %add3A_279 : i32
    %dma_start3A_281 = arith.constant 0 : i32
    %dma_start3A_282 = tpu.memref_slice %arg4[%add3A_280, %dma_start3A_281] : memref<16384x4096xf32, #tpu.memory_space<hbm>> -> memref<1x4096xf32, #tpu.memory_space<hbm>>
    %dma_start3A_283 = arith.constant 0 : i32
    %dma_start3A_284 = tpu.memref_slice %arg6[%squeeze3A_274, %dma_start3A_283] : memref<128x4096xf32, #tpu.memory_space<vmem_shared>> -> memref<1x4096xf32, #tpu.memory_space<vmem_shared>>
    tpu.enqueue_dma source(%dma_start3A_284 : memref<1x4096xf32, #tpu.memory_space<vmem_shared>>) target(%dma_start3A_282 : memref<1x4096xf32, #tpu.memory_space<hbm>>) target_semaphore(%arg9 : memref<!tpu.dma_semaphore, #tpu.memory_space<semaphore_mem>>)
    %slice3A_285 = vector.extract_strided_slice %get3A_104 {offsets = [15], sizes = [1], strides = [1]} : vector<16xi32> to vector<1xi32>
    %squeeze3A_286 = vector.extract %slice3A_285[0] : i32 from vector<1xi32>
    %add3A_287 = arith.constant 192 : i32
    %add3A_288 = arith.addi %mul3A_2, %add3A_287 : i32
    %add3A_289 = arith.constant 0 : i32
    %add3A_290 = arith.addi %add3A_288, %add3A_289 : i32
    %add3A_291 = arith.constant 15 : i32
    %add3A_292 = arith.addi %add3A_290, %add3A_291 : i32
    %dma_start3A_293 = arith.constant 0 : i32
    %dma_start3A_294 = tpu.memref_slice %arg4[%add3A_292, %dma_start3A_293] : memref<16384x4096xf32, #tpu.memory_space<hbm>> -> memref<1x4096xf32, #tpu.memory_space<hbm>>
    %dma_start3A_295 = arith.constant 0 : i32
    %dma_start3A_296 = tpu.memref_slice %arg6[%squeeze3A_286, %dma_start3A_295] : memref<128x4096xf32, #tpu.memory_space<vmem_shared>> -> memref<1x4096xf32, #tpu.memory_space<vmem_shared>>
    tpu.enqueue_dma source(%dma_start3A_296 : memref<1x4096xf32, #tpu.memory_space<vmem_shared>>) target(%dma_start3A_294 : memref<1x4096xf32, #tpu.memory_space<hbm>>) target_semaphore(%arg9 : memref<!tpu.dma_semaphore, #tpu.memory_space<semaphore_mem>>)
    %scan3A = arith.constant 0 : i32
    %scan3A_297 = arith.constant 0 : i32
    %scan3A_298 = arith.constant 12 : i32
    %scan3A_299 = arith.addi %scan3A_297, %scan3A_298 : i32
    %scan3A_300 = arith.constant 1 : i32
    scf.for %scan3A_307 = %scan3A_297 to %scan3A_299 step %scan3A_300  : i32 {
      %mul3A_308 = arith.constant 2 : i32
      %mul3A_309 = arith.muli %mul3A_308, %scan3A_307 : i32
      %add3A_310 = arith.constant 1 : i32
      %add3A_311 = arith.addi %mul3A_309, %add3A_310 : i32
      %ge3A = arith.constant 1 : i32
      %ge3A_312 = arith.cmpi sge, %scan3A_307, %ge3A : i32
      %convert_element_type3A = arith.extui %ge3A_312 : i1 to i32
      %cond3A = arith.constant 0 : i32
      %cond3A_313 = arith.cmpi ne, %convert_element_type3A, %cond3A : i32
      scf.if %cond3A_313 {
        %sub3A = arith.constant 2 : i32
        %sub3A_655 = arith.subi %add3A_311, %sub3A : i32
        %mul3A_656 = arith.constant 8 : i32
        %mul3A_657 = arith.muli %sub3A_655, %mul3A_656 : i32
        %add3A_658 = arith.addi %mul3A_2, %mul3A_657 : i32
        %dma_wait3A_659 = arith.constant 0 : i32
        %dma_wait3A_660 = tpu.memref_slice %arg4[%add3A_658, %dma_wait3A_659] : memref<16384x4096xf32, #tpu.memory_space<hbm>> -> memref<8x4096xf32, #tpu.memory_space<hbm>>
        %dma_wait3A_661 = arith.constant 0 : i32
        %dma_wait3A_662 = tpu.memref_slice %arg4[%add3A_658, %dma_wait3A_661] : memref<16384x4096xf32, #tpu.memory_space<hbm>> -> memref<8x4096xf32, #tpu.memory_space<hbm>>
        tpu.wait_dma2 semaphore(%arg13 : memref<!tpu.dma_semaphore, #tpu.memory_space<semaphore_mem>>) src(%arg8 : memref<8x4096xf32, #tpu.memory_space<vmem>>) dst(%dma_wait3A_662 : memref<8x4096xf32, #tpu.memory_space<hbm>>)
      } else {
      }
      %mul3A_314 = arith.constant 8 : i32
      %mul3A_315 = arith.muli %add3A_311, %mul3A_314 : i32
      %get3A_316 = arith.index_cast %mul3A_315 : i32 to index
      %get3A_317 = tpu.vector_load %arg5[%get3A_316] {strides = array<i32>} : memref<512xi32, #tpu.memory_space<vmem>>, vector<16xi32>,
      %get3A_318 = vector.shape_cast %get3A_317 : vector<16xi32> to vector<16xi32>
      %slice3A_319 = vector.extract_strided_slice %get3A_318 {offsets = [0], sizes = [1], strides = [1]} : vector<16xi32> to vector<1xi32>
      %squeeze3A_320 = vector.extract %slice3A_319[0] : i32 from vector<1xi32>
      %dma_start3A_321 = arith.constant 0 : i32
      %dma_start3A_322 = arith.constant 0 : i32
      %dma_start3A_323 = tpu.memref_slice %arg8[%dma_start3A_321, %dma_start3A_322] : memref<8x4096xf32, #tpu.memory_space<vmem>> -> memref<1x4096xf32, #tpu.memory_space<vmem>>
      %dma_start3A_324 = arith.constant 0 : i32
      %dma_start3A_325 = tpu.memref_slice %arg6[%squeeze3A_320, %dma_start3A_324] : memref<128x4096xf32, #tpu.memory_space<vmem_shared>> -> memref<1x4096xf32, #tpu.memory_space<vmem_shared>>
      %dma_start3A_326 = arith.constant 0 : i32
      %dma_start3A_327 = arith.constant 0 : i32
      %dma_start3A_328 = tpu.memref_slice %arg8[%dma_start3A_326, %dma_start3A_327] : memref<8x4096xf32, #tpu.memory_space<vmem>> -> memref<1x4096xf32, #tpu.memory_space<vmem>>
      %dma_start3A_329 = arith.constant 0 : i32
      %dma_start3A_330 = tpu.memref_slice %arg6[%squeeze3A_320, %dma_start3A_329] : memref<128x4096xf32, #tpu.memory_space<vmem_shared>> -> memref<1x4096xf32, #tpu.memory_space<vmem_shared>>
      tpu.enqueue_dma source(%dma_start3A_330 : memref<1x4096xf32, #tpu.memory_space<vmem_shared>>) target(%dma_start3A_328 : memref<1x4096xf32, #tpu.memory_space<vmem>>) target_semaphore(%arg11 : memref<!tpu.dma_semaphore, #tpu.memory_space<semaphore_mem>>)
      %slice3A_331 = vector.extract_strided_slice %get3A_318 {offsets = [1], sizes = [1], strides = [1]} : vector<16xi32> to vector<1xi32>
      %squeeze3A_332 = vector.extract %slice3A_331[0] : i32 from vector<1xi32>
      %dma_start3A_333 = arith.constant 1 : i32
      %dma_start3A_334 = arith.constant 0 : i32
      %dma_start3A_335 = tpu.memref_slice %arg8[%dma_start3A_333, %dma_start3A_334] : memref<8x4096xf32, #tpu.memory_space<vmem>> -> memref<1x4096xf32, #tpu.memory_space<vmem>>
      %dma_start3A_336 = arith.constant 0 : i32
      %dma_start3A_337 = tpu.memref_slice %arg6[%squeeze3A_332, %dma_start3A_336] : memref<128x4096xf32, #tpu.memory_space<vmem_shared>> -> memref<1x4096xf32, #tpu.memory_space<vmem_shared>>
      %dma_start3A_338 = arith.constant 1 : i32
      %dma_start3A_339 = arith.constant 0 : i32
      %dma_start3A_340 = tpu.memref_slice %arg8[%dma_start3A_338, %dma_start3A_339] : memref<8x4096xf32, #tpu.memory_space<vmem>> -> memref<1x4096xf32, #tpu.memory_space<vmem>>
      %dma_start3A_341 = arith.constant 0 : i32
      %dma_start3A_342 = tpu.memref_slice %arg6[%squeeze3A_332, %dma_start3A_341] : memref<128x4096xf32, #tpu.memory_space<vmem_shared>> -> memref<1x4096xf32, #tpu.memory_space<vmem_shared>>
      tpu.enqueue_dma source(%dma_start3A_342 : memref<1x4096xf32, #tpu.memory_space<vmem_shared>>) target(%dma_start3A_340 : memref<1x4096xf32, #tpu.memory_space<vmem>>) target_semaphore(%arg11 : memref<!tpu.dma_semaphore, #tpu.memory_space<semaphore_mem>>)
      %slice3A_343 = vector.extract_strided_slice %get3A_318 {offsets = [2], sizes = [1], strides = [1]} : vector<16xi32> to vector<1xi32>
      %squeeze3A_344 = vector.extract %slice3A_343[0] : i32 from vector<1xi32>
      %dma_start3A_345 = arith.constant 2 : i32
      %dma_start3A_346 = arith.constant 0 : i32
      %dma_start3A_347 = tpu.memref_slice %arg8[%dma_start3A_345, %dma_start3A_346] : memref<8x4096xf32, #tpu.memory_space<vmem>> -> memref<1x4096xf32, #tpu.memory_space<vmem>>
      %dma_start3A_348 = arith.constant 0 : i32
      %dma_start3A_349 = tpu.memref_slice %arg6[%squeeze3A_344, %dma_start3A_348] : memref<128x4096xf32, #tpu.memory_space<vmem_shared>> -> memref<1x4096xf32, #tpu.memory_space<vmem_shared>>
      %dma_start3A_350 = arith.constant 2 : i32
      %dma_start3A_351 = arith.constant 0 : i32
      %dma_start3A_352 = tpu.memref_slice %arg8[%dma_start3A_350, %dma_start3A_351] : memref<8x4096xf32, #tpu.memory_space<vmem>> -> memref<1x4096xf32, #tpu.memory_space<vmem>>
      %dma_start3A_353 = arith.constant 0 : i32
      %dma_start3A_354 = tpu.memref_slice %arg6[%squeeze3A_344, %dma_start3A_353] : memref<128x4096xf32, #tpu.memory_space<vmem_shared>> -> memref<1x4096xf32, #tpu.memory_space<vmem_shared>>
      tpu.enqueue_dma source(%dma_start3A_354 : memref<1x4096xf32, #tpu.memory_space<vmem_shared>>) target(%dma_start3A_352 : memref<1x4096xf32, #tpu.memory_space<vmem>>) target_semaphore(%arg11 : memref<!tpu.dma_semaphore, #tpu.memory_space<semaphore_mem>>)
      %slice3A_355 = vector.extract_strided_slice %get3A_318 {offsets = [3], sizes = [1], strides = [1]} : vector<16xi32> to vector<1xi32>
      %squeeze3A_356 = vector.extract %slice3A_355[0] : i32 from vector<1xi32>
      %dma_start3A_357 = arith.constant 3 : i32
      %dma_start3A_358 = arith.constant 0 : i32
      %dma_start3A_359 = tpu.memref_slice %arg8[%dma_start3A_357, %dma_start3A_358] : memref<8x4096xf32, #tpu.memory_space<vmem>> -> memref<1x4096xf32, #tpu.memory_space<vmem>>
      %dma_start3A_360 = arith.constant 0 : i32
      %dma_start3A_361 = tpu.memref_slice %arg6[%squeeze3A_356, %dma_start3A_360] : memref<128x4096xf32, #tpu.memory_space<vmem_shared>> -> memref<1x4096xf32, #tpu.memory_space<vmem_shared>>
      %dma_start3A_362 = arith.constant 3 : i32
      %dma_start3A_363 = arith.constant 0 : i32
      %dma_start3A_364 = tpu.memref_slice %arg8[%dma_start3A_362, %dma_start3A_363] : memref<8x4096xf32, #tpu.memory_space<vmem>> -> memref<1x4096xf32, #tpu.memory_space<vmem>>
      %dma_start3A_365 = arith.constant 0 : i32
      %dma_start3A_366 = tpu.memref_slice %arg6[%squeeze3A_356, %dma_start3A_365] : memref<128x4096xf32, #tpu.memory_space<vmem_shared>> -> memref<1x4096xf32, #tpu.memory_space<vmem_shared>>
      tpu.enqueue_dma source(%dma_start3A_366 : memref<1x4096xf32, #tpu.memory_space<vmem_shared>>) target(%dma_start3A_364 : memref<1x4096xf32, #tpu.memory_space<vmem>>) target_semaphore(%arg11 : memref<!tpu.dma_semaphore, #tpu.memory_space<semaphore_mem>>)
      %slice3A_367 = vector.extract_strided_slice %get3A_318 {offsets = [4], sizes = [1], strides = [1]} : vector<16xi32> to vector<1xi32>
      %squeeze3A_368 = vector.extract %slice3A_367[0] : i32 from vector<1xi32>
      %dma_start3A_369 = arith.constant 4 : i32
      %dma_start3A_370 = arith.constant 0 : i32
      %dma_start3A_371 = tpu.memref_slice %arg8[%dma_start3A_369, %dma_start3A_370] : memref<8x4096xf32, #tpu.memory_space<vmem>> -> memref<1x4096xf32, #tpu.memory_space<vmem>>
      %dma_start3A_372 = arith.constant 0 : i32
      %dma_start3A_373 = tpu.memref_slice %arg6[%squeeze3A_368, %dma_start3A_372] : memref<128x4096xf32, #tpu.memory_space<vmem_shared>> -> memref<1x4096xf32, #tpu.memory_space<vmem_shared>>
      %dma_start3A_374 = arith.constant 4 : i32
      %dma_start3A_375 = arith.constant 0 : i32
      %dma_start3A_376 = tpu.memref_slice %arg8[%dma_start3A_374, %dma_start3A_375] : memref<8x4096xf32, #tpu.memory_space<vmem>> -> memref<1x4096xf32, #tpu.memory_space<vmem>>
      %dma_start3A_377 = arith.constant 0 : i32
      %dma_start3A_378 = tpu.memref_slice %arg6[%squeeze3A_368, %dma_start3A_377] : memref<128x4096xf32, #tpu.memory_space<vmem_shared>> -> memref<1x4096xf32, #tpu.memory_space<vmem_shared>>
      tpu.enqueue_dma source(%dma_start3A_378 : memref<1x4096xf32, #tpu.memory_space<vmem_shared>>) target(%dma_start3A_376 : memref<1x4096xf32, #tpu.memory_space<vmem>>) target_semaphore(%arg11 : memref<!tpu.dma_semaphore, #tpu.memory_space<semaphore_mem>>)
      %slice3A_379 = vector.extract_strided_slice %get3A_318 {offsets = [5], sizes = [1], strides = [1]} : vector<16xi32> to vector<1xi32>
      %squeeze3A_380 = vector.extract %slice3A_379[0] : i32 from vector<1xi32>
      %dma_start3A_381 = arith.constant 5 : i32
      %dma_start3A_382 = arith.constant 0 : i32
      %dma_start3A_383 = tpu.memref_slice %arg8[%dma_start3A_381, %dma_start3A_382] : memref<8x4096xf32, #tpu.memory_space<vmem>> -> memref<1x4096xf32, #tpu.memory_space<vmem>>
      %dma_start3A_384 = arith.constant 0 : i32
      %dma_start3A_385 = tpu.memref_slice %arg6[%squeeze3A_380, %dma_start3A_384] : memref<128x4096xf32, #tpu.memory_space<vmem_shared>> -> memref<1x4096xf32, #tpu.memory_space<vmem_shared>>
      %dma_start3A_386 = arith.constant 5 : i32
      %dma_start3A_387 = arith.constant 0 : i32
      %dma_start3A_388 = tpu.memref_slice %arg8[%dma_start3A_386, %dma_start3A_387] : memref<8x4096xf32, #tpu.memory_space<vmem>> -> memref<1x4096xf32, #tpu.memory_space<vmem>>
      %dma_start3A_389 = arith.constant 0 : i32
      %dma_start3A_390 = tpu.memref_slice %arg6[%squeeze3A_380, %dma_start3A_389] : memref<128x4096xf32, #tpu.memory_space<vmem_shared>> -> memref<1x4096xf32, #tpu.memory_space<vmem_shared>>
      tpu.enqueue_dma source(%dma_start3A_390 : memref<1x4096xf32, #tpu.memory_space<vmem_shared>>) target(%dma_start3A_388 : memref<1x4096xf32, #tpu.memory_space<vmem>>) target_semaphore(%arg11 : memref<!tpu.dma_semaphore, #tpu.memory_space<semaphore_mem>>)
      %slice3A_391 = vector.extract_strided_slice %get3A_318 {offsets = [6], sizes = [1], strides = [1]} : vector<16xi32> to vector<1xi32>
      %squeeze3A_392 = vector.extract %slice3A_391[0] : i32 from vector<1xi32>
      %dma_start3A_393 = arith.constant 6 : i32
      %dma_start3A_394 = arith.constant 0 : i32
      %dma_start3A_395 = tpu.memref_slice %arg8[%dma_start3A_393, %dma_start3A_394] : memref<8x4096xf32, #tpu.memory_space<vmem>> -> memref<1x4096xf32, #tpu.memory_space<vmem>>
      %dma_start3A_396 = arith.constant 0 : i32
      %dma_start3A_397 = tpu.memref_slice %arg6[%squeeze3A_392, %dma_start3A_396] : memref<128x4096xf32, #tpu.memory_space<vmem_shared>> -> memref<1x4096xf32, #tpu.memory_space<vmem_shared>>
      %dma_start3A_398 = arith.constant 6 : i32
      %dma_start3A_399 = arith.constant 0 : i32
      %dma_start3A_400 = tpu.memref_slice %arg8[%dma_start3A_398, %dma_start3A_399] : memref<8x4096xf32, #tpu.memory_space<vmem>> -> memref<1x4096xf32, #tpu.memory_space<vmem>>
      %dma_start3A_401 = arith.constant 0 : i32
      %dma_start3A_402 = tpu.memref_slice %arg6[%squeeze3A_392, %dma_start3A_401] : memref<128x4096xf32, #tpu.memory_space<vmem_shared>> -> memref<1x4096xf32, #tpu.memory_space<vmem_shared>>
      tpu.enqueue_dma source(%dma_start3A_402 : memref<1x4096xf32, #tpu.memory_space<vmem_shared>>) target(%dma_start3A_400 : memref<1x4096xf32, #tpu.memory_space<vmem>>) target_semaphore(%arg11 : memref<!tpu.dma_semaphore, #tpu.memory_space<semaphore_mem>>)
      %slice3A_403 = vector.extract_strided_slice %get3A_318 {offsets = [7], sizes = [1], strides = [1]} : vector<16xi32> to vector<1xi32>
      %squeeze3A_404 = vector.extract %slice3A_403[0] : i32 from vector<1xi32>
      %dma_start3A_405 = arith.constant 7 : i32
      %dma_start3A_406 = arith.constant 0 : i32
      %dma_start3A_407 = tpu.memref_slice %arg8[%dma_start3A_405, %dma_start3A_406] : memref<8x4096xf32, #tpu.memory_space<vmem>> -> memref<1x4096xf32, #tpu.memory_space<vmem>>
      %dma_start3A_408 = arith.constant 0 : i32
      %dma_start3A_409 = tpu.memref_slice %arg6[%squeeze3A_404, %dma_start3A_408] : memref<128x4096xf32, #tpu.memory_space<vmem_shared>> -> memref<1x4096xf32, #tpu.memory_space<vmem_shared>>
      %dma_start3A_410 = arith.constant 7 : i32
      %dma_start3A_411 = arith.constant 0 : i32
      %dma_start3A_412 = tpu.memref_slice %arg8[%dma_start3A_410, %dma_start3A_411] : memref<8x4096xf32, #tpu.memory_space<vmem>> -> memref<1x4096xf32, #tpu.memory_space<vmem>>
      %dma_start3A_413 = arith.constant 0 : i32
      %dma_start3A_414 = tpu.memref_slice %arg6[%squeeze3A_404, %dma_start3A_413] : memref<128x4096xf32, #tpu.memory_space<vmem_shared>> -> memref<1x4096xf32, #tpu.memory_space<vmem_shared>>
      tpu.enqueue_dma source(%dma_start3A_414 : memref<1x4096xf32, #tpu.memory_space<vmem_shared>>) target(%dma_start3A_412 : memref<1x4096xf32, #tpu.memory_space<vmem>>) target_semaphore(%arg11 : memref<!tpu.dma_semaphore, #tpu.memory_space<semaphore_mem>>)
      %le3A = arith.constant 10 : i32
      %le3A_415 = arith.cmpi sle, %scan3A_307, %le3A : i32
      %convert_element_type3A_416 = arith.extui %le3A_415 : i1 to i32
      %cond3A_417 = arith.constant 0 : i32
      %cond3A_418 = arith.cmpi ne, %convert_element_type3A_416, %cond3A_417 : i32
      scf.if %cond3A_418 {
        %dma_wait3A_655 = arith.constant 0 : i32
        %dma_wait3A_656 = tpu.memref_slice %arg4[%mul3A_2, %dma_wait3A_655] : memref<16384x4096xf32, #tpu.memory_space<hbm>> -> memref<1x4096xf32, #tpu.memory_space<hbm>>
        %dma_wait3A_657 = arith.constant 0 : i32
        %dma_wait3A_658 = arith.constant 0 : i32
        %dma_wait3A_659 = tpu.memref_slice %arg6[%dma_wait3A_657, %dma_wait3A_658] : memref<128x4096xf32, #tpu.memory_space<vmem_shared>> -> memref<1x4096xf32, #tpu.memory_space<vmem_shared>>
        tpu.wait_dma2 semaphore(%arg9 : memref<!tpu.dma_semaphore, #tpu.memory_space<semaphore_mem>>) src(%dma_wait3A_659 : memref<1x4096xf32, #tpu.memory_space<vmem_shared>>) dst(%dma_wait3A_656 : memref<1x4096xf32, #tpu.memory_space<hbm>>)
        %dma_wait3A_660 = arith.constant 0 : i32
        %dma_wait3A_661 = tpu.memref_slice %arg4[%mul3A_2, %dma_wait3A_660] : memref<16384x4096xf32, #tpu.memory_space<hbm>> -> memref<1x4096xf32, #tpu.memory_space<hbm>>
        %dma_wait3A_662 = arith.constant 0 : i32
        %dma_wait3A_663 = arith.constant 0 : i32
        %dma_wait3A_664 = tpu.memref_slice %arg6[%dma_wait3A_662, %dma_wait3A_663] : memref<128x4096xf32, #tpu.memory_space<vmem_shared>> -> memref<1x4096xf32, #tpu.memory_space<vmem_shared>>
        tpu.wait_dma2 semaphore(%arg9 : memref<!tpu.dma_semaphore, #tpu.memory_space<semaphore_mem>>) src(%dma_wait3A_664 : memref<1x4096xf32, #tpu.memory_space<vmem_shared>>) dst(%dma_wait3A_661 : memref<1x4096xf32, #tpu.memory_space<hbm>>)
        %dma_wait3A_665 = arith.constant 0 : i32
        %dma_wait3A_666 = tpu.memref_slice %arg4[%mul3A_2, %dma_wait3A_665] : memref<16384x4096xf32, #tpu.memory_space<hbm>> -> memref<1x4096xf32, #tpu.memory_space<hbm>>
        %dma_wait3A_667 = arith.constant 0 : i32
        %dma_wait3A_668 = arith.constant 0 : i32
        %dma_wait3A_669 = tpu.memref_slice %arg6[%dma_wait3A_667, %dma_wait3A_668] : memref<128x4096xf32, #tpu.memory_space<vmem_shared>> -> memref<1x4096xf32, #tpu.memory_space<vmem_shared>>
        tpu.wait_dma2 semaphore(%arg9 : memref<!tpu.dma_semaphore, #tpu.memory_space<semaphore_mem>>) src(%dma_wait3A_669 : memref<1x4096xf32, #tpu.memory_space<vmem_shared>>) dst(%dma_wait3A_666 : memref<1x4096xf32, #tpu.memory_space<hbm>>)
        %dma_wait3A_670 = arith.constant 0 : i32
        %dma_wait3A_671 = tpu.memref_slice %arg4[%mul3A_2, %dma_wait3A_670] : memref<16384x4096xf32, #tpu.memory_space<hbm>> -> memref<1x4096xf32, #tpu.memory_space<hbm>>
        %dma_wait3A_672 = arith.constant 0 : i32
        %dma_wait3A_673 = arith.constant 0 : i32
        %dma_wait3A_674 = tpu.memref_slice %arg6[%dma_wait3A_672, %dma_wait3A_673] : memref<128x4096xf32, #tpu.memory_space<vmem_shared>> -> memref<1x4096xf32, #tpu.memory_space<vmem_shared>>
        tpu.wait_dma2 semaphore(%arg9 : memref<!tpu.dma_semaphore, #tpu.memory_space<semaphore_mem>>) src(%dma_wait3A_674 : memref<1x4096xf32, #tpu.memory_space<vmem_shared>>) dst(%dma_wait3A_671 : memref<1x4096xf32, #tpu.memory_space<hbm>>)
        %dma_wait3A_675 = arith.constant 0 : i32
        %dma_wait3A_676 = tpu.memref_slice %arg4[%mul3A_2, %dma_wait3A_675] : memref<16384x4096xf32, #tpu.memory_space<hbm>> -> memref<1x4096xf32, #tpu.memory_space<hbm>>
        %dma_wait3A_677 = arith.constant 0 : i32
        %dma_wait3A_678 = arith.constant 0 : i32
        %dma_wait3A_679 = tpu.memref_slice %arg6[%dma_wait3A_677, %dma_wait3A_678] : memref<128x4096xf32, #tpu.memory_space<vmem_shared>> -> memref<1x4096xf32, #tpu.memory_space<vmem_shared>>
        tpu.wait_dma2 semaphore(%arg9 : memref<!tpu.dma_semaphore, #tpu.memory_space<semaphore_mem>>) src(%dma_wait3A_679 : memref<1x4096xf32, #tpu.memory_space<vmem_shared>>) dst(%dma_wait3A_676 : memref<1x4096xf32, #tpu.memory_space<hbm>>)
        %dma_wait3A_680 = arith.constant 0 : i32
        %dma_wait3A_681 = tpu.memref_slice %arg4[%mul3A_2, %dma_wait3A_680] : memref<16384x4096xf32, #tpu.memory_space<hbm>> -> memref<1x4096xf32, #tpu.memory_space<hbm>>
        %dma_wait3A_682 = arith.constant 0 : i32
        %dma_wait3A_683 = arith.constant 0 : i32
        %dma_wait3A_684 = tpu.memref_slice %arg6[%dma_wait3A_682, %dma_wait3A_683] : memref<128x4096xf32, #tpu.memory_space<vmem_shared>> -> memref<1x4096xf32, #tpu.memory_space<vmem_shared>>
        tpu.wait_dma2 semaphore(%arg9 : memref<!tpu.dma_semaphore, #tpu.memory_space<semaphore_mem>>) src(%dma_wait3A_684 : memref<1x4096xf32, #tpu.memory_space<vmem_shared>>) dst(%dma_wait3A_681 : memref<1x4096xf32, #tpu.memory_space<hbm>>)
        %dma_wait3A_685 = arith.constant 0 : i32
        %dma_wait3A_686 = tpu.memref_slice %arg4[%mul3A_2, %dma_wait3A_685] : memref<16384x4096xf32, #tpu.memory_space<hbm>> -> memref<1x4096xf32, #tpu.memory_space<hbm>>
        %dma_wait3A_687 = arith.constant 0 : i32
        %dma_wait3A_688 = arith.constant 0 : i32
        %dma_wait3A_689 = tpu.memref_slice %arg6[%dma_wait3A_687, %dma_wait3A_688] : memref<128x4096xf32, #tpu.memory_space<vmem_shared>> -> memref<1x4096xf32, #tpu.memory_space<vmem_shared>>
        tpu.wait_dma2 semaphore(%arg9 : memref<!tpu.dma_semaphore, #tpu.memory_space<semaphore_mem>>) src(%dma_wait3A_689 : memref<1x4096xf32, #tpu.memory_space<vmem_shared>>) dst(%dma_wait3A_686 : memref<1x4096xf32, #tpu.memory_space<hbm>>)
        %dma_wait3A_690 = arith.constant 0 : i32
        %dma_wait3A_691 = tpu.memref_slice %arg4[%mul3A_2, %dma_wait3A_690] : memref<16384x4096xf32, #tpu.memory_space<hbm>> -> memref<1x4096xf32, #tpu.memory_space<hbm>>
        %dma_wait3A_692 = arith.constant 0 : i32
        %dma_wait3A_693 = arith.constant 0 : i32
        %dma_wait3A_694 = tpu.memref_slice %arg6[%dma_wait3A_692, %dma_wait3A_693] : memref<128x4096xf32, #tpu.memory_space<vmem_shared>> -> memref<1x4096xf32, #tpu.memory_space<vmem_shared>>
        tpu.wait_dma2 semaphore(%arg9 : memref<!tpu.dma_semaphore, #tpu.memory_space<semaphore_mem>>) src(%dma_wait3A_694 : memref<1x4096xf32, #tpu.memory_space<vmem_shared>>) dst(%dma_wait3A_691 : memref<1x4096xf32, #tpu.memory_space<hbm>>)
        %dma_wait3A_695 = arith.constant 0 : i32
        %dma_wait3A_696 = tpu.memref_slice %arg4[%mul3A_2, %dma_wait3A_695] : memref<16384x4096xf32, #tpu.memory_space<hbm>> -> memref<1x4096xf32, #tpu.memory_space<hbm>>
        %dma_wait3A_697 = arith.constant 0 : i32
        %dma_wait3A_698 = arith.constant 0 : i32
        %dma_wait3A_699 = tpu.memref_slice %arg6[%dma_wait3A_697, %dma_wait3A_698] : memref<128x4096xf32, #tpu.memory_space<vmem_shared>> -> memref<1x4096xf32, #tpu.memory_space<vmem_shared>>
        tpu.wait_dma2 semaphore(%arg9 : memref<!tpu.dma_semaphore, #tpu.memory_space<semaphore_mem>>) src(%dma_wait3A_699 : memref<1x4096xf32, #tpu.memory_space<vmem_shared>>) dst(%dma_wait3A_696 : memref<1x4096xf32, #tpu.memory_space<hbm>>)
        %dma_wait3A_700 = arith.constant 0 : i32
        %dma_wait3A_701 = tpu.memref_slice %arg4[%mul3A_2, %dma_wait3A_700] : memref<16384x4096xf32, #tpu.memory_space<hbm>> -> memref<1x4096xf32, #tpu.memory_space<hbm>>
        %dma_wait3A_702 = arith.constant 0 : i32
        %dma_wait3A_703 = arith.constant 0 : i32
        %dma_wait3A_704 = tpu.memref_slice %arg6[%dma_wait3A_702, %dma_wait3A_703] : memref<128x4096xf32, #tpu.memory_space<vmem_shared>> -> memref<1x4096xf32, #tpu.memory_space<vmem_shared>>
        tpu.wait_dma2 semaphore(%arg9 : memref<!tpu.dma_semaphore, #tpu.memory_space<semaphore_mem>>) src(%dma_wait3A_704 : memref<1x4096xf32, #tpu.memory_space<vmem_shared>>) dst(%dma_wait3A_701 : memref<1x4096xf32, #tpu.memory_space<hbm>>)
        %dma_wait3A_705 = arith.constant 0 : i32
        %dma_wait3A_706 = tpu.memref_slice %arg4[%mul3A_2, %dma_wait3A_705] : memref<16384x4096xf32, #tpu.memory_space<hbm>> -> memref<1x4096xf32, #tpu.memory_space<hbm>>
        %dma_wait3A_707 = arith.constant 0 : i32
        %dma_wait3A_708 = arith.constant 0 : i32
        %dma_wait3A_709 = tpu.memref_slice %arg6[%dma_wait3A_707, %dma_wait3A_708] : memref<128x4096xf32, #tpu.memory_space<vmem_shared>> -> memref<1x4096xf32, #tpu.memory_space<vmem_shared>>
        tpu.wait_dma2 semaphore(%arg9 : memref<!tpu.dma_semaphore, #tpu.memory_space<semaphore_mem>>) src(%dma_wait3A_709 : memref<1x4096xf32, #tpu.memory_space<vmem_shared>>) dst(%dma_wait3A_706 : memref<1x4096xf32, #tpu.memory_space<hbm>>)
        %dma_wait3A_710 = arith.constant 0 : i32
        %dma_wait3A_711 = tpu.memref_slice %arg4[%mul3A_2, %dma_wait3A_710] : memref<16384x4096xf32, #tpu.memory_space<hbm>> -> memref<1x4096xf32, #tpu.memory_space<hbm>>
        %dma_wait3A_712 = arith.constant 0 : i32
        %dma_wait3A_713 = arith.constant 0 : i32
        %dma_wait3A_714 = tpu.memref_slice %arg6[%dma_wait3A_712, %dma_wait3A_713] : memref<128x4096xf32, #tpu.memory_space<vmem_shared>> -> memref<1x4096xf32, #tpu.memory_space<vmem_shared>>
        tpu.wait_dma2 semaphore(%arg9 : memref<!tpu.dma_semaphore, #tpu.memory_space<semaphore_mem>>) src(%dma_wait3A_714 : memref<1x4096xf32, #tpu.memory_space<vmem_shared>>) dst(%dma_wait3A_711 : memref<1x4096xf32, #tpu.memory_space<hbm>>)
        %dma_wait3A_715 = arith.constant 0 : i32
        %dma_wait3A_716 = tpu.memref_slice %arg4[%mul3A_2, %dma_wait3A_715] : memref<16384x4096xf32, #tpu.memory_space<hbm>> -> memref<1x4096xf32, #tpu.memory_space<hbm>>
        %dma_wait3A_717 = arith.constant 0 : i32
        %dma_wait3A_718 = arith.constant 0 : i32
        %dma_wait3A_719 = tpu.memref_slice %arg6[%dma_wait3A_717, %dma_wait3A_718] : memref<128x4096xf32, #tpu.memory_space<vmem_shared>> -> memref<1x4096xf32, #tpu.memory_space<vmem_shared>>
        tpu.wait_dma2 semaphore(%arg9 : memref<!tpu.dma_semaphore, #tpu.memory_space<semaphore_mem>>) src(%dma_wait3A_719 : memref<1x4096xf32, #tpu.memory_space<vmem_shared>>) dst(%dma_wait3A_716 : memref<1x4096xf32, #tpu.memory_space<hbm>>)
        %dma_wait3A_720 = arith.constant 0 : i32
        %dma_wait3A_721 = tpu.memref_slice %arg4[%mul3A_2, %dma_wait3A_720] : memref<16384x4096xf32, #tpu.memory_space<hbm>> -> memref<1x4096xf32, #tpu.memory_space<hbm>>
        %dma_wait3A_722 = arith.constant 0 : i32
        %dma_wait3A_723 = arith.constant 0 : i32
        %dma_wait3A_724 = tpu.memref_slice %arg6[%dma_wait3A_722, %dma_wait3A_723] : memref<128x4096xf32, #tpu.memory_space<vmem_shared>> -> memref<1x4096xf32, #tpu.memory_space<vmem_shared>>
        tpu.wait_dma2 semaphore(%arg9 : memref<!tpu.dma_semaphore, #tpu.memory_space<semaphore_mem>>) src(%dma_wait3A_724 : memref<1x4096xf32, #tpu.memory_space<vmem_shared>>) dst(%dma_wait3A_721 : memref<1x4096xf32, #tpu.memory_space<hbm>>)
        %dma_wait3A_725 = arith.constant 0 : i32
        %dma_wait3A_726 = tpu.memref_slice %arg4[%mul3A_2, %dma_wait3A_725] : memref<16384x4096xf32, #tpu.memory_space<hbm>> -> memref<1x4096xf32, #tpu.memory_space<hbm>>
        %dma_wait3A_727 = arith.constant 0 : i32
        %dma_wait3A_728 = arith.constant 0 : i32
        %dma_wait3A_729 = tpu.memref_slice %arg6[%dma_wait3A_727, %dma_wait3A_728] : memref<128x4096xf32, #tpu.memory_space<vmem_shared>> -> memref<1x4096xf32, #tpu.memory_space<vmem_shared>>
        tpu.wait_dma2 semaphore(%arg9 : memref<!tpu.dma_semaphore, #tpu.memory_space<semaphore_mem>>) src(%dma_wait3A_729 : memref<1x4096xf32, #tpu.memory_space<vmem_shared>>) dst(%dma_wait3A_726 : memref<1x4096xf32, #tpu.memory_space<hbm>>)
        %dma_wait3A_730 = arith.constant 0 : i32
        %dma_wait3A_731 = tpu.memref_slice %arg4[%mul3A_2, %dma_wait3A_730] : memref<16384x4096xf32, #tpu.memory_space<hbm>> -> memref<1x4096xf32, #tpu.memory_space<hbm>>
        %dma_wait3A_732 = arith.constant 0 : i32
        %dma_wait3A_733 = arith.constant 0 : i32
        %dma_wait3A_734 = tpu.memref_slice %arg6[%dma_wait3A_732, %dma_wait3A_733] : memref<128x4096xf32, #tpu.memory_space<vmem_shared>> -> memref<1x4096xf32, #tpu.memory_space<vmem_shared>>
        tpu.wait_dma2 semaphore(%arg9 : memref<!tpu.dma_semaphore, #tpu.memory_space<semaphore_mem>>) src(%dma_wait3A_734 : memref<1x4096xf32, #tpu.memory_space<vmem_shared>>) dst(%dma_wait3A_731 : memref<1x4096xf32, #tpu.memory_space<hbm>>)
      } else {
      }
      %dma_wait3A_419 = arith.constant 0 : i32
      %dma_wait3A_420 = arith.constant 0 : i32
      %dma_wait3A_421 = tpu.memref_slice %arg7[%dma_wait3A_419, %dma_wait3A_420] : memref<8x4096xf32, #tpu.memory_space<vmem>> -> memref<1x4096xf32, #tpu.memory_space<vmem>>
      %dma_wait3A_422 = arith.constant 0 : i32
      %dma_wait3A_423 = arith.constant 0 : i32
      %dma_wait3A_424 = tpu.memref_slice %arg6[%dma_wait3A_422, %dma_wait3A_423] : memref<128x4096xf32, #tpu.memory_space<vmem_shared>> -> memref<1x4096xf32, #tpu.memory_space<vmem_shared>>
      %dma_wait3A_425 = arith.constant 0 : i32
      %dma_wait3A_426 = arith.constant 0 : i32
      %dma_wait3A_427 = tpu.memref_slice %arg7[%dma_wait3A_425, %dma_wait3A_426] : memref<8x4096xf32, #tpu.memory_space<vmem>> -> memref<1x4096xf32, #tpu.memory_space<vmem>>
      %dma_wait3A_428 = arith.constant 0 : i32
      %dma_wait3A_429 = arith.constant 0 : i32
      %dma_wait3A_430 = tpu.memref_slice %arg6[%dma_wait3A_428, %dma_wait3A_429] : memref<128x4096xf32, #tpu.memory_space<vmem_shared>> -> memref<1x4096xf32, #tpu.memory_space<vmem_shared>>
      tpu.wait_dma2 semaphore(%arg10 : memref<!tpu.dma_semaphore, #tpu.memory_space<semaphore_mem>>) src(%dma_wait3A_430 : memref<1x4096xf32, #tpu.memory_space<vmem_shared>>) dst(%dma_wait3A_427 : memref<1x4096xf32, #tpu.memory_space<vmem>>)
      %dma_wait3A_431 = arith.constant 1 : i32
      %dma_wait3A_432 = arith.constant 0 : i32
      %dma_wait3A_433 = tpu.memref_slice %arg7[%dma_wait3A_431, %dma_wait3A_432] : memref<8x4096xf32, #tpu.memory_space<vmem>> -> memref<1x4096xf32, #tpu.memory_space<vmem>>
      %dma_wait3A_434 = arith.constant 0 : i32
      %dma_wait3A_435 = arith.constant 0 : i32
      %dma_wait3A_436 = tpu.memref_slice %arg6[%dma_wait3A_434, %dma_wait3A_435] : memref<128x4096xf32, #tpu.memory_space<vmem_shared>> -> memref<1x4096xf32, #tpu.memory_space<vmem_shared>>
      %dma_wait3A_437 = arith.constant 1 : i32
      %dma_wait3A_438 = arith.constant 0 : i32
      %dma_wait3A_439 = tpu.memref_slice %arg7[%dma_wait3A_437, %dma_wait3A_438] : memref<8x4096xf32, #tpu.memory_space<vmem>> -> memref<1x4096xf32, #tpu.memory_space<vmem>>
      %dma_wait3A_440 = arith.constant 0 : i32
      %dma_wait3A_441 = arith.constant 0 : i32
      %dma_wait3A_442 = tpu.memref_slice %arg6[%dma_wait3A_440, %dma_wait3A_441] : memref<128x4096xf32, #tpu.memory_space<vmem_shared>> -> memref<1x4096xf32, #tpu.memory_space<vmem_shared>>
      tpu.wait_dma2 semaphore(%arg10 : memref<!tpu.dma_semaphore, #tpu.memory_space<semaphore_mem>>) src(%dma_wait3A_442 : memref<1x4096xf32, #tpu.memory_space<vmem_shared>>) dst(%dma_wait3A_439 : memref<1x4096xf32, #tpu.memory_space<vmem>>)
      %dma_wait3A_443 = arith.constant 2 : i32
      %dma_wait3A_444 = arith.constant 0 : i32
      %dma_wait3A_445 = tpu.memref_slice %arg7[%dma_wait3A_443, %dma_wait3A_444] : memref<8x4096xf32, #tpu.memory_space<vmem>> -> memref<1x4096xf32, #tpu.memory_space<vmem>>
      %dma_wait3A_446 = arith.constant 0 : i32
      %dma_wait3A_447 = arith.constant 0 : i32
      %dma_wait3A_448 = tpu.memref_slice %arg6[%dma_wait3A_446, %dma_wait3A_447] : memref<128x4096xf32, #tpu.memory_space<vmem_shared>> -> memref<1x4096xf32, #tpu.memory_space<vmem_shared>>
      %dma_wait3A_449 = arith.constant 2 : i32
      %dma_wait3A_450 = arith.constant 0 : i32
      %dma_wait3A_451 = tpu.memref_slice %arg7[%dma_wait3A_449, %dma_wait3A_450] : memref<8x4096xf32, #tpu.memory_space<vmem>> -> memref<1x4096xf32, #tpu.memory_space<vmem>>
      %dma_wait3A_452 = arith.constant 0 : i32
      %dma_wait3A_453 = arith.constant 0 : i32
      %dma_wait3A_454 = tpu.memref_slice %arg6[%dma_wait3A_452, %dma_wait3A_453] : memref<128x4096xf32, #tpu.memory_space<vmem_shared>> -> memref<1x4096xf32, #tpu.memory_space<vmem_shared>>
      tpu.wait_dma2 semaphore(%arg10 : memref<!tpu.dma_semaphore, #tpu.memory_space<semaphore_mem>>) src(%dma_wait3A_454 : memref<1x4096xf32, #tpu.memory_space<vmem_shared>>) dst(%dma_wait3A_451 : memref<1x4096xf32, #tpu.memory_space<vmem>>)
      %dma_wait3A_455 = arith.constant 3 : i32
      %dma_wait3A_456 = arith.constant 0 : i32
      %dma_wait3A_457 = tpu.memref_slice %arg7[%dma_wait3A_455, %dma_wait3A_456] : memref<8x4096xf32, #tpu.memory_space<vmem>> -> memref<1x4096xf32, #tpu.memory_space<vmem>>
      %dma_wait3A_458 = arith.constant 0 : i32
      %dma_wait3A_459 = arith.constant 0 : i32
      %dma_wait3A_460 = tpu.memref_slice %arg6[%dma_wait3A_458, %dma_wait3A_459] : memref<128x4096xf32, #tpu.memory_space<vmem_shared>> -> memref<1x4096xf32, #tpu.memory_space<vmem_shared>>
      %dma_wait3A_461 = arith.constant 3 : i32
      %dma_wait3A_462 = arith.constant 0 : i32
      %dma_wait3A_463 = tpu.memref_slice %arg7[%dma_wait3A_461, %dma_wait3A_462] : memref<8x4096xf32, #tpu.memory_space<vmem>> -> memref<1x4096xf32, #tpu.memory_space<vmem>>
      %dma_wait3A_464 = arith.constant 0 : i32
      %dma_wait3A_465 = arith.constant 0 : i32
      %dma_wait3A_466 = tpu.memref_slice %arg6[%dma_wait3A_464, %dma_wait3A_465] : memref<128x4096xf32, #tpu.memory_space<vmem_shared>> -> memref<1x4096xf32, #tpu.memory_space<vmem_shared>>
      tpu.wait_dma2 semaphore(%arg10 : memref<!tpu.dma_semaphore, #tpu.memory_space<semaphore_mem>>) src(%dma_wait3A_466 : memref<1x4096xf32, #tpu.memory_space<vmem_shared>>) dst(%dma_wait3A_463 : memref<1x4096xf32, #tpu.memory_space<vmem>>)
      %dma_wait3A_467 = arith.constant 4 : i32
      %dma_wait3A_468 = arith.constant 0 : i32
      %dma_wait3A_469 = tpu.memref_slice %arg7[%dma_wait3A_467, %dma_wait3A_468] : memref<8x4096xf32, #tpu.memory_space<vmem>> -> memref<1x4096xf32, #tpu.memory_space<vmem>>
      %dma_wait3A_470 = arith.constant 0 : i32
      %dma_wait3A_471 = arith.constant 0 : i32
      %dma_wait3A_472 = tpu.memref_slice %arg6[%dma_wait3A_470, %dma_wait3A_471] : memref<128x4096xf32, #tpu.memory_space<vmem_shared>> -> memref<1x4096xf32, #tpu.memory_space<vmem_shared>>
      %dma_wait3A_473 = arith.constant 4 : i32
      %dma_wait3A_474 = arith.constant 0 : i32
      %dma_wait3A_475 = tpu.memref_slice %arg7[%dma_wait3A_473, %dma_wait3A_474] : memref<8x4096xf32, #tpu.memory_space<vmem>> -> memref<1x4096xf32, #tpu.memory_space<vmem>>
      %dma_wait3A_476 = arith.constant 0 : i32
      %dma_wait3A_477 = arith.constant 0 : i32
      %dma_wait3A_478 = tpu.memref_slice %arg6[%dma_wait3A_476, %dma_wait3A_477] : memref<128x4096xf32, #tpu.memory_space<vmem_shared>> -> memref<1x4096xf32, #tpu.memory_space<vmem_shared>>
      tpu.wait_dma2 semaphore(%arg10 : memref<!tpu.dma_semaphore, #tpu.memory_space<semaphore_mem>>) src(%dma_wait3A_478 : memref<1x4096xf32, #tpu.memory_space<vmem_shared>>) dst(%dma_wait3A_475 : memref<1x4096xf32, #tpu.memory_space<vmem>>)
      %dma_wait3A_479 = arith.constant 5 : i32
      %dma_wait3A_480 = arith.constant 0 : i32
      %dma_wait3A_481 = tpu.memref_slice %arg7[%dma_wait3A_479, %dma_wait3A_480] : memref<8x4096xf32, #tpu.memory_space<vmem>> -> memref<1x4096xf32, #tpu.memory_space<vmem>>
      %dma_wait3A_482 = arith.constant 0 : i32
      %dma_wait3A_483 = arith.constant 0 : i32
      %dma_wait3A_484 = tpu.memref_slice %arg6[%dma_wait3A_482, %dma_wait3A_483] : memref<128x4096xf32, #tpu.memory_space<vmem_shared>> -> memref<1x4096xf32, #tpu.memory_space<vmem_shared>>
      %dma_wait3A_485 = arith.constant 5 : i32
      %dma_wait3A_486 = arith.constant 0 : i32
      %dma_wait3A_487 = tpu.memref_slice %arg7[%dma_wait3A_485, %dma_wait3A_486] : memref<8x4096xf32, #tpu.memory_space<vmem>> -> memref<1x4096xf32, #tpu.memory_space<vmem>>
      %dma_wait3A_488 = arith.constant 0 : i32
      %dma_wait3A_489 = arith.constant 0 : i32
      %dma_wait3A_490 = tpu.memref_slice %arg6[%dma_wait3A_488, %dma_wait3A_489] : memref<128x4096xf32, #tpu.memory_space<vmem_shared>> -> memref<1x4096xf32, #tpu.memory_space<vmem_shared>>
      tpu.wait_dma2 semaphore(%arg10 : memref<!tpu.dma_semaphore, #tpu.memory_space<semaphore_mem>>) src(%dma_wait3A_490 : memref<1x4096xf32, #tpu.memory_space<vmem_shared>>) dst(%dma_wait3A_487 : memref<1x4096xf32, #tpu.memory_space<vmem>>)
      %dma_wait3A_491 = arith.constant 6 : i32
      %dma_wait3A_492 = arith.constant 0 : i32
      %dma_wait3A_493 = tpu.memref_slice %arg7[%dma_wait3A_491, %dma_wait3A_492] : memref<8x4096xf32, #tpu.memory_space<vmem>> -> memref<1x4096xf32, #tpu.memory_space<vmem>>
      %dma_wait3A_494 = arith.constant 0 : i32
      %dma_wait3A_495 = arith.constant 0 : i32
      %dma_wait3A_496 = tpu.memref_slice %arg6[%dma_wait3A_494, %dma_wait3A_495] : memref<128x4096xf32, #tpu.memory_space<vmem_shared>> -> memref<1x4096xf32, #tpu.memory_space<vmem_shared>>
      %dma_wait3A_497 = arith.constant 6 : i32
      %dma_wait3A_498 = arith.constant 0 : i32
      %dma_wait3A_499 = tpu.memref_slice %arg7[%dma_wait3A_497, %dma_wait3A_498] : memref<8x4096xf32, #tpu.memory_space<vmem>> -> memref<1x4096xf32, #tpu.memory_space<vmem>>
      %dma_wait3A_500 = arith.constant 0 : i32
      %dma_wait3A_501 = arith.constant 0 : i32
      %dma_wait3A_502 = tpu.memref_slice %arg6[%dma_wait3A_500, %dma_wait3A_501] : memref<128x4096xf32, #tpu.memory_space<vmem_shared>> -> memref<1x4096xf32, #tpu.memory_space<vmem_shared>>
      tpu.wait_dma2 semaphore(%arg10 : memref<!tpu.dma_semaphore, #tpu.memory_space<semaphore_mem>>) src(%dma_wait3A_502 : memref<1x4096xf32, #tpu.memory_space<vmem_shared>>) dst(%dma_wait3A_499 : memref<1x4096xf32, #tpu.memory_space<vmem>>)
      %dma_wait3A_503 = arith.constant 7 : i32
      %dma_wait3A_504 = arith.constant 0 : i32
      %dma_wait3A_505 = tpu.memref_slice %arg7[%dma_wait3A_503, %dma_wait3A_504] : memref<8x4096xf32, #tpu.memory_space<vmem>> -> memref<1x4096xf32, #tpu.memory_space<vmem>>
      %dma_wait3A_506 = arith.constant 0 : i32
      %dma_wait3A_507 = arith.constant 0 : i32
      %dma_wait3A_508 = tpu.memref_slice %arg6[%dma_wait3A_506, %dma_wait3A_507] : memref<128x4096xf32, #tpu.memory_space<vmem_shared>> -> memref<1x4096xf32, #tpu.memory_space<vmem_shared>>
      %dma_wait3A_509 = arith.constant 7 : i32
      %dma_wait3A_510 = arith.constant 0 : i32
      %dma_wait3A_511 = tpu.memref_slice %arg7[%dma_wait3A_509, %dma_wait3A_510] : memref<8x4096xf32, #tpu.memory_space<vmem>> -> memref<1x4096xf32, #tpu.memory_space<vmem>>
      %dma_wait3A_512 = arith.constant 0 : i32
      %dma_wait3A_513 = arith.constant 0 : i32
      %dma_wait3A_514 = tpu.memref_slice %arg6[%dma_wait3A_512, %dma_wait3A_513] : memref<128x4096xf32, #tpu.memory_space<vmem_shared>> -> memref<1x4096xf32, #tpu.memory_space<vmem_shared>>
      tpu.wait_dma2 semaphore(%arg10 : memref<!tpu.dma_semaphore, #tpu.memory_space<semaphore_mem>>) src(%dma_wait3A_514 : memref<1x4096xf32, #tpu.memory_space<vmem_shared>>) dst(%dma_wait3A_511 : memref<1x4096xf32, #tpu.memory_space<vmem>>)
      %mul3A_515 = arith.constant 8 : i32
      %mul3A_516 = arith.muli %mul3A_309, %mul3A_515 : i32
      %add3A_517 = arith.addi %mul3A_2, %mul3A_516 : i32
      %dma_start3A_518 = arith.constant 0 : i32
      %dma_start3A_519 = tpu.memref_slice %arg4[%add3A_517, %dma_start3A_518] : memref<16384x4096xf32, #tpu.memory_space<hbm>> -> memref<8x4096xf32, #tpu.memory_space<hbm>>
      %dma_start3A_520 = arith.constant 0 : i32
      %dma_start3A_521 = tpu.memref_slice %arg4[%add3A_517, %dma_start3A_520] : memref<16384x4096xf32, #tpu.memory_space<hbm>> -> memref<8x4096xf32, #tpu.memory_space<hbm>>
      tpu.enqueue_dma source(%arg7 : memref<8x4096xf32, #tpu.memory_space<vmem>>) target(%dma_start3A_521 : memref<8x4096xf32, #tpu.memory_space<hbm>>) target_semaphore(%arg12 : memref<!tpu.dma_semaphore, #tpu.memory_space<semaphore_mem>>)
      %le3A_522 = arith.constant 9 : i32
      %le3A_523 = arith.cmpi sle, %scan3A_307, %le3A_522 : i32
      %convert_element_type3A_524 = arith.extui %le3A_523 : i1 to i32
      %cond3A_525 = arith.constant 0 : i32
      %cond3A_526 = arith.cmpi ne, %convert_element_type3A_524, %cond3A_525 : i32
      scf.if %cond3A_526 {
        %mul3A_655 = arith.constant 2 : i32
        %mul3A_656 = arith.muli %mul3A_655, %scan3A_307 : i32
        %add3A_657 = arith.constant 1 : i32
        %add3A_658 = arith.addi %mul3A_656, %add3A_657 : i32
        %mul3A_659 = arith.constant 16 : i32
        %mul3A_660 = arith.muli %add3A_658, %mul3A_659 : i32
        %add3A_661 = arith.constant 192 : i32
        %add3A_662 = arith.addi %add3A_661, %mul3A_660 : i32
        %get3A_663 = arith.index_cast %add3A_662 : i32 to index
        %get3A_664 = tpu.vector_load %arg5[%get3A_663] {strides = array<i32>} : memref<512xi32, #tpu.memory_space<vmem>>, vector<16xi32>,
        %get3A_665 = vector.shape_cast %get3A_664 : vector<16xi32> to vector<16xi32>
        %slice3A_666 = vector.extract_strided_slice %get3A_665 {offsets = [0], sizes = [1], strides = [1]} : vector<16xi32> to vector<1xi32>
        %squeeze3A_667 = vector.extract %slice3A_666[0] : i32 from vector<1xi32>
        %add3A_668 = arith.constant 192 : i32
        %add3A_669 = arith.addi %mul3A_2, %add3A_668 : i32
        %mul3A_670 = arith.constant 16 : i32
        %mul3A_671 = arith.muli %add3A_658, %mul3A_670 : i32
        %add3A_672 = arith.addi %add3A_669, %mul3A_671 : i32
        %add3A_673 = arith.constant 0 : i32
        %add3A_674 = arith.addi %add3A_672, %add3A_673 : i32
        %dma_start3A_675 = arith.constant 0 : i32
        %dma_start3A_676 = tpu.memref_slice %arg4[%add3A_674, %dma_start3A_675] : memref<16384x4096xf32, #tpu.memory_space<hbm>> -> memref<1x4096xf32, #tpu.memory_space<hbm>>
        %dma_start3A_677 = arith.constant 0 : i32
        %dma_start3A_678 = tpu.memref_slice %arg6[%squeeze3A_667, %dma_start3A_677] : memref<128x4096xf32, #tpu.memory_space<vmem_shared>> -> memref<1x4096xf32, #tpu.memory_space<vmem_shared>>
        tpu.enqueue_dma source(%dma_start3A_678 : memref<1x4096xf32, #tpu.memory_space<vmem_shared>>) target(%dma_start3A_676 : memref<1x4096xf32, #tpu.memory_space<hbm>>) target_semaphore(%arg9 : memref<!tpu.dma_semaphore, #tpu.memory_space<semaphore_mem>>)
        %slice3A_679 = vector.extract_strided_slice %get3A_665 {offsets = [1], sizes = [1], strides = [1]} : vector<16xi32> to vector<1xi32>
        %squeeze3A_680 = vector.extract %slice3A_679[0] : i32 from vector<1xi32>
        %add3A_681 = arith.constant 192 : i32
        %add3A_682 = arith.addi %mul3A_2, %add3A_681 : i32
        %mul3A_683 = arith.constant 16 : i32
        %mul3A_684 = arith.muli %add3A_658, %mul3A_683 : i32
        %add3A_685 = arith.addi %add3A_682, %mul3A_684 : i32
        %add3A_686 = arith.constant 1 : i32
        %add3A_687 = arith.addi %add3A_685, %add3A_686 : i32
        %dma_start3A_688 = arith.constant 0 : i32
        %dma_start3A_689 = tpu.memref_slice %arg4[%add3A_687, %dma_start3A_688] : memref<16384x4096xf32, #tpu.memory_space<hbm>> -> memref<1x4096xf32, #tpu.memory_space<hbm>>
        %dma_start3A_690 = arith.constant 0 : i32
        %dma_start3A_691 = tpu.memref_slice %arg6[%squeeze3A_680, %dma_start3A_690] : memref<128x4096xf32, #tpu.memory_space<vmem_shared>> -> memref<1x4096xf32, #tpu.memory_space<vmem_shared>>
        tpu.enqueue_dma source(%dma_start3A_691 : memref<1x4096xf32, #tpu.memory_space<vmem_shared>>) target(%dma_start3A_689 : memref<1x4096xf32, #tpu.memory_space<hbm>>) target_semaphore(%arg9 : memref<!tpu.dma_semaphore, #tpu.memory_space<semaphore_mem>>)
        %slice3A_692 = vector.extract_strided_slice %get3A_665 {offsets = [2], sizes = [1], strides = [1]} : vector<16xi32> to vector<1xi32>
        %squeeze3A_693 = vector.extract %slice3A_692[0] : i32 from vector<1xi32>
        %add3A_694 = arith.constant 192 : i32
        %add3A_695 = arith.addi %mul3A_2, %add3A_694 : i32
        %mul3A_696 = arith.constant 16 : i32
        %mul3A_697 = arith.muli %add3A_658, %mul3A_696 : i32
        %add3A_698 = arith.addi %add3A_695, %mul3A_697 : i32
        %add3A_699 = arith.constant 2 : i32
        %add3A_700 = arith.addi %add3A_698, %add3A_699 : i32
        %dma_start3A_701 = arith.constant 0 : i32
        %dma_start3A_702 = tpu.memref_slice %arg4[%add3A_700, %dma_start3A_701] : memref<16384x4096xf32, #tpu.memory_space<hbm>> -> memref<1x4096xf32, #tpu.memory_space<hbm>>
        %dma_start3A_703 = arith.constant 0 : i32
        %dma_start3A_704 = tpu.memref_slice %arg6[%squeeze3A_693, %dma_start3A_703] : memref<128x4096xf32, #tpu.memory_space<vmem_shared>> -> memref<1x4096xf32, #tpu.memory_space<vmem_shared>>
        tpu.enqueue_dma source(%dma_start3A_704 : memref<1x4096xf32, #tpu.memory_space<vmem_shared>>) target(%dma_start3A_702 : memref<1x4096xf32, #tpu.memory_space<hbm>>) target_semaphore(%arg9 : memref<!tpu.dma_semaphore, #tpu.memory_space<semaphore_mem>>)
        %slice3A_705 = vector.extract_strided_slice %get3A_665 {offsets = [3], sizes = [1], strides = [1]} : vector<16xi32> to vector<1xi32>
        %squeeze3A_706 = vector.extract %slice3A_705[0] : i32 from vector<1xi32>
        %add3A_707 = arith.constant 192 : i32
        %add3A_708 = arith.addi %mul3A_2, %add3A_707 : i32
        %mul3A_709 = arith.constant 16 : i32
        %mul3A_710 = arith.muli %add3A_658, %mul3A_709 : i32
        %add3A_711 = arith.addi %add3A_708, %mul3A_710 : i32
        %add3A_712 = arith.constant 3 : i32
        %add3A_713 = arith.addi %add3A_711, %add3A_712 : i32
        %dma_start3A_714 = arith.constant 0 : i32
        %dma_start3A_715 = tpu.memref_slice %arg4[%add3A_713, %dma_start3A_714] : memref<16384x4096xf32, #tpu.memory_space<hbm>> -> memref<1x4096xf32, #tpu.memory_space<hbm>>
        %dma_start3A_716 = arith.constant 0 : i32
        %dma_start3A_717 = tpu.memref_slice %arg6[%squeeze3A_706, %dma_start3A_716] : memref<128x4096xf32, #tpu.memory_space<vmem_shared>> -> memref<1x4096xf32, #tpu.memory_space<vmem_shared>>
        tpu.enqueue_dma source(%dma_start3A_717 : memref<1x4096xf32, #tpu.memory_space<vmem_shared>>) target(%dma_start3A_715 : memref<1x4096xf32, #tpu.memory_space<hbm>>) target_semaphore(%arg9 : memref<!tpu.dma_semaphore, #tpu.memory_space<semaphore_mem>>)
        %slice3A_718 = vector.extract_strided_slice %get3A_665 {offsets = [4], sizes = [1], strides = [1]} : vector<16xi32> to vector<1xi32>
        %squeeze3A_719 = vector.extract %slice3A_718[0] : i32 from vector<1xi32>
        %add3A_720 = arith.constant 192 : i32
        %add3A_721 = arith.addi %mul3A_2, %add3A_720 : i32
        %mul3A_722 = arith.constant 16 : i32
        %mul3A_723 = arith.muli %add3A_658, %mul3A_722 : i32
        %add3A_724 = arith.addi %add3A_721, %mul3A_723 : i32
        %add3A_725 = arith.constant 4 : i32
        %add3A_726 = arith.addi %add3A_724, %add3A_725 : i32
        %dma_start3A_727 = arith.constant 0 : i32
        %dma_start3A_728 = tpu.memref_slice %arg4[%add3A_726, %dma_start3A_727] : memref<16384x4096xf32, #tpu.memory_space<hbm>> -> memref<1x4096xf32, #tpu.memory_space<hbm>>
        %dma_start3A_729 = arith.constant 0 : i32
        %dma_start3A_730 = tpu.memref_slice %arg6[%squeeze3A_719, %dma_start3A_729] : memref<128x4096xf32, #tpu.memory_space<vmem_shared>> -> memref<1x4096xf32, #tpu.memory_space<vmem_shared>>
        tpu.enqueue_dma source(%dma_start3A_730 : memref<1x4096xf32, #tpu.memory_space<vmem_shared>>) target(%dma_start3A_728 : memref<1x4096xf32, #tpu.memory_space<hbm>>) target_semaphore(%arg9 : memref<!tpu.dma_semaphore, #tpu.memory_space<semaphore_mem>>)
        %slice3A_731 = vector.extract_strided_slice %get3A_665 {offsets = [5], sizes = [1], strides = [1]} : vector<16xi32> to vector<1xi32>
        %squeeze3A_732 = vector.extract %slice3A_731[0] : i32 from vector<1xi32>
        %add3A_733 = arith.constant 192 : i32
        %add3A_734 = arith.addi %mul3A_2, %add3A_733 : i32
        %mul3A_735 = arith.constant 16 : i32
        %mul3A_736 = arith.muli %add3A_658, %mul3A_735 : i32
        %add3A_737 = arith.addi %add3A_734, %mul3A_736 : i32
        %add3A_738 = arith.constant 5 : i32
        %add3A_739 = arith.addi %add3A_737, %add3A_738 : i32
        %dma_start3A_740 = arith.constant 0 : i32
        %dma_start3A_741 = tpu.memref_slice %arg4[%add3A_739, %dma_start3A_740] : memref<16384x4096xf32, #tpu.memory_space<hbm>> -> memref<1x4096xf32, #tpu.memory_space<hbm>>
        %dma_start3A_742 = arith.constant 0 : i32
        %dma_start3A_743 = tpu.memref_slice %arg6[%squeeze3A_732, %dma_start3A_742] : memref<128x4096xf32, #tpu.memory_space<vmem_shared>> -> memref<1x4096xf32, #tpu.memory_space<vmem_shared>>
        tpu.enqueue_dma source(%dma_start3A_743 : memref<1x4096xf32, #tpu.memory_space<vmem_shared>>) target(%dma_start3A_741 : memref<1x4096xf32, #tpu.memory_space<hbm>>) target_semaphore(%arg9 : memref<!tpu.dma_semaphore, #tpu.memory_space<semaphore_mem>>)
        %slice3A_744 = vector.extract_strided_slice %get3A_665 {offsets = [6], sizes = [1], strides = [1]} : vector<16xi32> to vector<1xi32>
        %squeeze3A_745 = vector.extract %slice3A_744[0] : i32 from vector<1xi32>
        %add3A_746 = arith.constant 192 : i32
        %add3A_747 = arith.addi %mul3A_2, %add3A_746 : i32
        %mul3A_748 = arith.constant 16 : i32
        %mul3A_749 = arith.muli %add3A_658, %mul3A_748 : i32
        %add3A_750 = arith.addi %add3A_747, %mul3A_749 : i32
        %add3A_751 = arith.constant 6 : i32
        %add3A_752 = arith.addi %add3A_750, %add3A_751 : i32
        %dma_start3A_753 = arith.constant 0 : i32
        %dma_start3A_754 = tpu.memref_slice %arg4[%add3A_752, %dma_start3A_753] : memref<16384x4096xf32, #tpu.memory_space<hbm>> -> memref<1x4096xf32, #tpu.memory_space<hbm>>
        %dma_start3A_755 = arith.constant 0 : i32
        %dma_start3A_756 = tpu.memref_slice %arg6[%squeeze3A_745, %dma_start3A_755] : memref<128x4096xf32, #tpu.memory_space<vmem_shared>> -> memref<1x4096xf32, #tpu.memory_space<vmem_shared>>
        tpu.enqueue_dma source(%dma_start3A_756 : memref<1x4096xf32, #tpu.memory_space<vmem_shared>>) target(%dma_start3A_754 : memref<1x4096xf32, #tpu.memory_space<hbm>>) target_semaphore(%arg9 : memref<!tpu.dma_semaphore, #tpu.memory_space<semaphore_mem>>)
        %slice3A_757 = vector.extract_strided_slice %get3A_665 {offsets = [7], sizes = [1], strides = [1]} : vector<16xi32> to vector<1xi32>
        %squeeze3A_758 = vector.extract %slice3A_757[0] : i32 from vector<1xi32>
        %add3A_759 = arith.constant 192 : i32
        %add3A_760 = arith.addi %mul3A_2, %add3A_759 : i32
        %mul3A_761 = arith.constant 16 : i32
        %mul3A_762 = arith.muli %add3A_658, %mul3A_761 : i32
        %add3A_763 = arith.addi %add3A_760, %mul3A_762 : i32
        %add3A_764 = arith.constant 7 : i32
        %add3A_765 = arith.addi %add3A_763, %add3A_764 : i32
        %dma_start3A_766 = arith.constant 0 : i32
        %dma_start3A_767 = tpu.memref_slice %arg4[%add3A_765, %dma_start3A_766] : memref<16384x4096xf32, #tpu.memory_space<hbm>> -> memref<1x4096xf32, #tpu.memory_space<hbm>>
        %dma_start3A_768 = arith.constant 0 : i32
        %dma_start3A_769 = tpu.memref_slice %arg6[%squeeze3A_758, %dma_start3A_768] : memref<128x4096xf32, #tpu.memory_space<vmem_shared>> -> memref<1x4096xf32, #tpu.memory_space<vmem_shared>>
        tpu.enqueue_dma source(%dma_start3A_769 : memref<1x4096xf32, #tpu.memory_space<vmem_shared>>) target(%dma_start3A_767 : memref<1x4096xf32, #tpu.memory_space<hbm>>) target_semaphore(%arg9 : memref<!tpu.dma_semaphore, #tpu.memory_space<semaphore_mem>>)
        %slice3A_770 = vector.extract_strided_slice %get3A_665 {offsets = [8], sizes = [1], strides = [1]} : vector<16xi32> to vector<1xi32>
        %squeeze3A_771 = vector.extract %slice3A_770[0] : i32 from vector<1xi32>
        %add3A_772 = arith.constant 192 : i32
        %add3A_773 = arith.addi %mul3A_2, %add3A_772 : i32
        %mul3A_774 = arith.constant 16 : i32
        %mul3A_775 = arith.muli %add3A_658, %mul3A_774 : i32
        %add3A_776 = arith.addi %add3A_773, %mul3A_775 : i32
        %add3A_777 = arith.constant 8 : i32
        %add3A_778 = arith.addi %add3A_776, %add3A_777 : i32
        %dma_start3A_779 = arith.constant 0 : i32
        %dma_start3A_780 = tpu.memref_slice %arg4[%add3A_778, %dma_start3A_779] : memref<16384x4096xf32, #tpu.memory_space<hbm>> -> memref<1x4096xf32, #tpu.memory_space<hbm>>
        %dma_start3A_781 = arith.constant 0 : i32
        %dma_start3A_782 = tpu.memref_slice %arg6[%squeeze3A_771, %dma_start3A_781] : memref<128x4096xf32, #tpu.memory_space<vmem_shared>> -> memref<1x4096xf32, #tpu.memory_space<vmem_shared>>
        tpu.enqueue_dma source(%dma_start3A_782 : memref<1x4096xf32, #tpu.memory_space<vmem_shared>>) target(%dma_start3A_780 : memref<1x4096xf32, #tpu.memory_space<hbm>>) target_semaphore(%arg9 : memref<!tpu.dma_semaphore, #tpu.memory_space<semaphore_mem>>)
        %slice3A_783 = vector.extract_strided_slice %get3A_665 {offsets = [9], sizes = [1], strides = [1]} : vector<16xi32> to vector<1xi32>
        %squeeze3A_784 = vector.extract %slice3A_783[0] : i32 from vector<1xi32>
        %add3A_785 = arith.constant 192 : i32
        %add3A_786 = arith.addi %mul3A_2, %add3A_785 : i32
        %mul3A_787 = arith.constant 16 : i32
        %mul3A_788 = arith.muli %add3A_658, %mul3A_787 : i32
        %add3A_789 = arith.addi %add3A_786, %mul3A_788 : i32
        %add3A_790 = arith.constant 9 : i32
        %add3A_791 = arith.addi %add3A_789, %add3A_790 : i32
        %dma_start3A_792 = arith.constant 0 : i32
        %dma_start3A_793 = tpu.memref_slice %arg4[%add3A_791, %dma_start3A_792] : memref<16384x4096xf32, #tpu.memory_space<hbm>> -> memref<1x4096xf32, #tpu.memory_space<hbm>>
        %dma_start3A_794 = arith.constant 0 : i32
        %dma_start3A_795 = tpu.memref_slice %arg6[%squeeze3A_784, %dma_start3A_794] : memref<128x4096xf32, #tpu.memory_space<vmem_shared>> -> memref<1x4096xf32, #tpu.memory_space<vmem_shared>>
        tpu.enqueue_dma source(%dma_start3A_795 : memref<1x4096xf32, #tpu.memory_space<vmem_shared>>) target(%dma_start3A_793 : memref<1x4096xf32, #tpu.memory_space<hbm>>) target_semaphore(%arg9 : memref<!tpu.dma_semaphore, #tpu.memory_space<semaphore_mem>>)
        %slice3A_796 = vector.extract_strided_slice %get3A_665 {offsets = [10], sizes = [1], strides = [1]} : vector<16xi32> to vector<1xi32>
        %squeeze3A_797 = vector.extract %slice3A_796[0] : i32 from vector<1xi32>
        %add3A_798 = arith.constant 192 : i32
        %add3A_799 = arith.addi %mul3A_2, %add3A_798 : i32
        %mul3A_800 = arith.constant 16 : i32
        %mul3A_801 = arith.muli %add3A_658, %mul3A_800 : i32
        %add3A_802 = arith.addi %add3A_799, %mul3A_801 : i32
        %add3A_803 = arith.constant 10 : i32
        %add3A_804 = arith.addi %add3A_802, %add3A_803 : i32
        %dma_start3A_805 = arith.constant 0 : i32
        %dma_start3A_806 = tpu.memref_slice %arg4[%add3A_804, %dma_start3A_805] : memref<16384x4096xf32, #tpu.memory_space<hbm>> -> memref<1x4096xf32, #tpu.memory_space<hbm>>
        %dma_start3A_807 = arith.constant 0 : i32
        %dma_start3A_808 = tpu.memref_slice %arg6[%squeeze3A_797, %dma_start3A_807] : memref<128x4096xf32, #tpu.memory_space<vmem_shared>> -> memref<1x4096xf32, #tpu.memory_space<vmem_shared>>
        tpu.enqueue_dma source(%dma_start3A_808 : memref<1x4096xf32, #tpu.memory_space<vmem_shared>>) target(%dma_start3A_806 : memref<1x4096xf32, #tpu.memory_space<hbm>>) target_semaphore(%arg9 : memref<!tpu.dma_semaphore, #tpu.memory_space<semaphore_mem>>)
        %slice3A_809 = vector.extract_strided_slice %get3A_665 {offsets = [11], sizes = [1], strides = [1]} : vector<16xi32> to vector<1xi32>
        %squeeze3A_810 = vector.extract %slice3A_809[0] : i32 from vector<1xi32>
        %add3A_811 = arith.constant 192 : i32
        %add3A_812 = arith.addi %mul3A_2, %add3A_811 : i32
        %mul3A_813 = arith.constant 16 : i32
        %mul3A_814 = arith.muli %add3A_658, %mul3A_813 : i32
        %add3A_815 = arith.addi %add3A_812, %mul3A_814 : i32
        %add3A_816 = arith.constant 11 : i32
        %add3A_817 = arith.addi %add3A_815, %add3A_816 : i32
        %dma_start3A_818 = arith.constant 0 : i32
        %dma_start3A_819 = tpu.memref_slice %arg4[%add3A_817, %dma_start3A_818] : memref<16384x4096xf32, #tpu.memory_space<hbm>> -> memref<1x4096xf32, #tpu.memory_space<hbm>>
        %dma_start3A_820 = arith.constant 0 : i32
        %dma_start3A_821 = tpu.memref_slice %arg6[%squeeze3A_810, %dma_start3A_820] : memref<128x4096xf32, #tpu.memory_space<vmem_shared>> -> memref<1x4096xf32, #tpu.memory_space<vmem_shared>>
        tpu.enqueue_dma source(%dma_start3A_821 : memref<1x4096xf32, #tpu.memory_space<vmem_shared>>) target(%dma_start3A_819 : memref<1x4096xf32, #tpu.memory_space<hbm>>) target_semaphore(%arg9 : memref<!tpu.dma_semaphore, #tpu.memory_space<semaphore_mem>>)
        %slice3A_822 = vector.extract_strided_slice %get3A_665 {offsets = [12], sizes = [1], strides = [1]} : vector<16xi32> to vector<1xi32>
        %squeeze3A_823 = vector.extract %slice3A_822[0] : i32 from vector<1xi32>
        %add3A_824 = arith.constant 192 : i32
        %add3A_825 = arith.addi %mul3A_2, %add3A_824 : i32
        %mul3A_826 = arith.constant 16 : i32
        %mul3A_827 = arith.muli %add3A_658, %mul3A_826 : i32
        %add3A_828 = arith.addi %add3A_825, %mul3A_827 : i32
        %add3A_829 = arith.constant 12 : i32
        %add3A_830 = arith.addi %add3A_828, %add3A_829 : i32
        %dma_start3A_831 = arith.constant 0 : i32
        %dma_start3A_832 = tpu.memref_slice %arg4[%add3A_830, %dma_start3A_831] : memref<16384x4096xf32, #tpu.memory_space<hbm>> -> memref<1x4096xf32, #tpu.memory_space<hbm>>
        %dma_start3A_833 = arith.constant 0 : i32
        %dma_start3A_834 = tpu.memref_slice %arg6[%squeeze3A_823, %dma_start3A_833] : memref<128x4096xf32, #tpu.memory_space<vmem_shared>> -> memref<1x4096xf32, #tpu.memory_space<vmem_shared>>
        tpu.enqueue_dma source(%dma_start3A_834 : memref<1x4096xf32, #tpu.memory_space<vmem_shared>>) target(%dma_start3A_832 : memref<1x4096xf32, #tpu.memory_space<hbm>>) target_semaphore(%arg9 : memref<!tpu.dma_semaphore, #tpu.memory_space<semaphore_mem>>)
        %slice3A_835 = vector.extract_strided_slice %get3A_665 {offsets = [13], sizes = [1], strides = [1]} : vector<16xi32> to vector<1xi32>
        %squeeze3A_836 = vector.extract %slice3A_835[0] : i32 from vector<1xi32>
        %add3A_837 = arith.constant 192 : i32
        %add3A_838 = arith.addi %mul3A_2, %add3A_837 : i32
        %mul3A_839 = arith.constant 16 : i32
        %mul3A_840 = arith.muli %add3A_658, %mul3A_839 : i32
        %add3A_841 = arith.addi %add3A_838, %mul3A_840 : i32
        %add3A_842 = arith.constant 13 : i32
        %add3A_843 = arith.addi %add3A_841, %add3A_842 : i32
        %dma_start3A_844 = arith.constant 0 : i32
        %dma_start3A_845 = tpu.memref_slice %arg4[%add3A_843, %dma_start3A_844] : memref<16384x4096xf32, #tpu.memory_space<hbm>> -> memref<1x4096xf32, #tpu.memory_space<hbm>>
        %dma_start3A_846 = arith.constant 0 : i32
        %dma_start3A_847 = tpu.memref_slice %arg6[%squeeze3A_836, %dma_start3A_846] : memref<128x4096xf32, #tpu.memory_space<vmem_shared>> -> memref<1x4096xf32, #tpu.memory_space<vmem_shared>>
        tpu.enqueue_dma source(%dma_start3A_847 : memref<1x4096xf32, #tpu.memory_space<vmem_shared>>) target(%dma_start3A_845 : memref<1x4096xf32, #tpu.memory_space<hbm>>) target_semaphore(%arg9 : memref<!tpu.dma_semaphore, #tpu.memory_space<semaphore_mem>>)
        %slice3A_848 = vector.extract_strided_slice %get3A_665 {offsets = [14], sizes = [1], strides = [1]} : vector<16xi32> to vector<1xi32>
        %squeeze3A_849 = vector.extract %slice3A_848[0] : i32 from vector<1xi32>
        %add3A_850 = arith.constant 192 : i32
        %add3A_851 = arith.addi %mul3A_2, %add3A_850 : i32
        %mul3A_852 = arith.constant 16 : i32
        %mul3A_853 = arith.muli %add3A_658, %mul3A_852 : i32
        %add3A_854 = arith.addi %add3A_851, %mul3A_853 : i32
        %add3A_855 = arith.constant 14 : i32
        %add3A_856 = arith.addi %add3A_854, %add3A_855 : i32
        %dma_start3A_857 = arith.constant 0 : i32
        %dma_start3A_858 = tpu.memref_slice %arg4[%add3A_856, %dma_start3A_857] : memref<16384x4096xf32, #tpu.memory_space<hbm>> -> memref<1x4096xf32, #tpu.memory_space<hbm>>
        %dma_start3A_859 = arith.constant 0 : i32
        %dma_start3A_860 = tpu.memref_slice %arg6[%squeeze3A_849, %dma_start3A_859] : memref<128x4096xf32, #tpu.memory_space<vmem_shared>> -> memref<1x4096xf32, #tpu.memory_space<vmem_shared>>
        tpu.enqueue_dma source(%dma_start3A_860 : memref<1x4096xf32, #tpu.memory_space<vmem_shared>>) target(%dma_start3A_858 : memref<1x4096xf32, #tpu.memory_space<hbm>>) target_semaphore(%arg9 : memref<!tpu.dma_semaphore, #tpu.memory_space<semaphore_mem>>)
        %slice3A_861 = vector.extract_strided_slice %get3A_665 {offsets = [15], sizes = [1], strides = [1]} : vector<16xi32> to vector<1xi32>
        %squeeze3A_862 = vector.extract %slice3A_861[0] : i32 from vector<1xi32>
        %add3A_863 = arith.constant 192 : i32
        %add3A_864 = arith.addi %mul3A_2, %add3A_863 : i32
        %mul3A_865 = arith.constant 16 : i32
        %mul3A_866 = arith.muli %add3A_658, %mul3A_865 : i32
        %add3A_867 = arith.addi %add3A_864, %mul3A_866 : i32
        %add3A_868 = arith.constant 15 : i32
        %add3A_869 = arith.addi %add3A_867, %add3A_868 : i32
        %dma_start3A_870 = arith.constant 0 : i32
        %dma_start3A_871 = tpu.memref_slice %arg4[%add3A_869, %dma_start3A_870] : memref<16384x4096xf32, #tpu.memory_space<hbm>> -> memref<1x4096xf32, #tpu.memory_space<hbm>>
        %dma_start3A_872 = arith.constant 0 : i32
        %dma_start3A_873 = tpu.memref_slice %arg6[%squeeze3A_862, %dma_start3A_872] : memref<128x4096xf32, #tpu.memory_space<vmem_shared>> -> memref<1x4096xf32, #tpu.memory_space<vmem_shared>>
        tpu.enqueue_dma source(%dma_start3A_873 : memref<1x4096xf32, #tpu.memory_space<vmem_shared>>) target(%dma_start3A_871 : memref<1x4096xf32, #tpu.memory_space<hbm>>) target_semaphore(%arg9 : memref<!tpu.dma_semaphore, #tpu.memory_space<semaphore_mem>>)
      } else {
      }
      %mul3A_527 = arith.constant 8 : i32
      %mul3A_528 = arith.muli %mul3A_309, %mul3A_527 : i32
      %add3A_529 = arith.addi %mul3A_2, %mul3A_528 : i32
      %dma_wait3A_530 = arith.constant 0 : i32
      %dma_wait3A_531 = tpu.memref_slice %arg4[%add3A_529, %dma_wait3A_530] : memref<16384x4096xf32, #tpu.memory_space<hbm>> -> memref<8x4096xf32, #tpu.memory_space<hbm>>
      %dma_wait3A_532 = arith.constant 0 : i32
      %dma_wait3A_533 = tpu.memref_slice %arg4[%add3A_529, %dma_wait3A_532] : memref<16384x4096xf32, #tpu.memory_space<hbm>> -> memref<8x4096xf32, #tpu.memory_space<hbm>>
      tpu.wait_dma2 semaphore(%arg12 : memref<!tpu.dma_semaphore, #tpu.memory_space<semaphore_mem>>) src(%arg7 : memref<8x4096xf32, #tpu.memory_space<vmem>>) dst(%dma_wait3A_533 : memref<8x4096xf32, #tpu.memory_space<hbm>>)
      %add3A_534 = arith.constant 1 : i32
      %add3A_535 = arith.addi %add3A_311, %add3A_534 : i32
      %lt3A = arith.constant 24 : i32
      %lt3A_536 = arith.cmpi slt, %add3A_535, %lt3A : i32
      %convert_element_type3A_537 = arith.extui %lt3A_536 : i1 to i32
      %cond3A_538 = arith.constant 0 : i32
      %cond3A_539 = arith.cmpi ne, %convert_element_type3A_537, %cond3A_538 : i32
      scf.if %cond3A_539 {
        %add3A_655 = arith.constant 1 : i32
        %add3A_656 = arith.addi %add3A_311, %add3A_655 : i32
        %mul3A_657 = arith.constant 8 : i32
        %mul3A_658 = arith.muli %add3A_656, %mul3A_657 : i32
        %get3A_659 = arith.index_cast %mul3A_658 : i32 to index
        %get3A_660 = tpu.vector_load %arg5[%get3A_659] {strides = array<i32>} : memref<512xi32, #tpu.memory_space<vmem>>, vector<16xi32>,
        %get3A_661 = vector.shape_cast %get3A_660 : vector<16xi32> to vector<16xi32>
        %slice3A_662 = vector.extract_strided_slice %get3A_661 {offsets = [0], sizes = [1], strides = [1]} : vector<16xi32> to vector<1xi32>
        %squeeze3A_663 = vector.extract %slice3A_662[0] : i32 from vector<1xi32>
        %dma_start3A_664 = arith.constant 0 : i32
        %dma_start3A_665 = arith.constant 0 : i32
        %dma_start3A_666 = tpu.memref_slice %arg7[%dma_start3A_664, %dma_start3A_665] : memref<8x4096xf32, #tpu.memory_space<vmem>> -> memref<1x4096xf32, #tpu.memory_space<vmem>>
        %dma_start3A_667 = arith.constant 0 : i32
        %dma_start3A_668 = tpu.memref_slice %arg6[%squeeze3A_663, %dma_start3A_667] : memref<128x4096xf32, #tpu.memory_space<vmem_shared>> -> memref<1x4096xf32, #tpu.memory_space<vmem_shared>>
        %dma_start3A_669 = arith.constant 0 : i32
        %dma_start3A_670 = arith.constant 0 : i32
        %dma_start3A_671 = tpu.memref_slice %arg7[%dma_start3A_669, %dma_start3A_670] : memref<8x4096xf32, #tpu.memory_space<vmem>> -> memref<1x4096xf32, #tpu.memory_space<vmem>>
        %dma_start3A_672 = arith.constant 0 : i32
        %dma_start3A_673 = tpu.memref_slice %arg6[%squeeze3A_663, %dma_start3A_672] : memref<128x4096xf32, #tpu.memory_space<vmem_shared>> -> memref<1x4096xf32, #tpu.memory_space<vmem_shared>>
        tpu.enqueue_dma source(%dma_start3A_673 : memref<1x4096xf32, #tpu.memory_space<vmem_shared>>) target(%dma_start3A_671 : memref<1x4096xf32, #tpu.memory_space<vmem>>) target_semaphore(%arg10 : memref<!tpu.dma_semaphore, #tpu.memory_space<semaphore_mem>>)
        %slice3A_674 = vector.extract_strided_slice %get3A_661 {offsets = [1], sizes = [1], strides = [1]} : vector<16xi32> to vector<1xi32>
        %squeeze3A_675 = vector.extract %slice3A_674[0] : i32 from vector<1xi32>
        %dma_start3A_676 = arith.constant 1 : i32
        %dma_start3A_677 = arith.constant 0 : i32
        %dma_start3A_678 = tpu.memref_slice %arg7[%dma_start3A_676, %dma_start3A_677] : memref<8x4096xf32, #tpu.memory_space<vmem>> -> memref<1x4096xf32, #tpu.memory_space<vmem>>
        %dma_start3A_679 = arith.constant 0 : i32
        %dma_start3A_680 = tpu.memref_slice %arg6[%squeeze3A_675, %dma_start3A_679] : memref<128x4096xf32, #tpu.memory_space<vmem_shared>> -> memref<1x4096xf32, #tpu.memory_space<vmem_shared>>
        %dma_start3A_681 = arith.constant 1 : i32
        %dma_start3A_682 = arith.constant 0 : i32
        %dma_start3A_683 = tpu.memref_slice %arg7[%dma_start3A_681, %dma_start3A_682] : memref<8x4096xf32, #tpu.memory_space<vmem>> -> memref<1x4096xf32, #tpu.memory_space<vmem>>
        %dma_start3A_684 = arith.constant 0 : i32
        %dma_start3A_685 = tpu.memref_slice %arg6[%squeeze3A_675, %dma_start3A_684] : memref<128x4096xf32, #tpu.memory_space<vmem_shared>> -> memref<1x4096xf32, #tpu.memory_space<vmem_shared>>
        tpu.enqueue_dma source(%dma_start3A_685 : memref<1x4096xf32, #tpu.memory_space<vmem_shared>>) target(%dma_start3A_683 : memref<1x4096xf32, #tpu.memory_space<vmem>>) target_semaphore(%arg10 : memref<!tpu.dma_semaphore, #tpu.memory_space<semaphore_mem>>)
        %slice3A_686 = vector.extract_strided_slice %get3A_661 {offsets = [2], sizes = [1], strides = [1]} : vector<16xi32> to vector<1xi32>
        %squeeze3A_687 = vector.extract %slice3A_686[0] : i32 from vector<1xi32>
        %dma_start3A_688 = arith.constant 2 : i32
        %dma_start3A_689 = arith.constant 0 : i32
        %dma_start3A_690 = tpu.memref_slice %arg7[%dma_start3A_688, %dma_start3A_689] : memref<8x4096xf32, #tpu.memory_space<vmem>> -> memref<1x4096xf32, #tpu.memory_space<vmem>>
        %dma_start3A_691 = arith.constant 0 : i32
        %dma_start3A_692 = tpu.memref_slice %arg6[%squeeze3A_687, %dma_start3A_691] : memref<128x4096xf32, #tpu.memory_space<vmem_shared>> -> memref<1x4096xf32, #tpu.memory_space<vmem_shared>>
        %dma_start3A_693 = arith.constant 2 : i32
        %dma_start3A_694 = arith.constant 0 : i32
        %dma_start3A_695 = tpu.memref_slice %arg7[%dma_start3A_693, %dma_start3A_694] : memref<8x4096xf32, #tpu.memory_space<vmem>> -> memref<1x4096xf32, #tpu.memory_space<vmem>>
        %dma_start3A_696 = arith.constant 0 : i32
        %dma_start3A_697 = tpu.memref_slice %arg6[%squeeze3A_687, %dma_start3A_696] : memref<128x4096xf32, #tpu.memory_space<vmem_shared>> -> memref<1x4096xf32, #tpu.memory_space<vmem_shared>>
        tpu.enqueue_dma source(%dma_start3A_697 : memref<1x4096xf32, #tpu.memory_space<vmem_shared>>) target(%dma_start3A_695 : memref<1x4096xf32, #tpu.memory_space<vmem>>) target_semaphore(%arg10 : memref<!tpu.dma_semaphore, #tpu.memory_space<semaphore_mem>>)
        %slice3A_698 = vector.extract_strided_slice %get3A_661 {offsets = [3], sizes = [1], strides = [1]} : vector<16xi32> to vector<1xi32>
        %squeeze3A_699 = vector.extract %slice3A_698[0] : i32 from vector<1xi32>
        %dma_start3A_700 = arith.constant 3 : i32
        %dma_start3A_701 = arith.constant 0 : i32
        %dma_start3A_702 = tpu.memref_slice %arg7[%dma_start3A_700, %dma_start3A_701] : memref<8x4096xf32, #tpu.memory_space<vmem>> -> memref<1x4096xf32, #tpu.memory_space<vmem>>
        %dma_start3A_703 = arith.constant 0 : i32
        %dma_start3A_704 = tpu.memref_slice %arg6[%squeeze3A_699, %dma_start3A_703] : memref<128x4096xf32, #tpu.memory_space<vmem_shared>> -> memref<1x4096xf32, #tpu.memory_space<vmem_shared>>
        %dma_start3A_705 = arith.constant 3 : i32
        %dma_start3A_706 = arith.constant 0 : i32
        %dma_start3A_707 = tpu.memref_slice %arg7[%dma_start3A_705, %dma_start3A_706] : memref<8x4096xf32, #tpu.memory_space<vmem>> -> memref<1x4096xf32, #tpu.memory_space<vmem>>
        %dma_start3A_708 = arith.constant 0 : i32
        %dma_start3A_709 = tpu.memref_slice %arg6[%squeeze3A_699, %dma_start3A_708] : memref<128x4096xf32, #tpu.memory_space<vmem_shared>> -> memref<1x4096xf32, #tpu.memory_space<vmem_shared>>
        tpu.enqueue_dma source(%dma_start3A_709 : memref<1x4096xf32, #tpu.memory_space<vmem_shared>>) target(%dma_start3A_707 : memref<1x4096xf32, #tpu.memory_space<vmem>>) target_semaphore(%arg10 : memref<!tpu.dma_semaphore, #tpu.memory_space<semaphore_mem>>)
        %slice3A_710 = vector.extract_strided_slice %get3A_661 {offsets = [4], sizes = [1], strides = [1]} : vector<16xi32> to vector<1xi32>
        %squeeze3A_711 = vector.extract %slice3A_710[0] : i32 from vector<1xi32>
        %dma_start3A_712 = arith.constant 4 : i32
        %dma_start3A_713 = arith.constant 0 : i32
        %dma_start3A_714 = tpu.memref_slice %arg7[%dma_start3A_712, %dma_start3A_713] : memref<8x4096xf32, #tpu.memory_space<vmem>> -> memref<1x4096xf32, #tpu.memory_space<vmem>>
        %dma_start3A_715 = arith.constant 0 : i32
        %dma_start3A_716 = tpu.memref_slice %arg6[%squeeze3A_711, %dma_start3A_715] : memref<128x4096xf32, #tpu.memory_space<vmem_shared>> -> memref<1x4096xf32, #tpu.memory_space<vmem_shared>>
        %dma_start3A_717 = arith.constant 4 : i32
        %dma_start3A_718 = arith.constant 0 : i32
        %dma_start3A_719 = tpu.memref_slice %arg7[%dma_start3A_717, %dma_start3A_718] : memref<8x4096xf32, #tpu.memory_space<vmem>> -> memref<1x4096xf32, #tpu.memory_space<vmem>>
        %dma_start3A_720 = arith.constant 0 : i32
        %dma_start3A_721 = tpu.memref_slice %arg6[%squeeze3A_711, %dma_start3A_720] : memref<128x4096xf32, #tpu.memory_space<vmem_shared>> -> memref<1x4096xf32, #tpu.memory_space<vmem_shared>>
        tpu.enqueue_dma source(%dma_start3A_721 : memref<1x4096xf32, #tpu.memory_space<vmem_shared>>) target(%dma_start3A_719 : memref<1x4096xf32, #tpu.memory_space<vmem>>) target_semaphore(%arg10 : memref<!tpu.dma_semaphore, #tpu.memory_space<semaphore_mem>>)
        %slice3A_722 = vector.extract_strided_slice %get3A_661 {offsets = [5], sizes = [1], strides = [1]} : vector<16xi32> to vector<1xi32>
        %squeeze3A_723 = vector.extract %slice3A_722[0] : i32 from vector<1xi32>
        %dma_start3A_724 = arith.constant 5 : i32
        %dma_start3A_725 = arith.constant 0 : i32
        %dma_start3A_726 = tpu.memref_slice %arg7[%dma_start3A_724, %dma_start3A_725] : memref<8x4096xf32, #tpu.memory_space<vmem>> -> memref<1x4096xf32, #tpu.memory_space<vmem>>
        %dma_start3A_727 = arith.constant 0 : i32
        %dma_start3A_728 = tpu.memref_slice %arg6[%squeeze3A_723, %dma_start3A_727] : memref<128x4096xf32, #tpu.memory_space<vmem_shared>> -> memref<1x4096xf32, #tpu.memory_space<vmem_shared>>
        %dma_start3A_729 = arith.constant 5 : i32
        %dma_start3A_730 = arith.constant 0 : i32
        %dma_start3A_731 = tpu.memref_slice %arg7[%dma_start3A_729, %dma_start3A_730] : memref<8x4096xf32, #tpu.memory_space<vmem>> -> memref<1x4096xf32, #tpu.memory_space<vmem>>
        %dma_start3A_732 = arith.constant 0 : i32
        %dma_start3A_733 = tpu.memref_slice %arg6[%squeeze3A_723, %dma_start3A_732] : memref<128x4096xf32, #tpu.memory_space<vmem_shared>> -> memref<1x4096xf32, #tpu.memory_space<vmem_shared>>
        tpu.enqueue_dma source(%dma_start3A_733 : memref<1x4096xf32, #tpu.memory_space<vmem_shared>>) target(%dma_start3A_731 : memref<1x4096xf32, #tpu.memory_space<vmem>>) target_semaphore(%arg10 : memref<!tpu.dma_semaphore, #tpu.memory_space<semaphore_mem>>)
        %slice3A_734 = vector.extract_strided_slice %get3A_661 {offsets = [6], sizes = [1], strides = [1]} : vector<16xi32> to vector<1xi32>
        %squeeze3A_735 = vector.extract %slice3A_734[0] : i32 from vector<1xi32>
        %dma_start3A_736 = arith.constant 6 : i32
        %dma_start3A_737 = arith.constant 0 : i32
        %dma_start3A_738 = tpu.memref_slice %arg7[%dma_start3A_736, %dma_start3A_737] : memref<8x4096xf32, #tpu.memory_space<vmem>> -> memref<1x4096xf32, #tpu.memory_space<vmem>>
        %dma_start3A_739 = arith.constant 0 : i32
        %dma_start3A_740 = tpu.memref_slice %arg6[%squeeze3A_735, %dma_start3A_739] : memref<128x4096xf32, #tpu.memory_space<vmem_shared>> -> memref<1x4096xf32, #tpu.memory_space<vmem_shared>>
        %dma_start3A_741 = arith.constant 6 : i32
        %dma_start3A_742 = arith.constant 0 : i32
        %dma_start3A_743 = tpu.memref_slice %arg7[%dma_start3A_741, %dma_start3A_742] : memref<8x4096xf32, #tpu.memory_space<vmem>> -> memref<1x4096xf32, #tpu.memory_space<vmem>>
        %dma_start3A_744 = arith.constant 0 : i32
        %dma_start3A_745 = tpu.memref_slice %arg6[%squeeze3A_735, %dma_start3A_744] : memref<128x4096xf32, #tpu.memory_space<vmem_shared>> -> memref<1x4096xf32, #tpu.memory_space<vmem_shared>>
        tpu.enqueue_dma source(%dma_start3A_745 : memref<1x4096xf32, #tpu.memory_space<vmem_shared>>) target(%dma_start3A_743 : memref<1x4096xf32, #tpu.memory_space<vmem>>) target_semaphore(%arg10 : memref<!tpu.dma_semaphore, #tpu.memory_space<semaphore_mem>>)
        %slice3A_746 = vector.extract_strided_slice %get3A_661 {offsets = [7], sizes = [1], strides = [1]} : vector<16xi32> to vector<1xi32>
        %squeeze3A_747 = vector.extract %slice3A_746[0] : i32 from vector<1xi32>
        %dma_start3A_748 = arith.constant 7 : i32
        %dma_start3A_749 = arith.constant 0 : i32
        %dma_start3A_750 = tpu.memref_slice %arg7[%dma_start3A_748, %dma_start3A_749] : memref<8x4096xf32, #tpu.memory_space<vmem>> -> memref<1x4096xf32, #tpu.memory_space<vmem>>
        %dma_start3A_751 = arith.constant 0 : i32
        %dma_start3A_752 = tpu.memref_slice %arg6[%squeeze3A_747, %dma_start3A_751] : memref<128x4096xf32, #tpu.memory_space<vmem_shared>> -> memref<1x4096xf32, #tpu.memory_space<vmem_shared>>
        %dma_start3A_753 = arith.constant 7 : i32
        %dma_start3A_754 = arith.constant 0 : i32
        %dma_start3A_755 = tpu.memref_slice %arg7[%dma_start3A_753, %dma_start3A_754] : memref<8x4096xf32, #tpu.memory_space<vmem>> -> memref<1x4096xf32, #tpu.memory_space<vmem>>
        %dma_start3A_756 = arith.constant 0 : i32
        %dma_start3A_757 = tpu.memref_slice %arg6[%squeeze3A_747, %dma_start3A_756] : memref<128x4096xf32, #tpu.memory_space<vmem_shared>> -> memref<1x4096xf32, #tpu.memory_space<vmem_shared>>
        tpu.enqueue_dma source(%dma_start3A_757 : memref<1x4096xf32, #tpu.memory_space<vmem_shared>>) target(%dma_start3A_755 : memref<1x4096xf32, #tpu.memory_space<vmem>>) target_semaphore(%arg10 : memref<!tpu.dma_semaphore, #tpu.memory_space<semaphore_mem>>)
      } else {
      }
      %dma_wait3A_540 = arith.constant 0 : i32
      %dma_wait3A_541 = arith.constant 0 : i32
      %dma_wait3A_542 = tpu.memref_slice %arg8[%dma_wait3A_540, %dma_wait3A_541] : memref<8x4096xf32, #tpu.memory_space<vmem>> -> memref<1x4096xf32, #tpu.memory_space<vmem>>
      %dma_wait3A_543 = arith.constant 0 : i32
      %dma_wait3A_544 = arith.constant 0 : i32
      %dma_wait3A_545 = tpu.memref_slice %arg6[%dma_wait3A_543, %dma_wait3A_544] : memref<128x4096xf32, #tpu.memory_space<vmem_shared>> -> memref<1x4096xf32, #tpu.memory_space<vmem_shared>>
      %dma_wait3A_546 = arith.constant 0 : i32
      %dma_wait3A_547 = arith.constant 0 : i32
      %dma_wait3A_548 = tpu.memref_slice %arg8[%dma_wait3A_546, %dma_wait3A_547] : memref<8x4096xf32, #tpu.memory_space<vmem>> -> memref<1x4096xf32, #tpu.memory_space<vmem>>
      %dma_wait3A_549 = arith.constant 0 : i32
      %dma_wait3A_550 = arith.constant 0 : i32
      %dma_wait3A_551 = tpu.memref_slice %arg6[%dma_wait3A_549, %dma_wait3A_550] : memref<128x4096xf32, #tpu.memory_space<vmem_shared>> -> memref<1x4096xf32, #tpu.memory_space<vmem_shared>>
      tpu.wait_dma2 semaphore(%arg11 : memref<!tpu.dma_semaphore, #tpu.memory_space<semaphore_mem>>) src(%dma_wait3A_551 : memref<1x4096xf32, #tpu.memory_space<vmem_shared>>) dst(%dma_wait3A_548 : memref<1x4096xf32, #tpu.memory_space<vmem>>)
      %dma_wait3A_552 = arith.constant 1 : i32
      %dma_wait3A_553 = arith.constant 0 : i32
      %dma_wait3A_554 = tpu.memref_slice %arg8[%dma_wait3A_552, %dma_wait3A_553] : memref<8x4096xf32, #tpu.memory_space<vmem>> -> memref<1x4096xf32, #tpu.memory_space<vmem>>
      %dma_wait3A_555 = arith.constant 0 : i32
      %dma_wait3A_556 = arith.constant 0 : i32
      %dma_wait3A_557 = tpu.memref_slice %arg6[%dma_wait3A_555, %dma_wait3A_556] : memref<128x4096xf32, #tpu.memory_space<vmem_shared>> -> memref<1x4096xf32, #tpu.memory_space<vmem_shared>>
      %dma_wait3A_558 = arith.constant 1 : i32
      %dma_wait3A_559 = arith.constant 0 : i32
      %dma_wait3A_560 = tpu.memref_slice %arg8[%dma_wait3A_558, %dma_wait3A_559] : memref<8x4096xf32, #tpu.memory_space<vmem>> -> memref<1x4096xf32, #tpu.memory_space<vmem>>
      %dma_wait3A_561 = arith.constant 0 : i32
      %dma_wait3A_562 = arith.constant 0 : i32
      %dma_wait3A_563 = tpu.memref_slice %arg6[%dma_wait3A_561, %dma_wait3A_562] : memref<128x4096xf32, #tpu.memory_space<vmem_shared>> -> memref<1x4096xf32, #tpu.memory_space<vmem_shared>>
      tpu.wait_dma2 semaphore(%arg11 : memref<!tpu.dma_semaphore, #tpu.memory_space<semaphore_mem>>) src(%dma_wait3A_563 : memref<1x4096xf32, #tpu.memory_space<vmem_shared>>) dst(%dma_wait3A_560 : memref<1x4096xf32, #tpu.memory_space<vmem>>)
      %dma_wait3A_564 = arith.constant 2 : i32
      %dma_wait3A_565 = arith.constant 0 : i32
      %dma_wait3A_566 = tpu.memref_slice %arg8[%dma_wait3A_564, %dma_wait3A_565] : memref<8x4096xf32, #tpu.memory_space<vmem>> -> memref<1x4096xf32, #tpu.memory_space<vmem>>
      %dma_wait3A_567 = arith.constant 0 : i32
      %dma_wait3A_568 = arith.constant 0 : i32
      %dma_wait3A_569 = tpu.memref_slice %arg6[%dma_wait3A_567, %dma_wait3A_568] : memref<128x4096xf32, #tpu.memory_space<vmem_shared>> -> memref<1x4096xf32, #tpu.memory_space<vmem_shared>>
      %dma_wait3A_570 = arith.constant 2 : i32
      %dma_wait3A_571 = arith.constant 0 : i32
      %dma_wait3A_572 = tpu.memref_slice %arg8[%dma_wait3A_570, %dma_wait3A_571] : memref<8x4096xf32, #tpu.memory_space<vmem>> -> memref<1x4096xf32, #tpu.memory_space<vmem>>
      %dma_wait3A_573 = arith.constant 0 : i32
      %dma_wait3A_574 = arith.constant 0 : i32
      %dma_wait3A_575 = tpu.memref_slice %arg6[%dma_wait3A_573, %dma_wait3A_574] : memref<128x4096xf32, #tpu.memory_space<vmem_shared>> -> memref<1x4096xf32, #tpu.memory_space<vmem_shared>>
      tpu.wait_dma2 semaphore(%arg11 : memref<!tpu.dma_semaphore, #tpu.memory_space<semaphore_mem>>) src(%dma_wait3A_575 : memref<1x4096xf32, #tpu.memory_space<vmem_shared>>) dst(%dma_wait3A_572 : memref<1x4096xf32, #tpu.memory_space<vmem>>)
      %dma_wait3A_576 = arith.constant 3 : i32
      %dma_wait3A_577 = arith.constant 0 : i32
      %dma_wait3A_578 = tpu.memref_slice %arg8[%dma_wait3A_576, %dma_wait3A_577] : memref<8x4096xf32, #tpu.memory_space<vmem>> -> memref<1x4096xf32, #tpu.memory_space<vmem>>
      %dma_wait3A_579 = arith.constant 0 : i32
      %dma_wait3A_580 = arith.constant 0 : i32
      %dma_wait3A_581 = tpu.memref_slice %arg6[%dma_wait3A_579, %dma_wait3A_580] : memref<128x4096xf32, #tpu.memory_space<vmem_shared>> -> memref<1x4096xf32, #tpu.memory_space<vmem_shared>>
      %dma_wait3A_582 = arith.constant 3 : i32
      %dma_wait3A_583 = arith.constant 0 : i32
      %dma_wait3A_584 = tpu.memref_slice %arg8[%dma_wait3A_582, %dma_wait3A_583] : memref<8x4096xf32, #tpu.memory_space<vmem>> -> memref<1x4096xf32, #tpu.memory_space<vmem>>
      %dma_wait3A_585 = arith.constant 0 : i32
      %dma_wait3A_586 = arith.constant 0 : i32
      %dma_wait3A_587 = tpu.memref_slice %arg6[%dma_wait3A_585, %dma_wait3A_586] : memref<128x4096xf32, #tpu.memory_space<vmem_shared>> -> memref<1x4096xf32, #tpu.memory_space<vmem_shared>>
      tpu.wait_dma2 semaphore(%arg11 : memref<!tpu.dma_semaphore, #tpu.memory_space<semaphore_mem>>) src(%dma_wait3A_587 : memref<1x4096xf32, #tpu.memory_space<vmem_shared>>) dst(%dma_wait3A_584 : memref<1x4096xf32, #tpu.memory_space<vmem>>)
      %dma_wait3A_588 = arith.constant 4 : i32
      %dma_wait3A_589 = arith.constant 0 : i32
      %dma_wait3A_590 = tpu.memref_slice %arg8[%dma_wait3A_588, %dma_wait3A_589] : memref<8x4096xf32, #tpu.memory_space<vmem>> -> memref<1x4096xf32, #tpu.memory_space<vmem>>
      %dma_wait3A_591 = arith.constant 0 : i32
      %dma_wait3A_592 = arith.constant 0 : i32
      %dma_wait3A_593 = tpu.memref_slice %arg6[%dma_wait3A_591, %dma_wait3A_592] : memref<128x4096xf32, #tpu.memory_space<vmem_shared>> -> memref<1x4096xf32, #tpu.memory_space<vmem_shared>>
      %dma_wait3A_594 = arith.constant 4 : i32
      %dma_wait3A_595 = arith.constant 0 : i32
      %dma_wait3A_596 = tpu.memref_slice %arg8[%dma_wait3A_594, %dma_wait3A_595] : memref<8x4096xf32, #tpu.memory_space<vmem>> -> memref<1x4096xf32, #tpu.memory_space<vmem>>
      %dma_wait3A_597 = arith.constant 0 : i32
      %dma_wait3A_598 = arith.constant 0 : i32
      %dma_wait3A_599 = tpu.memref_slice %arg6[%dma_wait3A_597, %dma_wait3A_598] : memref<128x4096xf32, #tpu.memory_space<vmem_shared>> -> memref<1x4096xf32, #tpu.memory_space<vmem_shared>>
      tpu.wait_dma2 semaphore(%arg11 : memref<!tpu.dma_semaphore, #tpu.memory_space<semaphore_mem>>) src(%dma_wait3A_599 : memref<1x4096xf32, #tpu.memory_space<vmem_shared>>) dst(%dma_wait3A_596 : memref<1x4096xf32, #tpu.memory_space<vmem>>)
      %dma_wait3A_600 = arith.constant 5 : i32
      %dma_wait3A_601 = arith.constant 0 : i32
      %dma_wait3A_602 = tpu.memref_slice %arg8[%dma_wait3A_600, %dma_wait3A_601] : memref<8x4096xf32, #tpu.memory_space<vmem>> -> memref<1x4096xf32, #tpu.memory_space<vmem>>
      %dma_wait3A_603 = arith.constant 0 : i32
      %dma_wait3A_604 = arith.constant 0 : i32
      %dma_wait3A_605 = tpu.memref_slice %arg6[%dma_wait3A_603, %dma_wait3A_604] : memref<128x4096xf32, #tpu.memory_space<vmem_shared>> -> memref<1x4096xf32, #tpu.memory_space<vmem_shared>>
      %dma_wait3A_606 = arith.constant 5 : i32
      %dma_wait3A_607 = arith.constant 0 : i32
      %dma_wait3A_608 = tpu.memref_slice %arg8[%dma_wait3A_606, %dma_wait3A_607] : memref<8x4096xf32, #tpu.memory_space<vmem>> -> memref<1x4096xf32, #tpu.memory_space<vmem>>
      %dma_wait3A_609 = arith.constant 0 : i32
      %dma_wait3A_610 = arith.constant 0 : i32
      %dma_wait3A_611 = tpu.memref_slice %arg6[%dma_wait3A_609, %dma_wait3A_610] : memref<128x4096xf32, #tpu.memory_space<vmem_shared>> -> memref<1x4096xf32, #tpu.memory_space<vmem_shared>>
      tpu.wait_dma2 semaphore(%arg11 : memref<!tpu.dma_semaphore, #tpu.memory_space<semaphore_mem>>) src(%dma_wait3A_611 : memref<1x4096xf32, #tpu.memory_space<vmem_shared>>) dst(%dma_wait3A_608 : memref<1x4096xf32, #tpu.memory_space<vmem>>)
      %dma_wait3A_612 = arith.constant 6 : i32
      %dma_wait3A_613 = arith.constant 0 : i32
      %dma_wait3A_614 = tpu.memref_slice %arg8[%dma_wait3A_612, %dma_wait3A_613] : memref<8x4096xf32, #tpu.memory_space<vmem>> -> memref<1x4096xf32, #tpu.memory_space<vmem>>
      %dma_wait3A_615 = arith.constant 0 : i32
      %dma_wait3A_616 = arith.constant 0 : i32
      %dma_wait3A_617 = tpu.memref_slice %arg6[%dma_wait3A_615, %dma_wait3A_616] : memref<128x4096xf32, #tpu.memory_space<vmem_shared>> -> memref<1x4096xf32, #tpu.memory_space<vmem_shared>>
      %dma_wait3A_618 = arith.constant 6 : i32
      %dma_wait3A_619 = arith.constant 0 : i32
      %dma_wait3A_620 = tpu.memref_slice %arg8[%dma_wait3A_618, %dma_wait3A_619] : memref<8x4096xf32, #tpu.memory_space<vmem>> -> memref<1x4096xf32, #tpu.memory_space<vmem>>
      %dma_wait3A_621 = arith.constant 0 : i32
      %dma_wait3A_622 = arith.constant 0 : i32
      %dma_wait3A_623 = tpu.memref_slice %arg6[%dma_wait3A_621, %dma_wait3A_622] : memref<128x4096xf32, #tpu.memory_space<vmem_shared>> -> memref<1x4096xf32, #tpu.memory_space<vmem_shared>>
      tpu.wait_dma2 semaphore(%arg11 : memref<!tpu.dma_semaphore, #tpu.memory_space<semaphore_mem>>) src(%dma_wait3A_623 : memref<1x4096xf32, #tpu.memory_space<vmem_shared>>) dst(%dma_wait3A_620 : memref<1x4096xf32, #tpu.memory_space<vmem>>)
      %dma_wait3A_624 = arith.constant 7 : i32
      %dma_wait3A_625 = arith.constant 0 : i32
      %dma_wait3A_626 = tpu.memref_slice %arg8[%dma_wait3A_624, %dma_wait3A_625] : memref<8x4096xf32, #tpu.memory_space<vmem>> -> memref<1x4096xf32, #tpu.memory_space<vmem>>
      %dma_wait3A_627 = arith.constant 0 : i32
      %dma_wait3A_628 = arith.constant 0 : i32
      %dma_wait3A_629 = tpu.memref_slice %arg6[%dma_wait3A_627, %dma_wait3A_628] : memref<128x4096xf32, #tpu.memory_space<vmem_shared>> -> memref<1x4096xf32, #tpu.memory_space<vmem_shared>>
      %dma_wait3A_630 = arith.constant 7 : i32
      %dma_wait3A_631 = arith.constant 0 : i32
      %dma_wait3A_632 = tpu.memref_slice %arg8[%dma_wait3A_630, %dma_wait3A_631] : memref<8x4096xf32, #tpu.memory_space<vmem>> -> memref<1x4096xf32, #tpu.memory_space<vmem>>
      %dma_wait3A_633 = arith.constant 0 : i32
      %dma_wait3A_634 = arith.constant 0 : i32
      %dma_wait3A_635 = tpu.memref_slice %arg6[%dma_wait3A_633, %dma_wait3A_634] : memref<128x4096xf32, #tpu.memory_space<vmem_shared>> -> memref<1x4096xf32, #tpu.memory_space<vmem_shared>>
      tpu.wait_dma2 semaphore(%arg11 : memref<!tpu.dma_semaphore, #tpu.memory_space<semaphore_mem>>) src(%dma_wait3A_635 : memref<1x4096xf32, #tpu.memory_space<vmem_shared>>) dst(%dma_wait3A_632 : memref<1x4096xf32, #tpu.memory_space<vmem>>)
      %mul3A_636 = arith.constant 8 : i32
      %mul3A_637 = arith.muli %add3A_311, %mul3A_636 : i32
      %add3A_638 = arith.addi %mul3A_2, %mul3A_637 : i32
      %dma_start3A_639 = arith.constant 0 : i32
      %dma_start3A_640 = tpu.memref_slice %arg4[%add3A_638, %dma_start3A_639] : memref<16384x4096xf32, #tpu.memory_space<hbm>> -> memref<8x4096xf32, #tpu.memory_space<hbm>>
      %dma_start3A_641 = arith.constant 0 : i32
      %dma_start3A_642 = tpu.memref_slice %arg4[%add3A_638, %dma_start3A_641] : memref<16384x4096xf32, #tpu.memory_space<hbm>> -> memref<8x4096xf32, #tpu.memory_space<hbm>>
      tpu.enqueue_dma source(%arg8 : memref<8x4096xf32, #tpu.memory_space<vmem>>) target(%dma_start3A_642 : memref<8x4096xf32, #tpu.memory_space<hbm>>) target_semaphore(%arg13 : memref<!tpu.dma_semaphore, #tpu.memory_space<semaphore_mem>>)
      %ge3A_643 = arith.constant 1 : i32
      %ge3A_644 = arith.cmpi sge, %scan3A_307, %ge3A_643 : i32
      %le3A_645 = arith.constant 9 : i32
      %le3A_646 = arith.cmpi sle, %scan3A_307, %le3A_645 : i32
      %and3A = arith.andi %ge3A_644, %le3A_646 : i1
      %convert_element_type3A_647 = arith.extui %and3A : i1 to i32
      %cond3A_648 = arith.constant 0 : i32
      %cond3A_649 = arith.cmpi ne, %convert_element_type3A_647, %cond3A_648 : i32
      scf.if %cond3A_649 {
        %dma_wait3A_655 = arith.constant 0 : i32
        %dma_wait3A_656 = tpu.memref_slice %arg4[%mul3A_2, %dma_wait3A_655] : memref<16384x4096xf32, #tpu.memory_space<hbm>> -> memref<1x4096xf32, #tpu.memory_space<hbm>>
        %dma_wait3A_657 = arith.constant 0 : i32
        %dma_wait3A_658 = arith.constant 0 : i32
        %dma_wait3A_659 = tpu.memref_slice %arg6[%dma_wait3A_657, %dma_wait3A_658] : memref<128x4096xf32, #tpu.memory_space<vmem_shared>> -> memref<1x4096xf32, #tpu.memory_space<vmem_shared>>
        tpu.wait_dma2 semaphore(%arg9 : memref<!tpu.dma_semaphore, #tpu.memory_space<semaphore_mem>>) src(%dma_wait3A_659 : memref<1x4096xf32, #tpu.memory_space<vmem_shared>>) dst(%dma_wait3A_656 : memref<1x4096xf32, #tpu.memory_space<hbm>>)
        %dma_wait3A_660 = arith.constant 0 : i32
        %dma_wait3A_661 = tpu.memref_slice %arg4[%mul3A_2, %dma_wait3A_660] : memref<16384x4096xf32, #tpu.memory_space<hbm>> -> memref<1x4096xf32, #tpu.memory_space<hbm>>
        %dma_wait3A_662 = arith.constant 0 : i32
        %dma_wait3A_663 = arith.constant 0 : i32
        %dma_wait3A_664 = tpu.memref_slice %arg6[%dma_wait3A_662, %dma_wait3A_663] : memref<128x4096xf32, #tpu.memory_space<vmem_shared>> -> memref<1x4096xf32, #tpu.memory_space<vmem_shared>>
        tpu.wait_dma2 semaphore(%arg9 : memref<!tpu.dma_semaphore, #tpu.memory_space<semaphore_mem>>) src(%dma_wait3A_664 : memref<1x4096xf32, #tpu.memory_space<vmem_shared>>) dst(%dma_wait3A_661 : memref<1x4096xf32, #tpu.memory_space<hbm>>)
        %dma_wait3A_665 = arith.constant 0 : i32
        %dma_wait3A_666 = tpu.memref_slice %arg4[%mul3A_2, %dma_wait3A_665] : memref<16384x4096xf32, #tpu.memory_space<hbm>> -> memref<1x4096xf32, #tpu.memory_space<hbm>>
        %dma_wait3A_667 = arith.constant 0 : i32
        %dma_wait3A_668 = arith.constant 0 : i32
        %dma_wait3A_669 = tpu.memref_slice %arg6[%dma_wait3A_667, %dma_wait3A_668] : memref<128x4096xf32, #tpu.memory_space<vmem_shared>> -> memref<1x4096xf32, #tpu.memory_space<vmem_shared>>
        tpu.wait_dma2 semaphore(%arg9 : memref<!tpu.dma_semaphore, #tpu.memory_space<semaphore_mem>>) src(%dma_wait3A_669 : memref<1x4096xf32, #tpu.memory_space<vmem_shared>>) dst(%dma_wait3A_666 : memref<1x4096xf32, #tpu.memory_space<hbm>>)
        %dma_wait3A_670 = arith.constant 0 : i32
        %dma_wait3A_671 = tpu.memref_slice %arg4[%mul3A_2, %dma_wait3A_670] : memref<16384x4096xf32, #tpu.memory_space<hbm>> -> memref<1x4096xf32, #tpu.memory_space<hbm>>
        %dma_wait3A_672 = arith.constant 0 : i32
        %dma_wait3A_673 = arith.constant 0 : i32
        %dma_wait3A_674 = tpu.memref_slice %arg6[%dma_wait3A_672, %dma_wait3A_673] : memref<128x4096xf32, #tpu.memory_space<vmem_shared>> -> memref<1x4096xf32, #tpu.memory_space<vmem_shared>>
        tpu.wait_dma2 semaphore(%arg9 : memref<!tpu.dma_semaphore, #tpu.memory_space<semaphore_mem>>) src(%dma_wait3A_674 : memref<1x4096xf32, #tpu.memory_space<vmem_shared>>) dst(%dma_wait3A_671 : memref<1x4096xf32, #tpu.memory_space<hbm>>)
        %dma_wait3A_675 = arith.constant 0 : i32
        %dma_wait3A_676 = tpu.memref_slice %arg4[%mul3A_2, %dma_wait3A_675] : memref<16384x4096xf32, #tpu.memory_space<hbm>> -> memref<1x4096xf32, #tpu.memory_space<hbm>>
        %dma_wait3A_677 = arith.constant 0 : i32
        %dma_wait3A_678 = arith.constant 0 : i32
        %dma_wait3A_679 = tpu.memref_slice %arg6[%dma_wait3A_677, %dma_wait3A_678] : memref<128x4096xf32, #tpu.memory_space<vmem_shared>> -> memref<1x4096xf32, #tpu.memory_space<vmem_shared>>
        tpu.wait_dma2 semaphore(%arg9 : memref<!tpu.dma_semaphore, #tpu.memory_space<semaphore_mem>>) src(%dma_wait3A_679 : memref<1x4096xf32, #tpu.memory_space<vmem_shared>>) dst(%dma_wait3A_676 : memref<1x4096xf32, #tpu.memory_space<hbm>>)
        %dma_wait3A_680 = arith.constant 0 : i32
        %dma_wait3A_681 = tpu.memref_slice %arg4[%mul3A_2, %dma_wait3A_680] : memref<16384x4096xf32, #tpu.memory_space<hbm>> -> memref<1x4096xf32, #tpu.memory_space<hbm>>
        %dma_wait3A_682 = arith.constant 0 : i32
        %dma_wait3A_683 = arith.constant 0 : i32
        %dma_wait3A_684 = tpu.memref_slice %arg6[%dma_wait3A_682, %dma_wait3A_683] : memref<128x4096xf32, #tpu.memory_space<vmem_shared>> -> memref<1x4096xf32, #tpu.memory_space<vmem_shared>>
        tpu.wait_dma2 semaphore(%arg9 : memref<!tpu.dma_semaphore, #tpu.memory_space<semaphore_mem>>) src(%dma_wait3A_684 : memref<1x4096xf32, #tpu.memory_space<vmem_shared>>) dst(%dma_wait3A_681 : memref<1x4096xf32, #tpu.memory_space<hbm>>)
        %dma_wait3A_685 = arith.constant 0 : i32
        %dma_wait3A_686 = tpu.memref_slice %arg4[%mul3A_2, %dma_wait3A_685] : memref<16384x4096xf32, #tpu.memory_space<hbm>> -> memref<1x4096xf32, #tpu.memory_space<hbm>>
        %dma_wait3A_687 = arith.constant 0 : i32
        %dma_wait3A_688 = arith.constant 0 : i32
        %dma_wait3A_689 = tpu.memref_slice %arg6[%dma_wait3A_687, %dma_wait3A_688] : memref<128x4096xf32, #tpu.memory_space<vmem_shared>> -> memref<1x4096xf32, #tpu.memory_space<vmem_shared>>
        tpu.wait_dma2 semaphore(%arg9 : memref<!tpu.dma_semaphore, #tpu.memory_space<semaphore_mem>>) src(%dma_wait3A_689 : memref<1x4096xf32, #tpu.memory_space<vmem_shared>>) dst(%dma_wait3A_686 : memref<1x4096xf32, #tpu.memory_space<hbm>>)
        %dma_wait3A_690 = arith.constant 0 : i32
        %dma_wait3A_691 = tpu.memref_slice %arg4[%mul3A_2, %dma_wait3A_690] : memref<16384x4096xf32, #tpu.memory_space<hbm>> -> memref<1x4096xf32, #tpu.memory_space<hbm>>
        %dma_wait3A_692 = arith.constant 0 : i32
        %dma_wait3A_693 = arith.constant 0 : i32
        %dma_wait3A_694 = tpu.memref_slice %arg6[%dma_wait3A_692, %dma_wait3A_693] : memref<128x4096xf32, #tpu.memory_space<vmem_shared>> -> memref<1x4096xf32, #tpu.memory_space<vmem_shared>>
        tpu.wait_dma2 semaphore(%arg9 : memref<!tpu.dma_semaphore, #tpu.memory_space<semaphore_mem>>) src(%dma_wait3A_694 : memref<1x4096xf32, #tpu.memory_space<vmem_shared>>) dst(%dma_wait3A_691 : memref<1x4096xf32, #tpu.memory_space<hbm>>)
        %dma_wait3A_695 = arith.constant 0 : i32
        %dma_wait3A_696 = tpu.memref_slice %arg4[%mul3A_2, %dma_wait3A_695] : memref<16384x4096xf32, #tpu.memory_space<hbm>> -> memref<1x4096xf32, #tpu.memory_space<hbm>>
        %dma_wait3A_697 = arith.constant 0 : i32
        %dma_wait3A_698 = arith.constant 0 : i32
        %dma_wait3A_699 = tpu.memref_slice %arg6[%dma_wait3A_697, %dma_wait3A_698] : memref<128x4096xf32, #tpu.memory_space<vmem_shared>> -> memref<1x4096xf32, #tpu.memory_space<vmem_shared>>
        tpu.wait_dma2 semaphore(%arg9 : memref<!tpu.dma_semaphore, #tpu.memory_space<semaphore_mem>>) src(%dma_wait3A_699 : memref<1x4096xf32, #tpu.memory_space<vmem_shared>>) dst(%dma_wait3A_696 : memref<1x4096xf32, #tpu.memory_space<hbm>>)
        %dma_wait3A_700 = arith.constant 0 : i32
        %dma_wait3A_701 = tpu.memref_slice %arg4[%mul3A_2, %dma_wait3A_700] : memref<16384x4096xf32, #tpu.memory_space<hbm>> -> memref<1x4096xf32, #tpu.memory_space<hbm>>
        %dma_wait3A_702 = arith.constant 0 : i32
        %dma_wait3A_703 = arith.constant 0 : i32
        %dma_wait3A_704 = tpu.memref_slice %arg6[%dma_wait3A_702, %dma_wait3A_703] : memref<128x4096xf32, #tpu.memory_space<vmem_shared>> -> memref<1x4096xf32, #tpu.memory_space<vmem_shared>>
        tpu.wait_dma2 semaphore(%arg9 : memref<!tpu.dma_semaphore, #tpu.memory_space<semaphore_mem>>) src(%dma_wait3A_704 : memref<1x4096xf32, #tpu.memory_space<vmem_shared>>) dst(%dma_wait3A_701 : memref<1x4096xf32, #tpu.memory_space<hbm>>)
        %dma_wait3A_705 = arith.constant 0 : i32
        %dma_wait3A_706 = tpu.memref_slice %arg4[%mul3A_2, %dma_wait3A_705] : memref<16384x4096xf32, #tpu.memory_space<hbm>> -> memref<1x4096xf32, #tpu.memory_space<hbm>>
        %dma_wait3A_707 = arith.constant 0 : i32
        %dma_wait3A_708 = arith.constant 0 : i32
        %dma_wait3A_709 = tpu.memref_slice %arg6[%dma_wait3A_707, %dma_wait3A_708] : memref<128x4096xf32, #tpu.memory_space<vmem_shared>> -> memref<1x4096xf32, #tpu.memory_space<vmem_shared>>
        tpu.wait_dma2 semaphore(%arg9 : memref<!tpu.dma_semaphore, #tpu.memory_space<semaphore_mem>>) src(%dma_wait3A_709 : memref<1x4096xf32, #tpu.memory_space<vmem_shared>>) dst(%dma_wait3A_706 : memref<1x4096xf32, #tpu.memory_space<hbm>>)
        %dma_wait3A_710 = arith.constant 0 : i32
        %dma_wait3A_711 = tpu.memref_slice %arg4[%mul3A_2, %dma_wait3A_710] : memref<16384x4096xf32, #tpu.memory_space<hbm>> -> memref<1x4096xf32, #tpu.memory_space<hbm>>
        %dma_wait3A_712 = arith.constant 0 : i32
        %dma_wait3A_713 = arith.constant 0 : i32
        %dma_wait3A_714 = tpu.memref_slice %arg6[%dma_wait3A_712, %dma_wait3A_713] : memref<128x4096xf32, #tpu.memory_space<vmem_shared>> -> memref<1x4096xf32, #tpu.memory_space<vmem_shared>>
        tpu.wait_dma2 semaphore(%arg9 : memref<!tpu.dma_semaphore, #tpu.memory_space<semaphore_mem>>) src(%dma_wait3A_714 : memref<1x4096xf32, #tpu.memory_space<vmem_shared>>) dst(%dma_wait3A_711 : memref<1x4096xf32, #tpu.memory_space<hbm>>)
        %dma_wait3A_715 = arith.constant 0 : i32
        %dma_wait3A_716 = tpu.memref_slice %arg4[%mul3A_2, %dma_wait3A_715] : memref<16384x4096xf32, #tpu.memory_space<hbm>> -> memref<1x4096xf32, #tpu.memory_space<hbm>>
        %dma_wait3A_717 = arith.constant 0 : i32
        %dma_wait3A_718 = arith.constant 0 : i32
        %dma_wait3A_719 = tpu.memref_slice %arg6[%dma_wait3A_717, %dma_wait3A_718] : memref<128x4096xf32, #tpu.memory_space<vmem_shared>> -> memref<1x4096xf32, #tpu.memory_space<vmem_shared>>
        tpu.wait_dma2 semaphore(%arg9 : memref<!tpu.dma_semaphore, #tpu.memory_space<semaphore_mem>>) src(%dma_wait3A_719 : memref<1x4096xf32, #tpu.memory_space<vmem_shared>>) dst(%dma_wait3A_716 : memref<1x4096xf32, #tpu.memory_space<hbm>>)
        %dma_wait3A_720 = arith.constant 0 : i32
        %dma_wait3A_721 = tpu.memref_slice %arg4[%mul3A_2, %dma_wait3A_720] : memref<16384x4096xf32, #tpu.memory_space<hbm>> -> memref<1x4096xf32, #tpu.memory_space<hbm>>
        %dma_wait3A_722 = arith.constant 0 : i32
        %dma_wait3A_723 = arith.constant 0 : i32
        %dma_wait3A_724 = tpu.memref_slice %arg6[%dma_wait3A_722, %dma_wait3A_723] : memref<128x4096xf32, #tpu.memory_space<vmem_shared>> -> memref<1x4096xf32, #tpu.memory_space<vmem_shared>>
        tpu.wait_dma2 semaphore(%arg9 : memref<!tpu.dma_semaphore, #tpu.memory_space<semaphore_mem>>) src(%dma_wait3A_724 : memref<1x4096xf32, #tpu.memory_space<vmem_shared>>) dst(%dma_wait3A_721 : memref<1x4096xf32, #tpu.memory_space<hbm>>)
        %dma_wait3A_725 = arith.constant 0 : i32
        %dma_wait3A_726 = tpu.memref_slice %arg4[%mul3A_2, %dma_wait3A_725] : memref<16384x4096xf32, #tpu.memory_space<hbm>> -> memref<1x4096xf32, #tpu.memory_space<hbm>>
        %dma_wait3A_727 = arith.constant 0 : i32
        %dma_wait3A_728 = arith.constant 0 : i32
        %dma_wait3A_729 = tpu.memref_slice %arg6[%dma_wait3A_727, %dma_wait3A_728] : memref<128x4096xf32, #tpu.memory_space<vmem_shared>> -> memref<1x4096xf32, #tpu.memory_space<vmem_shared>>
        tpu.wait_dma2 semaphore(%arg9 : memref<!tpu.dma_semaphore, #tpu.memory_space<semaphore_mem>>) src(%dma_wait3A_729 : memref<1x4096xf32, #tpu.memory_space<vmem_shared>>) dst(%dma_wait3A_726 : memref<1x4096xf32, #tpu.memory_space<hbm>>)
        %dma_wait3A_730 = arith.constant 0 : i32
        %dma_wait3A_731 = tpu.memref_slice %arg4[%mul3A_2, %dma_wait3A_730] : memref<16384x4096xf32, #tpu.memory_space<hbm>> -> memref<1x4096xf32, #tpu.memory_space<hbm>>
        %dma_wait3A_732 = arith.constant 0 : i32
        %dma_wait3A_733 = arith.constant 0 : i32
        %dma_wait3A_734 = tpu.memref_slice %arg6[%dma_wait3A_732, %dma_wait3A_733] : memref<128x4096xf32, #tpu.memory_space<vmem_shared>> -> memref<1x4096xf32, #tpu.memory_space<vmem_shared>>
        tpu.wait_dma2 semaphore(%arg9 : memref<!tpu.dma_semaphore, #tpu.memory_space<semaphore_mem>>) src(%dma_wait3A_734 : memref<1x4096xf32, #tpu.memory_space<vmem_shared>>) dst(%dma_wait3A_731 : memref<1x4096xf32, #tpu.memory_space<hbm>>)
      } else {
      }
      %le3A_650 = arith.constant 8 : i32
      %le3A_651 = arith.cmpi sle, %scan3A_307, %le3A_650 : i32
      %convert_element_type3A_652 = arith.extui %le3A_651 : i1 to i32
      %cond3A_653 = arith.constant 0 : i32
      %cond3A_654 = arith.cmpi ne, %convert_element_type3A_652, %cond3A_653 : i32
      scf.if %cond3A_654 {
        %mul3A_655 = arith.constant 2 : i32
        %mul3A_656 = arith.muli %mul3A_655, %scan3A_307 : i32
        %add3A_657 = arith.constant 2 : i32
        %add3A_658 = arith.addi %mul3A_656, %add3A_657 : i32
        %mul3A_659 = arith.constant 16 : i32
        %mul3A_660 = arith.muli %add3A_658, %mul3A_659 : i32
        %add3A_661 = arith.constant 192 : i32
        %add3A_662 = arith.addi %add3A_661, %mul3A_660 : i32
        %get3A_663 = arith.index_cast %add3A_662 : i32 to index
        %get3A_664 = tpu.vector_load %arg5[%get3A_663] {strides = array<i32>} : memref<512xi32, #tpu.memory_space<vmem>>, vector<16xi32>,
        %get3A_665 = vector.shape_cast %get3A_664 : vector<16xi32> to vector<16xi32>
        %slice3A_666 = vector.extract_strided_slice %get3A_665 {offsets = [0], sizes = [1], strides = [1]} : vector<16xi32> to vector<1xi32>
        %squeeze3A_667 = vector.extract %slice3A_666[0] : i32 from vector<1xi32>
        %add3A_668 = arith.constant 192 : i32
        %add3A_669 = arith.addi %mul3A_2, %add3A_668 : i32
        %mul3A_670 = arith.constant 16 : i32
        %mul3A_671 = arith.muli %add3A_658, %mul3A_670 : i32
        %add3A_672 = arith.addi %add3A_669, %mul3A_671 : i32
        %add3A_673 = arith.constant 0 : i32
        %add3A_674 = arith.addi %add3A_672, %add3A_673 : i32
        %dma_start3A_675 = arith.constant 0 : i32
        %dma_start3A_676 = tpu.memref_slice %arg4[%add3A_674, %dma_start3A_675] : memref<16384x4096xf32, #tpu.memory_space<hbm>> -> memref<1x4096xf32, #tpu.memory_space<hbm>>
        %dma_start3A_677 = arith.constant 0 : i32
        %dma_start3A_678 = tpu.memref_slice %arg6[%squeeze3A_667, %dma_start3A_677] : memref<128x4096xf32, #tpu.memory_space<vmem_shared>> -> memref<1x4096xf32, #tpu.memory_space<vmem_shared>>
        tpu.enqueue_dma source(%dma_start3A_678 : memref<1x4096xf32, #tpu.memory_space<vmem_shared>>) target(%dma_start3A_676 : memref<1x4096xf32, #tpu.memory_space<hbm>>) target_semaphore(%arg9 : memref<!tpu.dma_semaphore, #tpu.memory_space<semaphore_mem>>)
        %slice3A_679 = vector.extract_strided_slice %get3A_665 {offsets = [1], sizes = [1], strides = [1]} : vector<16xi32> to vector<1xi32>
        %squeeze3A_680 = vector.extract %slice3A_679[0] : i32 from vector<1xi32>
        %add3A_681 = arith.constant 192 : i32
        %add3A_682 = arith.addi %mul3A_2, %add3A_681 : i32
        %mul3A_683 = arith.constant 16 : i32
        %mul3A_684 = arith.muli %add3A_658, %mul3A_683 : i32
        %add3A_685 = arith.addi %add3A_682, %mul3A_684 : i32
        %add3A_686 = arith.constant 1 : i32
        %add3A_687 = arith.addi %add3A_685, %add3A_686 : i32
        %dma_start3A_688 = arith.constant 0 : i32
        %dma_start3A_689 = tpu.memref_slice %arg4[%add3A_687, %dma_start3A_688] : memref<16384x4096xf32, #tpu.memory_space<hbm>> -> memref<1x4096xf32, #tpu.memory_space<hbm>>
        %dma_start3A_690 = arith.constant 0 : i32
        %dma_start3A_691 = tpu.memref_slice %arg6[%squeeze3A_680, %dma_start3A_690] : memref<128x4096xf32, #tpu.memory_space<vmem_shared>> -> memref<1x4096xf32, #tpu.memory_space<vmem_shared>>
        tpu.enqueue_dma source(%dma_start3A_691 : memref<1x4096xf32, #tpu.memory_space<vmem_shared>>) target(%dma_start3A_689 : memref<1x4096xf32, #tpu.memory_space<hbm>>) target_semaphore(%arg9 : memref<!tpu.dma_semaphore, #tpu.memory_space<semaphore_mem>>)
        %slice3A_692 = vector.extract_strided_slice %get3A_665 {offsets = [2], sizes = [1], strides = [1]} : vector<16xi32> to vector<1xi32>
        %squeeze3A_693 = vector.extract %slice3A_692[0] : i32 from vector<1xi32>
        %add3A_694 = arith.constant 192 : i32
        %add3A_695 = arith.addi %mul3A_2, %add3A_694 : i32
        %mul3A_696 = arith.constant 16 : i32
        %mul3A_697 = arith.muli %add3A_658, %mul3A_696 : i32
        %add3A_698 = arith.addi %add3A_695, %mul3A_697 : i32
        %add3A_699 = arith.constant 2 : i32
        %add3A_700 = arith.addi %add3A_698, %add3A_699 : i32
        %dma_start3A_701 = arith.constant 0 : i32
        %dma_start3A_702 = tpu.memref_slice %arg4[%add3A_700, %dma_start3A_701] : memref<16384x4096xf32, #tpu.memory_space<hbm>> -> memref<1x4096xf32, #tpu.memory_space<hbm>>
        %dma_start3A_703 = arith.constant 0 : i32
        %dma_start3A_704 = tpu.memref_slice %arg6[%squeeze3A_693, %dma_start3A_703] : memref<128x4096xf32, #tpu.memory_space<vmem_shared>> -> memref<1x4096xf32, #tpu.memory_space<vmem_shared>>
        tpu.enqueue_dma source(%dma_start3A_704 : memref<1x4096xf32, #tpu.memory_space<vmem_shared>>) target(%dma_start3A_702 : memref<1x4096xf32, #tpu.memory_space<hbm>>) target_semaphore(%arg9 : memref<!tpu.dma_semaphore, #tpu.memory_space<semaphore_mem>>)
        %slice3A_705 = vector.extract_strided_slice %get3A_665 {offsets = [3], sizes = [1], strides = [1]} : vector<16xi32> to vector<1xi32>
        %squeeze3A_706 = vector.extract %slice3A_705[0] : i32 from vector<1xi32>
        %add3A_707 = arith.constant 192 : i32
        %add3A_708 = arith.addi %mul3A_2, %add3A_707 : i32
        %mul3A_709 = arith.constant 16 : i32
        %mul3A_710 = arith.muli %add3A_658, %mul3A_709 : i32
        %add3A_711 = arith.addi %add3A_708, %mul3A_710 : i32
        %add3A_712 = arith.constant 3 : i32
        %add3A_713 = arith.addi %add3A_711, %add3A_712 : i32
        %dma_start3A_714 = arith.constant 0 : i32
        %dma_start3A_715 = tpu.memref_slice %arg4[%add3A_713, %dma_start3A_714] : memref<16384x4096xf32, #tpu.memory_space<hbm>> -> memref<1x4096xf32, #tpu.memory_space<hbm>>
        %dma_start3A_716 = arith.constant 0 : i32
        %dma_start3A_717 = tpu.memref_slice %arg6[%squeeze3A_706, %dma_start3A_716] : memref<128x4096xf32, #tpu.memory_space<vmem_shared>> -> memref<1x4096xf32, #tpu.memory_space<vmem_shared>>
        tpu.enqueue_dma source(%dma_start3A_717 : memref<1x4096xf32, #tpu.memory_space<vmem_shared>>) target(%dma_start3A_715 : memref<1x4096xf32, #tpu.memory_space<hbm>>) target_semaphore(%arg9 : memref<!tpu.dma_semaphore, #tpu.memory_space<semaphore_mem>>)
        %slice3A_718 = vector.extract_strided_slice %get3A_665 {offsets = [4], sizes = [1], strides = [1]} : vector<16xi32> to vector<1xi32>
        %squeeze3A_719 = vector.extract %slice3A_718[0] : i32 from vector<1xi32>
        %add3A_720 = arith.constant 192 : i32
        %add3A_721 = arith.addi %mul3A_2, %add3A_720 : i32
        %mul3A_722 = arith.constant 16 : i32
        %mul3A_723 = arith.muli %add3A_658, %mul3A_722 : i32
        %add3A_724 = arith.addi %add3A_721, %mul3A_723 : i32
        %add3A_725 = arith.constant 4 : i32
        %add3A_726 = arith.addi %add3A_724, %add3A_725 : i32
        %dma_start3A_727 = arith.constant 0 : i32
        %dma_start3A_728 = tpu.memref_slice %arg4[%add3A_726, %dma_start3A_727] : memref<16384x4096xf32, #tpu.memory_space<hbm>> -> memref<1x4096xf32, #tpu.memory_space<hbm>>
        %dma_start3A_729 = arith.constant 0 : i32
        %dma_start3A_730 = tpu.memref_slice %arg6[%squeeze3A_719, %dma_start3A_729] : memref<128x4096xf32, #tpu.memory_space<vmem_shared>> -> memref<1x4096xf32, #tpu.memory_space<vmem_shared>>
        tpu.enqueue_dma source(%dma_start3A_730 : memref<1x4096xf32, #tpu.memory_space<vmem_shared>>) target(%dma_start3A_728 : memref<1x4096xf32, #tpu.memory_space<hbm>>) target_semaphore(%arg9 : memref<!tpu.dma_semaphore, #tpu.memory_space<semaphore_mem>>)
        %slice3A_731 = vector.extract_strided_slice %get3A_665 {offsets = [5], sizes = [1], strides = [1]} : vector<16xi32> to vector<1xi32>
        %squeeze3A_732 = vector.extract %slice3A_731[0] : i32 from vector<1xi32>
        %add3A_733 = arith.constant 192 : i32
        %add3A_734 = arith.addi %mul3A_2, %add3A_733 : i32
        %mul3A_735 = arith.constant 16 : i32
        %mul3A_736 = arith.muli %add3A_658, %mul3A_735 : i32
        %add3A_737 = arith.addi %add3A_734, %mul3A_736 : i32
        %add3A_738 = arith.constant 5 : i32
        %add3A_739 = arith.addi %add3A_737, %add3A_738 : i32
        %dma_start3A_740 = arith.constant 0 : i32
        %dma_start3A_741 = tpu.memref_slice %arg4[%add3A_739, %dma_start3A_740] : memref<16384x4096xf32, #tpu.memory_space<hbm>> -> memref<1x4096xf32, #tpu.memory_space<hbm>>
        %dma_start3A_742 = arith.constant 0 : i32
        %dma_start3A_743 = tpu.memref_slice %arg6[%squeeze3A_732, %dma_start3A_742] : memref<128x4096xf32, #tpu.memory_space<vmem_shared>> -> memref<1x4096xf32, #tpu.memory_space<vmem_shared>>
        tpu.enqueue_dma source(%dma_start3A_743 : memref<1x4096xf32, #tpu.memory_space<vmem_shared>>) target(%dma_start3A_741 : memref<1x4096xf32, #tpu.memory_space<hbm>>) target_semaphore(%arg9 : memref<!tpu.dma_semaphore, #tpu.memory_space<semaphore_mem>>)
        %slice3A_744 = vector.extract_strided_slice %get3A_665 {offsets = [6], sizes = [1], strides = [1]} : vector<16xi32> to vector<1xi32>
        %squeeze3A_745 = vector.extract %slice3A_744[0] : i32 from vector<1xi32>
        %add3A_746 = arith.constant 192 : i32
        %add3A_747 = arith.addi %mul3A_2, %add3A_746 : i32
        %mul3A_748 = arith.constant 16 : i32
        %mul3A_749 = arith.muli %add3A_658, %mul3A_748 : i32
        %add3A_750 = arith.addi %add3A_747, %mul3A_749 : i32
        %add3A_751 = arith.constant 6 : i32
        %add3A_752 = arith.addi %add3A_750, %add3A_751 : i32
        %dma_start3A_753 = arith.constant 0 : i32
        %dma_start3A_754 = tpu.memref_slice %arg4[%add3A_752, %dma_start3A_753] : memref<16384x4096xf32, #tpu.memory_space<hbm>> -> memref<1x4096xf32, #tpu.memory_space<hbm>>
        %dma_start3A_755 = arith.constant 0 : i32
        %dma_start3A_756 = tpu.memref_slice %arg6[%squeeze3A_745, %dma_start3A_755] : memref<128x4096xf32, #tpu.memory_space<vmem_shared>> -> memref<1x4096xf32, #tpu.memory_space<vmem_shared>>
        tpu.enqueue_dma source(%dma_start3A_756 : memref<1x4096xf32, #tpu.memory_space<vmem_shared>>) target(%dma_start3A_754 : memref<1x4096xf32, #tpu.memory_space<hbm>>) target_semaphore(%arg9 : memref<!tpu.dma_semaphore, #tpu.memory_space<semaphore_mem>>)
        %slice3A_757 = vector.extract_strided_slice %get3A_665 {offsets = [7], sizes = [1], strides = [1]} : vector<16xi32> to vector<1xi32>
        %squeeze3A_758 = vector.extract %slice3A_757[0] : i32 from vector<1xi32>
        %add3A_759 = arith.constant 192 : i32
        %add3A_760 = arith.addi %mul3A_2, %add3A_759 : i32
        %mul3A_761 = arith.constant 16 : i32
        %mul3A_762 = arith.muli %add3A_658, %mul3A_761 : i32
        %add3A_763 = arith.addi %add3A_760, %mul3A_762 : i32
        %add3A_764 = arith.constant 7 : i32
        %add3A_765 = arith.addi %add3A_763, %add3A_764 : i32
        %dma_start3A_766 = arith.constant 0 : i32
        %dma_start3A_767 = tpu.memref_slice %arg4[%add3A_765, %dma_start3A_766] : memref<16384x4096xf32, #tpu.memory_space<hbm>> -> memref<1x4096xf32, #tpu.memory_space<hbm>>
        %dma_start3A_768 = arith.constant 0 : i32
        %dma_start3A_769 = tpu.memref_slice %arg6[%squeeze3A_758, %dma_start3A_768] : memref<128x4096xf32, #tpu.memory_space<vmem_shared>> -> memref<1x4096xf32, #tpu.memory_space<vmem_shared>>
        tpu.enqueue_dma source(%dma_start3A_769 : memref<1x4096xf32, #tpu.memory_space<vmem_shared>>) target(%dma_start3A_767 : memref<1x4096xf32, #tpu.memory_space<hbm>>) target_semaphore(%arg9 : memref<!tpu.dma_semaphore, #tpu.memory_space<semaphore_mem>>)
        %slice3A_770 = vector.extract_strided_slice %get3A_665 {offsets = [8], sizes = [1], strides = [1]} : vector<16xi32> to vector<1xi32>
        %squeeze3A_771 = vector.extract %slice3A_770[0] : i32 from vector<1xi32>
        %add3A_772 = arith.constant 192 : i32
        %add3A_773 = arith.addi %mul3A_2, %add3A_772 : i32
        %mul3A_774 = arith.constant 16 : i32
        %mul3A_775 = arith.muli %add3A_658, %mul3A_774 : i32
        %add3A_776 = arith.addi %add3A_773, %mul3A_775 : i32
        %add3A_777 = arith.constant 8 : i32
        %add3A_778 = arith.addi %add3A_776, %add3A_777 : i32
        %dma_start3A_779 = arith.constant 0 : i32
        %dma_start3A_780 = tpu.memref_slice %arg4[%add3A_778, %dma_start3A_779] : memref<16384x4096xf32, #tpu.memory_space<hbm>> -> memref<1x4096xf32, #tpu.memory_space<hbm>>
        %dma_start3A_781 = arith.constant 0 : i32
        %dma_start3A_782 = tpu.memref_slice %arg6[%squeeze3A_771, %dma_start3A_781] : memref<128x4096xf32, #tpu.memory_space<vmem_shared>> -> memref<1x4096xf32, #tpu.memory_space<vmem_shared>>
        tpu.enqueue_dma source(%dma_start3A_782 : memref<1x4096xf32, #tpu.memory_space<vmem_shared>>) target(%dma_start3A_780 : memref<1x4096xf32, #tpu.memory_space<hbm>>) target_semaphore(%arg9 : memref<!tpu.dma_semaphore, #tpu.memory_space<semaphore_mem>>)
        %slice3A_783 = vector.extract_strided_slice %get3A_665 {offsets = [9], sizes = [1], strides = [1]} : vector<16xi32> to vector<1xi32>
        %squeeze3A_784 = vector.extract %slice3A_783[0] : i32 from vector<1xi32>
        %add3A_785 = arith.constant 192 : i32
        %add3A_786 = arith.addi %mul3A_2, %add3A_785 : i32
        %mul3A_787 = arith.constant 16 : i32
        %mul3A_788 = arith.muli %add3A_658, %mul3A_787 : i32
        %add3A_789 = arith.addi %add3A_786, %mul3A_788 : i32
        %add3A_790 = arith.constant 9 : i32
        %add3A_791 = arith.addi %add3A_789, %add3A_790 : i32
        %dma_start3A_792 = arith.constant 0 : i32
        %dma_start3A_793 = tpu.memref_slice %arg4[%add3A_791, %dma_start3A_792] : memref<16384x4096xf32, #tpu.memory_space<hbm>> -> memref<1x4096xf32, #tpu.memory_space<hbm>>
        %dma_start3A_794 = arith.constant 0 : i32
        %dma_start3A_795 = tpu.memref_slice %arg6[%squeeze3A_784, %dma_start3A_794] : memref<128x4096xf32, #tpu.memory_space<vmem_shared>> -> memref<1x4096xf32, #tpu.memory_space<vmem_shared>>
        tpu.enqueue_dma source(%dma_start3A_795 : memref<1x4096xf32, #tpu.memory_space<vmem_shared>>) target(%dma_start3A_793 : memref<1x4096xf32, #tpu.memory_space<hbm>>) target_semaphore(%arg9 : memref<!tpu.dma_semaphore, #tpu.memory_space<semaphore_mem>>)
        %slice3A_796 = vector.extract_strided_slice %get3A_665 {offsets = [10], sizes = [1], strides = [1]} : vector<16xi32> to vector<1xi32>
        %squeeze3A_797 = vector.extract %slice3A_796[0] : i32 from vector<1xi32>
        %add3A_798 = arith.constant 192 : i32
        %add3A_799 = arith.addi %mul3A_2, %add3A_798 : i32
        %mul3A_800 = arith.constant 16 : i32
        %mul3A_801 = arith.muli %add3A_658, %mul3A_800 : i32
        %add3A_802 = arith.addi %add3A_799, %mul3A_801 : i32
        %add3A_803 = arith.constant 10 : i32
        %add3A_804 = arith.addi %add3A_802, %add3A_803 : i32
        %dma_start3A_805 = arith.constant 0 : i32
        %dma_start3A_806 = tpu.memref_slice %arg4[%add3A_804, %dma_start3A_805] : memref<16384x4096xf32, #tpu.memory_space<hbm>> -> memref<1x4096xf32, #tpu.memory_space<hbm>>
        %dma_start3A_807 = arith.constant 0 : i32
        %dma_start3A_808 = tpu.memref_slice %arg6[%squeeze3A_797, %dma_start3A_807] : memref<128x4096xf32, #tpu.memory_space<vmem_shared>> -> memref<1x4096xf32, #tpu.memory_space<vmem_shared>>
        tpu.enqueue_dma source(%dma_start3A_808 : memref<1x4096xf32, #tpu.memory_space<vmem_shared>>) target(%dma_start3A_806 : memref<1x4096xf32, #tpu.memory_space<hbm>>) target_semaphore(%arg9 : memref<!tpu.dma_semaphore, #tpu.memory_space<semaphore_mem>>)
        %slice3A_809 = vector.extract_strided_slice %get3A_665 {offsets = [11], sizes = [1], strides = [1]} : vector<16xi32> to vector<1xi32>
        %squeeze3A_810 = vector.extract %slice3A_809[0] : i32 from vector<1xi32>
        %add3A_811 = arith.constant 192 : i32
        %add3A_812 = arith.addi %mul3A_2, %add3A_811 : i32
        %mul3A_813 = arith.constant 16 : i32
        %mul3A_814 = arith.muli %add3A_658, %mul3A_813 : i32
        %add3A_815 = arith.addi %add3A_812, %mul3A_814 : i32
        %add3A_816 = arith.constant 11 : i32
        %add3A_817 = arith.addi %add3A_815, %add3A_816 : i32
        %dma_start3A_818 = arith.constant 0 : i32
        %dma_start3A_819 = tpu.memref_slice %arg4[%add3A_817, %dma_start3A_818] : memref<16384x4096xf32, #tpu.memory_space<hbm>> -> memref<1x4096xf32, #tpu.memory_space<hbm>>
        %dma_start3A_820 = arith.constant 0 : i32
        %dma_start3A_821 = tpu.memref_slice %arg6[%squeeze3A_810, %dma_start3A_820] : memref<128x4096xf32, #tpu.memory_space<vmem_shared>> -> memref<1x4096xf32, #tpu.memory_space<vmem_shared>>
        tpu.enqueue_dma source(%dma_start3A_821 : memref<1x4096xf32, #tpu.memory_space<vmem_shared>>) target(%dma_start3A_819 : memref<1x4096xf32, #tpu.memory_space<hbm>>) target_semaphore(%arg9 : memref<!tpu.dma_semaphore, #tpu.memory_space<semaphore_mem>>)
        %slice3A_822 = vector.extract_strided_slice %get3A_665 {offsets = [12], sizes = [1], strides = [1]} : vector<16xi32> to vector<1xi32>
        %squeeze3A_823 = vector.extract %slice3A_822[0] : i32 from vector<1xi32>
        %add3A_824 = arith.constant 192 : i32
        %add3A_825 = arith.addi %mul3A_2, %add3A_824 : i32
        %mul3A_826 = arith.constant 16 : i32
        %mul3A_827 = arith.muli %add3A_658, %mul3A_826 : i32
        %add3A_828 = arith.addi %add3A_825, %mul3A_827 : i32
        %add3A_829 = arith.constant 12 : i32
        %add3A_830 = arith.addi %add3A_828, %add3A_829 : i32
        %dma_start3A_831 = arith.constant 0 : i32
        %dma_start3A_832 = tpu.memref_slice %arg4[%add3A_830, %dma_start3A_831] : memref<16384x4096xf32, #tpu.memory_space<hbm>> -> memref<1x4096xf32, #tpu.memory_space<hbm>>
        %dma_start3A_833 = arith.constant 0 : i32
        %dma_start3A_834 = tpu.memref_slice %arg6[%squeeze3A_823, %dma_start3A_833] : memref<128x4096xf32, #tpu.memory_space<vmem_shared>> -> memref<1x4096xf32, #tpu.memory_space<vmem_shared>>
        tpu.enqueue_dma source(%dma_start3A_834 : memref<1x4096xf32, #tpu.memory_space<vmem_shared>>) target(%dma_start3A_832 : memref<1x4096xf32, #tpu.memory_space<hbm>>) target_semaphore(%arg9 : memref<!tpu.dma_semaphore, #tpu.memory_space<semaphore_mem>>)
        %slice3A_835 = vector.extract_strided_slice %get3A_665 {offsets = [13], sizes = [1], strides = [1]} : vector<16xi32> to vector<1xi32>
        %squeeze3A_836 = vector.extract %slice3A_835[0] : i32 from vector<1xi32>
        %add3A_837 = arith.constant 192 : i32
        %add3A_838 = arith.addi %mul3A_2, %add3A_837 : i32
        %mul3A_839 = arith.constant 16 : i32
        %mul3A_840 = arith.muli %add3A_658, %mul3A_839 : i32
        %add3A_841 = arith.addi %add3A_838, %mul3A_840 : i32
        %add3A_842 = arith.constant 13 : i32
        %add3A_843 = arith.addi %add3A_841, %add3A_842 : i32
        %dma_start3A_844 = arith.constant 0 : i32
        %dma_start3A_845 = tpu.memref_slice %arg4[%add3A_843, %dma_start3A_844] : memref<16384x4096xf32, #tpu.memory_space<hbm>> -> memref<1x4096xf32, #tpu.memory_space<hbm>>
        %dma_start3A_846 = arith.constant 0 : i32
        %dma_start3A_847 = tpu.memref_slice %arg6[%squeeze3A_836, %dma_start3A_846] : memref<128x4096xf32, #tpu.memory_space<vmem_shared>> -> memref<1x4096xf32, #tpu.memory_space<vmem_shared>>
        tpu.enqueue_dma source(%dma_start3A_847 : memref<1x4096xf32, #tpu.memory_space<vmem_shared>>) target(%dma_start3A_845 : memref<1x4096xf32, #tpu.memory_space<hbm>>) target_semaphore(%arg9 : memref<!tpu.dma_semaphore, #tpu.memory_space<semaphore_mem>>)
        %slice3A_848 = vector.extract_strided_slice %get3A_665 {offsets = [14], sizes = [1], strides = [1]} : vector<16xi32> to vector<1xi32>
        %squeeze3A_849 = vector.extract %slice3A_848[0] : i32 from vector<1xi32>
        %add3A_850 = arith.constant 192 : i32
        %add3A_851 = arith.addi %mul3A_2, %add3A_850 : i32
        %mul3A_852 = arith.constant 16 : i32
        %mul3A_853 = arith.muli %add3A_658, %mul3A_852 : i32
        %add3A_854 = arith.addi %add3A_851, %mul3A_853 : i32
        %add3A_855 = arith.constant 14 : i32
        %add3A_856 = arith.addi %add3A_854, %add3A_855 : i32
        %dma_start3A_857 = arith.constant 0 : i32
        %dma_start3A_858 = tpu.memref_slice %arg4[%add3A_856, %dma_start3A_857] : memref<16384x4096xf32, #tpu.memory_space<hbm>> -> memref<1x4096xf32, #tpu.memory_space<hbm>>
        %dma_start3A_859 = arith.constant 0 : i32
        %dma_start3A_860 = tpu.memref_slice %arg6[%squeeze3A_849, %dma_start3A_859] : memref<128x4096xf32, #tpu.memory_space<vmem_shared>> -> memref<1x4096xf32, #tpu.memory_space<vmem_shared>>
        tpu.enqueue_dma source(%dma_start3A_860 : memref<1x4096xf32, #tpu.memory_space<vmem_shared>>) target(%dma_start3A_858 : memref<1x4096xf32, #tpu.memory_space<hbm>>) target_semaphore(%arg9 : memref<!tpu.dma_semaphore, #tpu.memory_space<semaphore_mem>>)
        %slice3A_861 = vector.extract_strided_slice %get3A_665 {offsets = [15], sizes = [1], strides = [1]} : vector<16xi32> to vector<1xi32>
        %squeeze3A_862 = vector.extract %slice3A_861[0] : i32 from vector<1xi32>
        %add3A_863 = arith.constant 192 : i32
        %add3A_864 = arith.addi %mul3A_2, %add3A_863 : i32
        %mul3A_865 = arith.constant 16 : i32
        %mul3A_866 = arith.muli %add3A_658, %mul3A_865 : i32
        %add3A_867 = arith.addi %add3A_864, %mul3A_866 : i32
        %add3A_868 = arith.constant 15 : i32
        %add3A_869 = arith.addi %add3A_867, %add3A_868 : i32
        %dma_start3A_870 = arith.constant 0 : i32
        %dma_start3A_871 = tpu.memref_slice %arg4[%add3A_869, %dma_start3A_870] : memref<16384x4096xf32, #tpu.memory_space<hbm>> -> memref<1x4096xf32, #tpu.memory_space<hbm>>
        %dma_start3A_872 = arith.constant 0 : i32
        %dma_start3A_873 = tpu.memref_slice %arg6[%squeeze3A_862, %dma_start3A_872] : memref<128x4096xf32, #tpu.memory_space<vmem_shared>> -> memref<1x4096xf32, #tpu.memory_space<vmem_shared>>
        tpu.enqueue_dma source(%dma_start3A_873 : memref<1x4096xf32, #tpu.memory_space<vmem_shared>>) target(%dma_start3A_871 : memref<1x4096xf32, #tpu.memory_space<hbm>>) target_semaphore(%arg9 : memref<!tpu.dma_semaphore, #tpu.memory_space<semaphore_mem>>)
      } else {
      }
    }
    %scan3A_301 = arith.constant 12 : i32
    %add3A_302 = arith.constant 184 : i32
    %add3A_303 = arith.addi %mul3A_2, %add3A_302 : i32
    %dma_wait3A = arith.constant 0 : i32
    %dma_wait3A_304 = tpu.memref_slice %arg4[%add3A_303, %dma_wait3A] : memref<16384x4096xf32, #tpu.memory_space<hbm>> -> memref<8x4096xf32, #tpu.memory_space<hbm>>
    %dma_wait3A_305 = arith.constant 0 : i32
    %dma_wait3A_306 = tpu.memref_slice %arg4[%add3A_303, %dma_wait3A_305] : memref<16384x4096xf32, #tpu.memory_space<hbm>> -> memref<8x4096xf32, #tpu.memory_space<hbm>>
    tpu.wait_dma2 semaphore(%arg13 : memref<!tpu.dma_semaphore, #tpu.memory_space<semaphore_mem>>) src(%arg8 : memref<8x4096xf32, #tpu.memory_space<vmem>>) dst(%dma_wait3A_306 : memref<8x4096xf32, #tpu.memory_space<hbm>>)
    return
  }
}

</mosaic_0001>

<sc_bundles>
// kernel: kernel.3.cloned.1.call-start
scs
__scs_entry_jumppad:
0x0: {  	(pc) =	sbr.rel $0x88, $3  }
0x1: {  	(tag) =	ssettag $0x0;
	lr =	simm.s32 $0x1  }
0x2: {  	[smem:$0x3F9F] =	sst lr;
	_ =	strace $0xD0000000  }
0x3: {  	_ = 	snop  }
0x4: {  	_ = 	snop  }
0x5: {  	_ = 	snop  }
0x6: {  	_ = 	snop  }
0x7: {  	_ = 	snop  }
__scs_overlays_trampoline_lowered:
0x8: {  	[smem:$0x3FAE] =	sst s0  }
0x9: {  	[smem:$0x3FAF] =	sst s1  }
0xa: {  	[smem:$0x3FB0] =	sst s2  }
0xb: {  	[smem:$0x3FB1] =	sst s3  }
0xc: {  	[smem:$0x3FB2] =	sst s4  }
0xd: {  	[smem:$0x3FB3] =	sst s5  }
0xe: {  	[smem:$0x3FB4] =	sst s6  }
0xf: {  	[smem:$0x3FB5] =	sst s7  }
0x10: {  	[smem:$0x3FB6] =	sst s8  }
0x11: {  	[smem:$0x3FB7] =	sst s9;
	s0 =	simm.s32 @!p0 $0x0  }
0x12: {  	s1 =	sld [smem:$0x3F9D];
	s0 =	simm.s32 @p0 $0x1  }
0x13: {  	[smem:$0x3FB8] =	sst s0;
	s0 =	simm.s32 @!p1 $0x0  }
0x14: {  	s2 =	sld [smem:$0x3F9C];
	s0 =	simm.s32 @p1 $0x1  }
0x15: {  	[smem:$0x3FB9] =	sst s0;
	s0 =	simm.s32 @!p2 $0x0  }
0x16: {  	s3 =	sld [smem:$0x3FDB];
	s0 =	simm.s32 @p2 $0x1  }
0x17: {  	s4 =	simm.s32 $0x1BF5;
	[smem:$0x3FBB] =	sst s0  }
0x18: {  	s0 =	sld [smem:$0x3F9E];
	_ =	swait.ge [sflag:s4], $0x0  }
0x19: {  	s7 =	sld [smem:$0x3F9F]  }
0x1a: {  	s8 =	sadd.s32 $0xFFFFE003, lr  }
0x1b: {  	s9 =	sadd.s32 $0xFFFFFEF7, lr;
	s5 =	simm.s32 $0xFFFFFFFF;
	p2 =	slt.u32 s8, $0xFFFFF086  }
0x1c: {  	p1 =	slt.u32 s9, $0xF7A;
	s5 =	simm.s32 @!p2 $0x0  }
0x1d: {  	s5 =	simm.s32 @p1 $0x1;
	p0 =	seq.s32 s7, s2  }
0x1e: {  	s7 =	smul.u32 @!p0 $0xF7A, s2;
	p2 =	seq.s32 @!p0 s5, $0x0  }
0x1f: {  	s9 =	smul.u32 $0xF7A, s1;
	s8 =	simm.s32 @!p0 $0x1BF5;
	p2 =	por !p2, p0  }
0x20: {  	[sflag:s8] =	ssyncset.s32 @!p0 $0xFFFFF086;
	s6 =	sadd.s32 @!p0 s3, s7;
	s7 =	simm.s32 @!p0 $0x108  }
0x21: {  	s3 =	sadd.s32 s3, s9;
	s6 =	sadd.s32 @!p0 $0x88, s6;
	s7 =	simm.s32 @p2 $0x1082  }
0x22: {  	[simem:s7], [sflag:s8] =	dma.local @!p0 [hbm:s6], $0xF7A  }
0x23: {  	s9 =	sor.u32 $0xD0000000, s2;
	s6 =	simm.s32 $0x108;
	_ =	swait.ge @!p0 [sflag:s8], $0x0  }
0x24: {  	s3 =	sadd.s32 $0x88, s3;
	s6 =	simm.s32 @!p1 $0x1082;
	[sflag:s4] =	ssyncset.s32 $0xFFFFF086  }
0x25: {  	[simem:s6], [sflag:s4] =	dma.local [hbm:s3], $0xF7A  }
0x26: {  	[smem:$0x3F9F] =	sst s1;
	(tag) =	ssettag s2;
	_ =	strace s9  }
0x27: {  	s1 =	sld [smem:$0x3FAF]  }
0x28: {  	s2 =	sld [smem:$0x3FB0]  }
0x29: {  	s4 =	sld [smem:$0x3FB2]  }
0x2a: {  	p0 =	seq.s32 s5, $0x0;
	s5 =	sld [smem:$0x3FB3]  }
0x2b: {  	s6 =	sld [smem:$0x3FB4]  }
0x2c: {  	s7 =	sld [smem:$0x3FB5]  }
0x2d: {  	s3 =	simm.s32 $0x108;
	s8 =	sld [smem:$0x3FB6]  }
0x2e: {  	s3 =	simm.s32 @!p0 $0x1082;
	s9 =	sld [smem:$0x3FB7]  }
0x2f: {  	lr =	sadd.s32 s0, s3;
	s0 =	sld [smem:$0x3FAE]  }
0x30: {  	s3 =	sld [smem:$0x3FB1]  }
0x31: {  	[smem:$0x3FBA] =	sst s10  }
0x32: {  	s10 =	sld [smem:$0x3FB8];
	_ =	sdelay $0x3  }
0x33: {  	p0 =	seq.s32 s10, $0x1;
	s10 =	sld [smem:$0x3FBA];
	_ =	sdelay $0x3  }
0x34: {  	[smem:$0x3FBA] =	sst s10  }
0x35: {  	s10 =	sld [smem:$0x3FB9];
	_ =	sdelay $0x3  }
0x36: {  	p1 =	seq.s32 s10, $0x1;
	s10 =	sld [smem:$0x3FBA];
	_ =	sdelay $0x3  }
0x37: {  	[smem:$0x3FBA] =	sst s10  }
0x38: {  	s10 =	sld [smem:$0x3FBB]  }
0x39: {  	_ = 	snop;
	(pc) =	sbr.ind lr, $3  }
0x3a: {  	_ = 	snop  }
0x3b: {  	_ = 	snop  }
0x3c: {  	p2 =	seq.s32 s10, $0x1;
	s10 =	sld [smem:$0x3FBA]  }
0x3d: {  	_ =	shalt  }
0x3e: {  	_ =	shalt  }
0x3f: {  	_ =	shalt  }
0x40: {  	_ =	shalt  }
0x41: {  	_ =	shalt  }
0x42: {  	_ =	shalt  }
0x43: {  	_ =	shalt  }
0x44: {  	_ =	shalt  }
0x45: {  	_ =	shalt  }
0x46: {  	_ =	shalt  }
0x47: {  	_ =	shalt  }
0x48: {  	_ =	shalt  }
0x49: {  	_ =	shalt  }
0x4a: {  	_ =	shalt  }
0x4b: {  	_ =	shalt  }
0x4c: {  	_ =	shalt  }
0x4d: {  	_ =	shalt  }
0x4e: {  	_ =	shalt  }
0x4f: {  	_ =	shalt  }
0x50: {  	_ =	shalt  }
0x51: {  	_ =	shalt  }
0x52: {  	_ =	shalt  }
0x53: {  	_ =	shalt  }
0x54: {  	_ =	shalt  }
0x55: {  	_ =	shalt  }
0x56: {  	_ =	shalt  }
0x57: {  	_ =	shalt  }
0x58: {  	_ =	shalt  }
0x59: {  	_ =	shalt  }
0x5a: {  	_ =	shalt  }
0x5b: {  	_ =	shalt  }
0x5c: {  	_ =	shalt  }
0x5d: {  	_ =	shalt  }
0x5e: {  	_ =	shalt  }
0x5f: {  	_ =	shalt  }
0x60: {  	_ =	shalt  }
0x61: {  	_ =	shalt  }
0x62: {  	_ =	shalt  }
0x63: {  	_ =	shalt  }
0x64: {  	_ =	shalt  }
0x65: {  	_ =	shalt  }
0x66: {  	_ =	shalt  }
0x67: {  	_ =	shalt  }
0x68: {  	_ =	shalt  }
0x69: {  	_ =	shalt  }
0x6a: {  	_ =	shalt  }
0x6b: {  	_ =	shalt  }
0x6c: {  	_ =	shalt  }
0x6d: {  	_ =	shalt  }
0x6e: {  	_ =	shalt  }
0x6f: {  	_ =	shalt  }
0x70: {  	_ =	shalt  }
0x71: {  	_ =	shalt  }
0x72: {  	_ =	shalt  }
0x73: {  	_ =	shalt  }
0x74: {  	_ =	shalt  }
0x75: {  	_ =	shalt  }
0x76: {  	_ =	shalt  }
0x77: {  	_ =	shalt  }
0x78: {  	_ =	shalt  }
0x79: {  	_ =	shalt  }
0x7a: {  	_ =	shalt  }
0x7b: {  	_ =	shalt  }
0x7c: {  	_ =	shalt  }
0x7d: {  	_ =	shalt  }
0x7e: {  	_ =	shalt  }
0x7f: {  	_ =	shalt  }
0x80: {  	_ =	shalt  }
0x81: {  	_ =	shalt  }
0x82: {  	_ =	shalt  }
0x83: {  	_ =	shalt  }
0x84: {  	_ =	shalt  }
0x85: {  	_ =	shalt  }
0x86: {  	_ =	shalt  }
0x87: {  	_ =	shalt  }
.Lfunc_end0:
.L_simem_size_0:
called_computation_lowered:
.L_overlay_start_0:
0x88: {  	s2 =	sld [smem:$0x3FD9]  }
0x89: {  	s3 =	sld [smem:$0x3FFE];
	_ =	sdelay $0x1  }
0x8a: {  	s1 =	srdreg.scid  }
0x8b: {  	s0 =	sand.u32 $0x1, s1  }
0x8c: {  	s17 =	sshll.u32 s0, $0xA;
	s2 =	sadd.s32 s3, s2  }
0x8d: {  	s2 =	sadd.s32 s2, s17  }
0x8e: {  	[smem:$0x3FC6] =	sst s2  }
0x8f: {  	_ = 	snop  }
0x90: {  	s2 =	sld [smem:$0x3FC8]  }
0x91: {  	s18 =	sld [smem:$0x3FD0];
	(tm) =	ssettm $0x1  }
0x92: {  	s4 =	sld [smem:$0x3FFB];
	_ =	sdelay $0x3  }
0x93: {  	_ =	strace s4  }
0x94: {  	s4 =	sld [smem:$0x3FFC];
	_ =	sdelay $0x3  }
0x95: {  	_ =	strace s4  }
0x96: {  	s4 =	sld [smem:$0x3FFD];
	_ =	sdelay $0x3  }
0x97: {  	_ =	strace s4  }
0x98: {  	_ =	strace $0x8FFFFFFF  }
0x99: {  	s19 =	sld [smem:$0x3FDB];
	_ =	sdelay $0x1  }
0x9a: {  	s5 =	simm.s32 $_scs_section_size  }
0x9b: {  	s6 =	simm.s32 $_size__tile_overlayer_lowered;
	s7 =	simm.s32 $_tile_overlayer_lowered  }
0x9c: {  	s22 =	simm.s32 $0x1BFF;
	s21 =	sshll.u32 s7, $0x1;
	s4 =	sadd.s32 s5, s19  }
0x9d: {  	s8 =	simm.s32 $0x0;
	s20 =	sshll.u32 s6, $0x1;
	s6 =	sadd.s32 s21, s4  }
0x9e: {  	[timem:s8], [sflag:s22] =	dma.local [hbm:s6], s20  }
0x9f: {  	_ =	swait.ge [sflag:s22], s20  }
0xa0: {  	s5 =	ssub.s32 $0x0, s20;
	[sflag:s22] =	ssyncset.done $0x0  }
0xa1: {  	[sflag:s22] =	ssyncadd.s32 s5;
	_ =	sdelay $0x1  }
0xa2: {  	s23 =	simm.s32 $0x1B8B  }
0xa3: {  	_ =	swait.ge [sflag:s23], $0x1  }
0xa4: {  	[sflag:s23] =	ssyncset.done $0x0  }
0xa5: {  	s25 =	simm.s32 $0x1B8E;
	s24 =	sld [smem:$0x3FFE];
	[sflag:s23] =	ssyncadd.s32 $0xFFFFFFFF  }
0xa6: {  	s26 =	simm.s32 $execute0_lowered;
	[smem:$0x3FD2] =	sst s25  }
0xa7: {  	s6 =	sshll.u32 s26, $0x1;
	_ =	strace $0x80000046;
	[dreg:$0x1] =	wrdreg $0xFFFFFFFF  }
0xa8: {  	s28 =	simm.s32 $_size_execute0_lowered;
	s4 =	sadd.s32 s4, s6;
	[dreg:$0x0] =	wrdreg $0x0  }
0xa9: {  	s6 =	sshll.u32 s28, $0x1;
	[dreg:$0x2] =	wrdreg s4  }
0xaa: {  	[dreg:$0x3] =	wrdreg s6  }
0xab: {  	[dreg:$0x4] =	wrdreg $0xC0  }
0xac: {  	_ =	task [dreg:s8], $0x5FFFF  }
0xad: {  	[dreg:$0x1] =	wrdreg $0xFFFFFFFF  }
0xae: {  	[dreg:$0x0] =	wrdreg $0x60  }
0xaf: {  	[dreg:$0x2] =	wrdreg s24  }
0xb0: {  	[dreg:$0x3] =	wrdreg s2  }
0xb1: {  	[dreg:$0x4] =	wrdreg s18  }
0xb2: {  	[dreg:$0x5] =	wrdreg $0x2000  }
0xb3: {  	[dreg:$0x6] =	wrdreg $0x9  }
0xb4: {  	_ =	task.clear_ibuf [dreg:s8], $0x7FFFF;
	_ =	strace $0x90000046  }
0xb5: {  	s29 =	simm.s32 $0x9;
	_ =	strace $0x80000048  }
0xb6: {  	_ =	swait.ge [sflag:s29], $0x1  }
0xb7: {  	[sflag:s29] =	ssyncadd.s32 $0xFFFFFFFF  }
0xb8: {  	_ =	strace $0x90000048  }
0xb9: {  	_ =	sfence  }
0xba: {  	s30 =	sld [smem:$0x0];
	_ =	sdelay $0x2  }
0xbb: {  	s31 =	sshll.u32 s1, $0xD;
	s1 =	sshrl.u32 s1, $0x2  }
0xbc: {  	s3 =	sand.u32 $0x4000, s31;
	s1 =	sadd.s32 s1, s30  }
0xbd: {  	s0 =	sor.u32 s3, s0;
	s1 =	sshll.u32 s1, $0x11  }
0xbe: {  	s0 =	sor.u32 s1, s0  }
0xbf: {  	s0 =	sadd.s32 $0x8F2B, s0  }
0xc0: {  	[sflag:s0] =	ssyncadd.remote.s32 $0x1  }
0xc1: {  	_ =	sfence.sel $0xFFFF  }
0xc2: {  	[dreg:$0x0] =	wrdreg $0xFFFFFFFF;
	(pc) =	sbr.abs _section_cstart, $3  }
0xc3: {  	[dreg:$0x1] =	wrdreg $0xFFFFFFFF  }
0xc4: {  	_ =	task.clear_ibuf [dreg:s8], $0x2FFFF;
	_ =	strace $0x9FFFFFFF  }
0xc5: {  	(tm) =	ssettm $0x7FFFFFFF  }
tec
execute0_lowered:
.L_overlay_start_1:
0x0: {  	(tag) =	ssettag $0x1  }
0x1: {  	s1 =	rddreg [dreg:$0x0]  }
0x2: {  	s0 =	srdreg.scid;
	s3 =	rddreg [dreg:$0x1]  }
0x3: {  	s7 =	stileid.u32;
	s8 =	rddreg [dreg:$0x2]  }
0x4: {  	s4 =	rddreg [dreg:$0x3];
	s10 =	simm.s32 $0x0;
	s0 =	sand.u32 $0x1, s0  }
0x5: {  	s2 =	sshll.u32 s7, $0x1;
	[smem:$0x7FF] =	sst s10;
	s28 =	sshll.u32 s7, $0xC  }
0x6: {  	s2 =	sor.u32 s0, s2;
	s0 =	ssub.s32 $0x2, s0;
	_ =	strace $0x80000047  }
0x7: {  	s9 =	sshll.u32 s2, $0x9;
	s5 =	sshll.u32 s2, $0x7;
	s26 =	sshrl.u32 s0, $0x1  }
0x8: {  	s6 =	sand.u32 $0x3000, s9;
	s5 =	sand.u32 $0x380, s5;
	s0 =	ssub.s32 s0, s26  }
0x9: {  	[dreg:$0x5] =	wrdreg s9;
	s5 =	sor.u32 s5, s6;
	s6 =	sshll.u32 s7, $0xF  }
0xa: {  	s0 =	smax.u32 s0, $0x1;
	s5 =	sshrl.u32 s5, $0x3;
	s7 =	sadd.s32 s6, s4  }
0xb: {  	[dreg:$0x17] =	wrdreg s0;
	s1 =	sadd.s32 s5, s1;
	s24 =	sshrl.u32 s7, $0x3  }
0xc: {  	s1 =	sadd.s32 $0x400, s1;
	[dreg:$0x18] =	wrdreg s24  }
0xd: {  	[dreg:$0x6] =	wrdreg s1;
	s1 =	sadd.s32 s3, s28  }
0xe: {  	s5 =	sshll.u32 s2, $0x12;
	s28 =	sadd.s32 $0x10, s8;
	[dreg:$0x7] =	wrdreg s1  }
0xf: {  	s1 =	sor.u32 $0xC0, s9;
	s9 =	sadd.s32 s8, s5;
	[dreg:$0x1b] =	wrdreg s28  }
0x10: {  	[dreg:$0x8] =	wrdreg s1;
	s11 =	sadd.s32 $0x18010, s9  }
0x11: {  	s12 =	sadd.s32 $0x18020, s9;
	[dreg:$0xa] =	wrdreg s11  }
0x12: {  	s13 =	sadd.s32 $0x18030, s9;
	[dreg:$0xb] =	wrdreg s12  }
0x13: {  	s14 =	sadd.s32 $0x18040, s9;
	[dreg:$0xc] =	wrdreg s13  }
0x14: {  	s30 =	sadd.s32 $0x20, s8;
	s15 =	sadd.s32 $0x18050, s9;
	[dreg:$0xd] =	wrdreg s14  }
0x15: {  	s31 =	sadd.s32 $0x30, s8;
	s16 =	sadd.s32 $0x18060, s9;
	[dreg:$0xe] =	wrdreg s15  }
0x16: {  	s29 =	smov.u32 s8;
	s17 =	sadd.s32 $0x18070, s9;
	[dreg:$0xf] =	wrdreg s16  }
0x17: {  	s0 =	sadd.s32 $0x50, s8;
	s18 =	sadd.s32 $0x19000, s9;
	[dreg:$0x10] =	wrdreg s17  }
0x18: {  	s6 =	sadd.s32 $0x60, s8;
	s19 =	sadd.s32 $0x19010, s9;
	[dreg:$0x11] =	wrdreg s18  }
0x19: {  	s7 =	sadd.s32 $0x70, s8;
	s20 =	sadd.s32 $0x19020, s9;
	[dreg:$0x12] =	wrdreg s19  }
0x1a: {  	s24 =	simm.s32 $0x3;
	s21 =	sadd.s32 $0x19030, s9;
	[dreg:$0x13] =	wrdreg s20  }
0x1b: {  	s5 =	simm.s32 $0x0;
	s22 =	sadd.s32 $0x19040, s9;
	[dreg:$0x14] =	wrdreg s21  }
0x1c: {  	s3 =	sshll.u32 s1, $0x9;
	s23 =	sadd.s32 $0x19050, s9;
	[dreg:$0x15] =	wrdreg s22  }
0x1d: {  	s25 =	sadd.s32 $0x19060, s9;
	s26 =	sadd.s32 $0x19070, s9;
	[dreg:$0x16] =	wrdreg s23  }
0x1e: {  	s1 =	sadd.s32 $0x40, s8;
	s10 =	sadd.s32 s8, s3;
	[dreg:$0x19] =	wrdreg s25  }
.Ltmp0:
0x1f: {  	[dreg:$0x1a] =	wrdreg s26;
	s11 =	sadd.s32 $0x1010, s8;
	(pc) =	sbr.rel .LBB2_1-.Ltmp0, $4  }
0x20: {  	s12 =	sadd.s32 $0x1020, s8;
	s13 =	sadd.s32 $0x1030, s8;
	s14 =	sadd.s32 $0x1040, s8  }
0x21: {  	s15 =	sadd.s32 $0x1050, s8;
	s16 =	sadd.s32 $0x1060, s8;
	s17 =	sadd.s32 $0x1070, s8  }
0x22: {  	s18 =	simm.s32 $0x80;
	s20 =	simm.s32 $0x1;
	s21 =	simm.s32 $0x2  }
0x23: {  	s23 =	simm.s32 $0x4;
	[dreg:$0x9] =	wrdreg s10;
	s10 =	sadd.s32 $0x1000, s8  }
.LBB2_57:
0x24: {  	s3 =	simm.s32 $0x5  }
0x25: {  	_ =	swait.ge [sflag:s3], $0x8000  }
0x26: {  	s5 =	rddreg [dreg:$0x1c]  }
0x27: {  	s2 =	rddreg [dreg:$0x17];
	s5 =	sadd.s32 $0x1, s5  }
0x28: {  	p0 =	sne.s32 s5, s2  }
.Ltmp1:
0x29: {  	_ = 	snop;
	(pc) =	sbr.rel @!p0 .LBB2_58-.Ltmp1, $3  }
0x2a: {  	_ =	sdelay $0x1  }
0x2b: {  	[sflag:s3] =	ssyncset.done $0x0  }
0x2c: {  	[sflag:s3] =	ssyncadd.s32 $0xFFFF8000  }
.LBB2_1:
0x2d: {  	s2 =	simm.s32 $0x0;
	s3 =	rddreg [dreg:$0x6];
	s8 =	simm.s32 $0x400  }
0x2e: {  	[tilespmem:s2], [sflag:$0x6] =	stream.strided.gather [hbm4b:s3+s18], $0x200, s8, s18, $0x38;
	[tilespmem:$0x18200] =	vst v63  }
0x2f: {  	[dreg:$0x1c] =	wrdreg s5;
	s8 =	simm.s32 $0x6  }
0x30: {  	s19 =	stileid.u32;
	_ =	swait.ge [sflag:s8], $0x200  }
0x31: {  	s19 =	sshll.u32 s19, $0x6;
	[sflag:s8] =	ssyncset.done $0x0;
	s22 =	rddreg [dreg:$0x7]  }
0x32: {  	s2 =	sor.u32 $0x1C06, s19;
	s25 =	rddreg [dreg:$0x18];
	[sflag:s8] =	ssyncadd.s32 $0xFFFFFE00  }
0x33: {  	[spmem:s25], [sflag:s2] =	dma.local [hbm:s22], $0x1000  }
0x34: {  	_ =	swait.ge [sflag:s8], $0x1000  }
0x35: {  	[sflag:s8] =	ssyncset.done $0x0  }
0x36: {  	[sflag:s8] =	ssyncadd.s32 $0xFFFFF000  }
0x37: {  	[bflag:$0x0] =	sbarrier.arrive $0xFFFF  }
0x38: {  	v0 =	vld [tilespmem:$0x0];
	_ =	sdelay $0x4  }
0x39: {  	(v2sf) =	vpush v0, $0x0;
	_ =	sdelay $0xe  }
0x3a: {  	s26 =	spop (v2sf)  }
0x3b: {  	s28 =	sshll.u32 s26, $0xC  }
0x3c: {  	s2 =	sshll.u32 s26, $0x7;
	s3 =	sand.u32 $0xFFFF8000, s28  }
0x3d: {  	s2 =	sand.u32 $0x380, s2;
	s3 =	sadd.s32 s3, s4  }
0x3e: {  	s22 =	sadd.s32 s2, s3  }
0x3f: {  	s8 =	simm.s32 $0x8200;
	s3 =	simm.s32 $0x1000;
	s2 =	sadd.s32 $0x0, s22  }
.LBB2_2:
0x40: {  	[tilespmem:s8], [sflag:$0x2] =	stream.linear.gather [spmem:s2], $0x80, $0x38;
	[tilespmem:$0x18200] =	vst v63  }
0x41: {  	s2 =	smov.u32 s3;
	p0 =	sne.s32 s3, $0x1F000  }
.Ltmp2:
0x42: {  	s3 =	sadd.s32 $0x1000, s3;
	(pc) =	sbr.rel @p0 .LBB2_2-.Ltmp2, $3  }
0x43: {  	_ =	sdelay $0x1  }
0x44: {  	s5 =	sshra.s32 s2, $0x2  }
0x45: {  	s2 =	sadd.s32 s5, s22;
	s8 =	sadd.s32 $0x8200, s5  }
0x46: {  	(v2sf) =	vpush v0, $0x1;
	_ =	sdelay $0xd  }
0x47: {  	[tilespmem:s8], [sflag:$0x2] =	stream.linear.gather [spmem:s2], $0x80, $0x38;
	[tilespmem:$0x18200] =	vst v63  }
0x48: {  	s28 =	spop (v2sf)  }
0x49: {  	s3 =	sshll.u32 s28, $0xC  }
0x4a: {  	s2 =	sshll.u32 s28, $0x7;
	s3 =	sand.u32 $0xFFFF8000, s3  }
0x4b: {  	s2 =	sand.u32 $0x380, s2;
	s3 =	sadd.s32 s3, s4  }
0x4c: {  	s22 =	sadd.s32 s2, s3  }
0x4d: {  	s8 =	simm.s32 $0x8280;
	s3 =	simm.s32 $0x1000;
	s2 =	sadd.s32 $0x0, s22  }
.LBB2_4:
0x4e: {  	[tilespmem:s8], [sflag:$0x2] =	stream.linear.gather [spmem:s2], $0x80, $0x38;
	[tilespmem:$0x18200] =	vst v63  }
0x4f: {  	s2 =	smov.u32 s3;
	p0 =	sne.s32 s3, $0x1F000  }
.Ltmp3:
0x50: {  	s3 =	sadd.s32 $0x1000, s3;
	(pc) =	sbr.rel @p0 .LBB2_4-.Ltmp3, $3  }
0x51: {  	_ =	sdelay $0x1  }
0x52: {  	s5 =	sshra.s32 s2, $0x2  }
0x53: {  	s2 =	sadd.s32 s5, s22;
	s8 =	sadd.s32 $0x8280, s5  }
0x54: {  	(v2sf) =	vpush v0, $0x2;
	_ =	sdelay $0xd  }
0x55: {  	[tilespmem:s8], [sflag:$0x2] =	stream.linear.gather [spmem:s2], $0x80, $0x38;
	[tilespmem:$0x18200] =	vst v63  }
0x56: {  	s28 =	spop (v2sf)  }
0x57: {  	s3 =	sshll.u32 s28, $0xC  }
0x58: {  	s2 =	sshll.u32 s28, $0x7;
	s3 =	sand.u32 $0xFFFF8000, s3  }
0x59: {  	s2 =	sand.u32 $0x380, s2;
	s3 =	sadd.s32 s3, s4  }
0x5a: {  	s22 =	sadd.s32 s2, s3  }
0x5b: {  	s8 =	simm.s32 $0x8300;
	s3 =	simm.s32 $0x1000;
	s2 =	sadd.s32 $0x0, s22  }
.LBB2_6:
0x5c: {  	[tilespmem:s8], [sflag:$0x2] =	stream.linear.gather [spmem:s2], $0x80, $0x38;
	[tilespmem:$0x18200] =	vst v63  }
0x5d: {  	s2 =	smov.u32 s3;
	p0 =	sne.s32 s3, $0x1F000  }
.Ltmp4:
0x5e: {  	s3 =	sadd.s32 $0x1000, s3;
	(pc) =	sbr.rel @p0 .LBB2_6-.Ltmp4, $3  }
0x5f: {  	_ =	sdelay $0x1  }
0x60: {  	s5 =	sshra.s32 s2, $0x2  }
0x61: {  	s2 =	sadd.s32 s5, s22;
	s8 =	sadd.s32 $0x8300, s5  }
0x62: {  	(v2sf) =	vpush v0, $0x3;
	_ =	sdelay $0xd  }
0x63: {  	[tilespmem:s8], [sflag:$0x2] =	stream.linear.gather [spmem:s2], $0x80, $0x38;
	[tilespmem:$0x18200] =	vst v63  }
0x64: {  	s28 =	spop (v2sf)  }
0x65: {  	s3 =	sshll.u32 s28, $0xC  }
0x66: {  	s2 =	sshll.u32 s28, $0x7;
	s3 =	sand.u32 $0xFFFF8000, s3  }
0x67: {  	s2 =	sand.u32 $0x380, s2;
	s3 =	sadd.s32 s3, s4  }
0x68: {  	s22 =	sadd.s32 s2, s3  }
0x69: {  	s8 =	simm.s32 $0x8380;
	s3 =	simm.s32 $0x1000;
	s2 =	sadd.s32 $0x0, s22  }
.LBB2_8:
0x6a: {  	[tilespmem:s8], [sflag:$0x2] =	stream.linear.gather [spmem:s2], $0x80, $0x38;
	[tilespmem:$0x18200] =	vst v63  }
0x6b: {  	s2 =	smov.u32 s3;
	p0 =	sne.s32 s3, $0x1F000  }
.Ltmp5:
0x6c: {  	s3 =	sadd.s32 $0x1000, s3;
	(pc) =	sbr.rel @p0 .LBB2_8-.Ltmp5, $3  }
0x6d: {  	_ =	sdelay $0x1  }
0x6e: {  	s5 =	sshra.s32 s2, $0x2  }
0x6f: {  	s2 =	sadd.s32 s5, s22;
	s8 =	sadd.s32 $0x8380, s5  }
0x70: {  	(v2sf) =	vpush v0, $0x4;
	_ =	sdelay $0xd  }
0x71: {  	[tilespmem:s8], [sflag:$0x2] =	stream.linear.gather [spmem:s2], $0x80, $0x38;
	[tilespmem:$0x18200] =	vst v63  }
0x72: {  	s28 =	spop (v2sf)  }
0x73: {  	s3 =	sshll.u32 s28, $0xC  }
0x74: {  	s2 =	sshll.u32 s28, $0x7;
	s3 =	sand.u32 $0xFFFF8000, s3  }
0x75: {  	s2 =	sand.u32 $0x380, s2;
	s3 =	sadd.s32 s3, s4  }
0x76: {  	s22 =	sadd.s32 s2, s3  }
0x77: {  	s8 =	simm.s32 $0x8400;
	s3 =	simm.s32 $0x1000;
	s2 =	sadd.s32 $0x0, s22  }
.LBB2_10:
0x78: {  	[tilespmem:s8], [sflag:$0x2] =	stream.linear.gather [spmem:s2], $0x80, $0x38;
	[tilespmem:$0x18200] =	vst v63  }
0x79: {  	s2 =	smov.u32 s3;
	p0 =	sne.s32 s3, $0x1F000  }
.Ltmp6:
0x7a: {  	s3 =	sadd.s32 $0x1000, s3;
	(pc) =	sbr.rel @p0 .LBB2_10-.Ltmp6, $3  }
0x7b: {  	_ =	sdelay $0x1  }
0x7c: {  	s5 =	sshra.s32 s2, $0x2  }
0x7d: {  	s2 =	sadd.s32 s5, s22;
	s8 =	sadd.s32 $0x8400, s5  }
0x7e: {  	(v2sf) =	vpush v0, $0x5;
	_ =	sdelay $0xd  }
0x7f: {  	[tilespmem:s8], [sflag:$0x2] =	stream.linear.gather [spmem:s2], $0x80, $0x38;
	[tilespmem:$0x18200] =	vst v63  }
0x80: {  	s28 =	spop (v2sf)  }
0x81: {  	s3 =	sshll.u32 s28, $0xC  }
0x82: {  	s2 =	sshll.u32 s28, $0x7;
	s3 =	sand.u32 $0xFFFF8000, s3  }
0x83: {  	s2 =	sand.u32 $0x380, s2;
	s3 =	sadd.s32 s3, s4  }
0x84: {  	s22 =	sadd.s32 s2, s3  }
0x85: {  	s8 =	simm.s32 $0x8480;
	s3 =	simm.s32 $0x1000;
	s2 =	sadd.s32 $0x0, s22  }
.LBB2_12:
0x86: {  	[tilespmem:s8], [sflag:$0x2] =	stream.linear.gather [spmem:s2], $0x80, $0x38;
	[tilespmem:$0x18200] =	vst v63  }
0x87: {  	s2 =	smov.u32 s3;
	p0 =	sne.s32 s3, $0x1F000  }
.Ltmp7:
0x88: {  	s3 =	sadd.s32 $0x1000, s3;
	(pc) =	sbr.rel @p0 .LBB2_12-.Ltmp7, $3  }
0x89: {  	_ =	sdelay $0x1  }
0x8a: {  	s5 =	sshra.s32 s2, $0x2  }
0x8b: {  	s2 =	sadd.s32 s5, s22;
	s8 =	sadd.s32 $0x8480, s5  }
0x8c: {  	(v2sf) =	vpush v0, $0x6;
	_ =	sdelay $0xd  }
0x8d: {  	[tilespmem:s8], [sflag:$0x2] =	stream.linear.gather [spmem:s2], $0x80, $0x38;
	[tilespmem:$0x18200] =	vst v63  }
0x8e: {  	s28 =	spop (v2sf)  }
0x8f: {  	s3 =	sshll.u32 s28, $0xC  }
0x90: {  	s2 =	sshll.u32 s28, $0x7;
	s3 =	sand.u32 $0xFFFF8000, s3  }
0x91: {  	s2 =	sand.u32 $0x380, s2;
	s3 =	sadd.s32 s3, s4  }
0x92: {  	s22 =	sadd.s32 s2, s3  }
0x93: {  	s8 =	simm.s32 $0x8500;
	s3 =	simm.s32 $0x1000;
	s2 =	sadd.s32 $0x0, s22  }
.LBB2_14:
0x94: {  	[tilespmem:s8], [sflag:$0x2] =	stream.linear.gather [spmem:s2], $0x80, $0x38;
	[tilespmem:$0x18200] =	vst v63  }
0x95: {  	s2 =	smov.u32 s3;
	p0 =	sne.s32 s3, $0x1F000  }
.Ltmp8:
0x96: {  	s3 =	sadd.s32 $0x1000, s3;
	(pc) =	sbr.rel @p0 .LBB2_14-.Ltmp8, $3  }
0x97: {  	_ =	sdelay $0x1  }
0x98: {  	s5 =	sshra.s32 s2, $0x2  }
0x99: {  	s2 =	sadd.s32 s5, s22;
	s8 =	sadd.s32 $0x8500, s5  }
0x9a: {  	(v2sf) =	vpush v0, $0x7;
	_ =	sdelay $0xd  }
0x9b: {  	[tilespmem:s8], [sflag:$0x2] =	stream.linear.gather [spmem:s2], $0x80, $0x38;
	[tilespmem:$0x18200] =	vst v63  }
0x9c: {  	s28 =	spop (v2sf)  }
0x9d: {  	s3 =	sshll.u32 s28, $0xC  }
0x9e: {  	s2 =	sshll.u32 s28, $0x7;
	s3 =	sand.u32 $0xFFFF8000, s3  }
0x9f: {  	s2 =	sand.u32 $0x380, s2;
	s3 =	sadd.s32 s3, s4  }
0xa0: {  	s22 =	sadd.s32 s2, s3  }
0xa1: {  	s5 =	simm.s32 $0x8580;
	s3 =	simm.s32 $0x1000;
	s2 =	sadd.s32 $0x0, s22  }
.LBB2_16:
0xa2: {  	[tilespmem:s5], [sflag:$0x2] =	stream.linear.gather [spmem:s2], $0x80, $0x38;
	[tilespmem:$0x18200] =	vst v63  }
0xa3: {  	s2 =	smov.u32 s3;
	p0 =	sne.s32 s3, $0x1F000  }
.Ltmp9:
0xa4: {  	s3 =	sadd.s32 $0x1000, s3;
	(pc) =	sbr.rel @p0 .LBB2_16-.Ltmp9, $3  }
0xa5: {  	_ =	sdelay $0x1  }
0xa6: {  	s5 =	sshra.s32 s2, $0x2  }
0xa7: {  	s2 =	sadd.s32 s5, s22;
	s5 =	sadd.s32 $0x8580, s5  }
0xa8: {  	[tilespmem:s5], [sflag:$0x2] =	stream.linear.gather [spmem:s2], $0x80, $0x38;
	[tilespmem:$0x18200] =	vst v63  }
0xa9: {  	v0 =	vld [tilespmem:$0xC0];
	_ =	sdelay $0x4  }
0xaa: {  	(v2sf) =	vpush v0, $0x0;
	_ =	sdelay $0xe  }
0xab: {  	s26 =	spop (v2sf)  }
0xac: {  	s3 =	sshll.u32 s26, $0xC  }
0xad: {  	s2 =	sshll.u32 s26, $0x7;
	s3 =	sand.u32 $0xFFFF8000, s3  }
0xae: {  	s2 =	sand.u32 $0x380, s2;
	s3 =	sadd.s32 s3, s4  }
0xaf: {  	s2 =	sadd.s32 s2, s3  }
0xb0: {  	s28 =	rddreg [dreg:$0x9];
	s26 =	sor.u32 $0x1C01, s19;
	s2 =	sshrl.u32 s2, $0x3  }
0xb1: {  	[hbm:s28@s18], [sflag:s26] =	dma.strided [spmem:s2@s18], $0x200, s20, $0x10   }
0xb2: {  	(v2sf) =	vpush v0, $0x1;
	_ =	sdelay $0xe  }
0xb3: {  	s2 =	spop (v2sf)  }
0xb4: {  	s5 =	sshll.u32 s2, $0xC  }
0xb5: {  	s2 =	sshll.u32 s2, $0x7;
	s3 =	sand.u32 $0xFFFF8000, s5  }
0xb6: {  	s2 =	sand.u32 $0x380, s2;
	s3 =	sadd.s32 s3, s4  }
0xb7: {  	s2 =	sadd.s32 s2, s3  }
0xb8: {  	s8 =	rddreg [dreg:$0xa];
	s2 =	sshrl.u32 s2, $0x3  }
0xb9: {  	[hbm:s8@s18], [sflag:s26] =	dma.strided [spmem:s2@s18], $0x200, s20, $0x10   }
0xba: {  	(v2sf) =	vpush v0, $0x2;
	_ =	sdelay $0xe  }
0xbb: {  	s2 =	spop (v2sf)  }
0xbc: {  	s19 =	sshll.u32 s2, $0xC  }
0xbd: {  	s2 =	sshll.u32 s2, $0x7;
	s3 =	sand.u32 $0xFFFF8000, s19  }
0xbe: {  	s2 =	sand.u32 $0x380, s2;
	s3 =	sadd.s32 s3, s4  }
0xbf: {  	s2 =	sadd.s32 s2, s3  }
0xc0: {  	s22 =	rddreg [dreg:$0xb];
	s2 =	sshrl.u32 s2, $0x3  }
0xc1: {  	[hbm:s22@s18], [sflag:s26] =	dma.strided [spmem:s2@s18], $0x200, s20, $0x10   }
0xc2: {  	(v2sf) =	vpush v0, $0x3;
	_ =	sdelay $0xe  }
0xc3: {  	s2 =	spop (v2sf)  }
0xc4: {  	s25 =	sshll.u32 s2, $0xC  }
0xc5: {  	s2 =	sshll.u32 s2, $0x7;
	s3 =	sand.u32 $0xFFFF8000, s25  }
0xc6: {  	s2 =	sand.u32 $0x380, s2;
	s3 =	sadd.s32 s3, s4  }
0xc7: {  	s2 =	sadd.s32 s2, s3  }
0xc8: {  	s28 =	rddreg [dreg:$0xc];
	s2 =	sshrl.u32 s2, $0x3  }
0xc9: {  	[hbm:s28@s18], [sflag:s26] =	dma.strided [spmem:s2@s18], $0x200, s20, $0x10   }
0xca: {  	(v2sf) =	vpush v0, $0x4;
	_ =	sdelay $0xe  }
0xcb: {  	s2 =	spop (v2sf)  }
0xcc: {  	s5 =	sshll.u32 s2, $0xC  }
0xcd: {  	s2 =	sshll.u32 s2, $0x7;
	s3 =	sand.u32 $0xFFFF8000, s5  }
0xce: {  	s2 =	sand.u32 $0x380, s2;
	s3 =	sadd.s32 s3, s4  }
0xcf: {  	s2 =	sadd.s32 s2, s3  }
0xd0: {  	s8 =	rddreg [dreg:$0xd];
	s2 =	sshrl.u32 s2, $0x3  }
0xd1: {  	[hbm:s8@s18], [sflag:s26] =	dma.strided [spmem:s2@s18], $0x200, s20, $0x10   }
0xd2: {  	(v2sf) =	vpush v0, $0x5;
	_ =	sdelay $0xe  }
0xd3: {  	s2 =	spop (v2sf)  }
0xd4: {  	s19 =	sshll.u32 s2, $0xC  }
0xd5: {  	s2 =	sshll.u32 s2, $0x7;
	s3 =	sand.u32 $0xFFFF8000, s19  }
0xd6: {  	s2 =	sand.u32 $0x380, s2;
	s3 =	sadd.s32 s3, s4  }
0xd7: {  	s2 =	sadd.s32 s2, s3  }
0xd8: {  	s22 =	rddreg [dreg:$0xe];
	s2 =	sshrl.u32 s2, $0x3  }
0xd9: {  	[hbm:s22@s18], [sflag:s26] =	dma.strided [spmem:s2@s18], $0x200, s20, $0x10   }
0xda: {  	(v2sf) =	vpush v0, $0x6;
	_ =	sdelay $0xe  }
0xdb: {  	s2 =	spop (v2sf)  }
0xdc: {  	s25 =	sshll.u32 s2, $0xC  }
0xdd: {  	s2 =	sshll.u32 s2, $0x7;
	s3 =	sand.u32 $0xFFFF8000, s25  }
0xde: {  	s2 =	sand.u32 $0x380, s2;
	s3 =	sadd.s32 s3, s4  }
0xdf: {  	s2 =	sadd.s32 s2, s3  }
0xe0: {  	s28 =	rddreg [dreg:$0xf];
	s2 =	sshrl.u32 s2, $0x3  }
0xe1: {  	[hbm:s28@s18], [sflag:s26] =	dma.strided [spmem:s2@s18], $0x200, s20, $0x10   }
0xe2: {  	(v2sf) =	vpush v0, $0x7;
	_ =	sdelay $0xe  }
0xe3: {  	s2 =	spop (v2sf)  }
0xe4: {  	s5 =	sshll.u32 s2, $0xC  }
0xe5: {  	s2 =	sshll.u32 s2, $0x7;
	s3 =	sand.u32 $0xFFFF8000, s5  }
0xe6: {  	s2 =	sand.u32 $0x380, s2;
	s3 =	sadd.s32 s3, s4  }
0xe7: {  	s2 =	sadd.s32 s2, s3  }
0xe8: {  	s8 =	rddreg [dreg:$0x10];
	s2 =	sshrl.u32 s2, $0x3  }
0xe9: {  	[hbm:s8@s18], [sflag:s26] =	dma.strided [spmem:s2@s18], $0x200, s20, $0x10   }
0xea: {  	(v2sf) =	vpush v0, $0x8;
	_ =	sdelay $0xe  }
0xeb: {  	s2 =	spop (v2sf)  }
0xec: {  	s19 =	sshll.u32 s2, $0xC  }
0xed: {  	s2 =	sshll.u32 s2, $0x7;
	s3 =	sand.u32 $0xFFFF8000, s19  }
0xee: {  	s2 =	sand.u32 $0x380, s2;
	s3 =	sadd.s32 s3, s4  }
0xef: {  	s2 =	sadd.s32 s2, s3  }
0xf0: {  	s22 =	rddreg [dreg:$0x11];
	s2 =	sshrl.u32 s2, $0x3  }
0xf1: {  	[hbm:s22@s18], [sflag:s26] =	dma.strided [spmem:s2@s18], $0x200, s20, $0x10   }
0xf2: {  	(v2sf) =	vpush v0, $0x9;
	_ =	sdelay $0xe  }
0xf3: {  	s2 =	spop (v2sf)  }
0xf4: {  	s25 =	sshll.u32 s2, $0xC  }
0xf5: {  	s2 =	sshll.u32 s2, $0x7;
	s3 =	sand.u32 $0xFFFF8000, s25  }
0xf6: {  	s2 =	sand.u32 $0x380, s2;
	s3 =	sadd.s32 s3, s4  }
0xf7: {  	s2 =	sadd.s32 s2, s3  }
0xf8: {  	s28 =	rddreg [dreg:$0x12];
	s2 =	sshrl.u32 s2, $0x3  }
0xf9: {  	[hbm:s28@s18], [sflag:s26] =	dma.strided [spmem:s2@s18], $0x200, s20, $0x10   }
0xfa: {  	(v2sf) =	vpush v0, $0xA;
	_ =	sdelay $0xe  }
0xfb: {  	s2 =	spop (v2sf)  }
0xfc: {  	s5 =	sshll.u32 s2, $0xC  }
0xfd: {  	s2 =	sshll.u32 s2, $0x7;
	s3 =	sand.u32 $0xFFFF8000, s5  }
0xfe: {  	s2 =	sand.u32 $0x380, s2;
	s3 =	sadd.s32 s3, s4  }
0xff: {  	s2 =	sadd.s32 s2, s3  }
0x100: {  	s8 =	rddreg [dreg:$0x13];
	s2 =	sshrl.u32 s2, $0x3  }
0x101: {  	[hbm:s8@s18], [sflag:s26] =	dma.strided [spmem:s2@s18], $0x200, s20, $0x10   }
0x102: {  	(v2sf) =	vpush v0, $0xB;
	_ =	sdelay $0xe  }
0x103: {  	s2 =	spop (v2sf)  }
0x104: {  	s19 =	sshll.u32 s2, $0xC  }
0x105: {  	s2 =	sshll.u32 s2, $0x7;
	s3 =	sand.u32 $0xFFFF8000, s19  }
0x106: {  	s2 =	sand.u32 $0x380, s2;
	s3 =	sadd.s32 s3, s4  }
0x107: {  	s2 =	sadd.s32 s2, s3  }
0x108: {  	s22 =	rddreg [dreg:$0x14];
	s2 =	sshrl.u32 s2, $0x3  }
0x109: {  	[hbm:s22@s18], [sflag:s26] =	dma.strided [spmem:s2@s18], $0x200, s20, $0x10   }
0x10a: {  	(v2sf) =	vpush v0, $0xC;
	_ =	sdelay $0xe  }
0x10b: {  	s2 =	spop (v2sf)  }
0x10c: {  	s25 =	sshll.u32 s2, $0xC  }
0x10d: {  	s2 =	sshll.u32 s2, $0x7;
	s3 =	sand.u32 $0xFFFF8000, s25  }
0x10e: {  	s2 =	sand.u32 $0x380, s2;
	s3 =	sadd.s32 s3, s4  }
0x10f: {  	s2 =	sadd.s32 s2, s3  }
0x110: {  	s28 =	rddreg [dreg:$0x15];
	s2 =	sshrl.u32 s2, $0x3  }
0x111: {  	[hbm:s28@s18], [sflag:s26] =	dma.strided [spmem:s2@s18], $0x200, s20, $0x10   }
0x112: {  	(v2sf) =	vpush v0, $0xD;
	_ =	sdelay $0xe  }
0x113: {  	s2 =	spop (v2sf)  }
0x114: {  	s5 =	sshll.u32 s2, $0xC  }
0x115: {  	s2 =	sshll.u32 s2, $0x7;
	s3 =	sand.u32 $0xFFFF8000, s5  }
0x116: {  	s2 =	sand.u32 $0x380, s2;
	s3 =	sadd.s32 s3, s4  }
0x117: {  	s2 =	sadd.s32 s2, s3  }
0x118: {  	s8 =	rddreg [dreg:$0x16];
	s2 =	sshrl.u32 s2, $0x3  }
0x119: {  	[hbm:s8@s18], [sflag:s26] =	dma.strided [spmem:s2@s18], $0x200, s20, $0x10   }
0x11a: {  	(v2sf) =	vpush v0, $0xE;
	_ =	sdelay $0xe  }
0x11b: {  	s2 =	spop (v2sf)  }
0x11c: {  	s19 =	sshll.u32 s2, $0xC  }
0x11d: {  	s2 =	sshll.u32 s2, $0x7;
	s3 =	sand.u32 $0xFFFF8000, s19  }
0x11e: {  	s2 =	sand.u32 $0x380, s2;
	s3 =	sadd.s32 s3, s4  }
0x11f: {  	s2 =	sadd.s32 s2, s3  }
0x120: {  	s22 =	rddreg [dreg:$0x19];
	s2 =	sshrl.u32 s2, $0x3  }
0x121: {  	[hbm:s22@s18], [sflag:s26] =	dma.strided [spmem:s2@s18], $0x200, s20, $0x10   }
0x122: {  	(v2sf) =	vpush v0, $0xF;
	_ =	sdelay $0xe  }
0x123: {  	s2 =	spop (v2sf)  }
0x124: {  	s25 =	sshll.u32 s2, $0xC  }
.Ltmp10:
0x125: {  	s2 =	sshll.u32 s2, $0x7;
	s3 =	sand.u32 $0xFFFF8000, s25;
	(pc) =	sbr.rel .LBB2_18-.Ltmp10, $4  }
0x126: {  	s2 =	sand.u32 $0x380, s2;
	s3 =	sadd.s32 s3, s4  }
0x127: {  	s2 =	sadd.s32 s2, s3  }
0x128: {  	s19 =	simm.s32 $0x0;
	s28 =	rddreg [dreg:$0x1a];
	s2 =	sshrl.u32 s2, $0x3  }
0x129: {  	[hbm:s28@s18], [sflag:s26] =	dma.strided [spmem:s2@s18], $0x200, s20, $0x10   }
.LBB2_56:
0x12a: {  	s19 =	sadd.s32 $0x1, s19  }
0x12b: {  	p0 =	sne.s32 s19, $0xC  }
.Ltmp11:
0x12c: {  	_ = 	snop;
	(pc) =	sbr.rel @!p0 .LBB2_57-.Ltmp11, $1  }
0x12d: {  	_ =	sdelay $0x3  }
.LBB2_18:
0x12e: {  	p0 =	seq.s32 s19, $0x0  }
0x12f: {  	s2 =	simm.s32 @!p0 $0x5  }
0x130: {  	_ =	swait.ge @!p0 [sflag:s2], $0x8000  }
0x131: {  	s25 =	sshllo.u32 s19, $0x1;
	[sflag:s2] =	ssyncset.done @!p0 $0x0  }
0x132: {  	s28 =	sshll.u32 s25, $0x3;
	[sflag:s2] =	ssyncadd.s32 @!p0 $0xFFFF8000  }
0x133: {  	v0 =	vld [tilespmem:s28+$0x0];
	_ =	sdelay $0x4  }
0x134: {  	(v2sf) =	vpush v0, $0x0;
	_ =	sdelay $0xe  }
0x135: {  	s22 =	spop (v2sf)  }
0x136: {  	s3 =	sshll.u32 s22, $0xC  }
0x137: {  	s2 =	sshll.u32 s22, $0x7;
	s3 =	sand.u32 $0xFFFF8000, s3  }
0x138: {  	s2 =	sand.u32 $0x380, s2;
	s3 =	sadd.s32 s3, s4  }
0x139: {  	s5 =	simm.s32 $0x10200;
	s3 =	sadd.s32 s2, s3  }
0x13a: {  	s22 =	sshll.u32 s19, $0x1;
	s2 =	simm.s32 $0x1000;
	s8 =	sadd.s32 $0x0, s3  }
.LBB2_19:
0x13b: {  	[tilespmem:s5], [sflag:$0x3] =	stream.linear.gather [spmem:s8], $0x80, $0x38;
	[tilespmem:$0x18200] =	vst v63  }
0x13c: {  	s5 =	smov.u32 s2;
	p0 =	sne.s32 s2, $0x1F000  }
.Ltmp12:
0x13d: {  	s2 =	sadd.s32 $0x1000, s2;
	(pc) =	sbr.rel @p0 .LBB2_19-.Ltmp12, $3  }
0x13e: {  	_ =	sdelay $0x1  }
0x13f: {  	s5 =	sshra.s32 s5, $0x2  }
0x140: {  	s8 =	sadd.s32 s5, s3;
	s5 =	sadd.s32 $0x10200, s5  }
0x141: {  	(v2sf) =	vpush v0, $0x1;
	_ =	sdelay $0xd  }
0x142: {  	[tilespmem:s5], [sflag:$0x3] =	stream.linear.gather [spmem:s8], $0x80, $0x38;
	[tilespmem:$0x18200] =	vst v63  }
0x143: {  	s2 =	spop (v2sf)  }
0x144: {  	s3 =	sshll.u32 s2, $0xC  }
0x145: {  	s2 =	sshll.u32 s2, $0x7;
	s3 =	sand.u32 $0xFFFF8000, s3  }
0x146: {  	s2 =	sand.u32 $0x380, s2;
	s3 =	sadd.s32 s3, s4  }
0x147: {  	s3 =	sadd.s32 s2, s3  }
0x148: {  	s5 =	simm.s32 $0x10280;
	s2 =	simm.s32 $0x1000;
	s8 =	sadd.s32 $0x0, s3  }
.LBB2_21:
0x149: {  	[tilespmem:s5], [sflag:$0x3] =	stream.linear.gather [spmem:s8], $0x80, $0x38;
	[tilespmem:$0x18200] =	vst v63  }
0x14a: {  	s5 =	smov.u32 s2;
	p0 =	sne.s32 s2, $0x1F000  }
.Ltmp13:
0x14b: {  	s2 =	sadd.s32 $0x1000, s2;
	(pc) =	sbr.rel @p0 .LBB2_21-.Ltmp13, $3  }
0x14c: {  	_ =	sdelay $0x1  }
0x14d: {  	s5 =	sshra.s32 s5, $0x2  }
0x14e: {  	s8 =	sadd.s32 s5, s3;
	s5 =	sadd.s32 $0x10280, s5  }
0x14f: {  	(v2sf) =	vpush v0, $0x2;
	_ =	sdelay $0xd  }
0x150: {  	[tilespmem:s5], [sflag:$0x3] =	stream.linear.gather [spmem:s8], $0x80, $0x38;
	[tilespmem:$0x18200] =	vst v63  }
0x151: {  	s2 =	spop (v2sf)  }
0x152: {  	s3 =	sshll.u32 s2, $0xC  }
0x153: {  	s2 =	sshll.u32 s2, $0x7;
	s3 =	sand.u32 $0xFFFF8000, s3  }
0x154: {  	s2 =	sand.u32 $0x380, s2;
	s3 =	sadd.s32 s3, s4  }
0x155: {  	s3 =	sadd.s32 s2, s3  }
0x156: {  	s5 =	simm.s32 $0x10300;
	s2 =	simm.s32 $0x1000;
	s8 =	sadd.s32 $0x0, s3  }
.LBB2_23:
0x157: {  	[tilespmem:s5], [sflag:$0x3] =	stream.linear.gather [spmem:s8], $0x80, $0x38;
	[tilespmem:$0x18200] =	vst v63  }
0x158: {  	s5 =	smov.u32 s2;
	p0 =	sne.s32 s2, $0x1F000  }
.Ltmp14:
0x159: {  	s2 =	sadd.s32 $0x1000, s2;
	(pc) =	sbr.rel @p0 .LBB2_23-.Ltmp14, $3  }
0x15a: {  	_ =	sdelay $0x1  }
0x15b: {  	s5 =	sshra.s32 s5, $0x2  }
0x15c: {  	s8 =	sadd.s32 s5, s3;
	s5 =	sadd.s32 $0x10300, s5  }
0x15d: {  	(v2sf) =	vpush v0, $0x3;
	_ =	sdelay $0xd  }
0x15e: {  	[tilespmem:s5], [sflag:$0x3] =	stream.linear.gather [spmem:s8], $0x80, $0x38;
	[tilespmem:$0x18200] =	vst v63  }
0x15f: {  	s2 =	spop (v2sf)  }
0x160: {  	s3 =	sshll.u32 s2, $0xC  }
0x161: {  	s2 =	sshll.u32 s2, $0x7;
	s3 =	sand.u32 $0xFFFF8000, s3  }
0x162: {  	s2 =	sand.u32 $0x380, s2;
	s3 =	sadd.s32 s3, s4  }
0x163: {  	s3 =	sadd.s32 s2, s3  }
0x164: {  	s5 =	simm.s32 $0x10380;
	s2 =	simm.s32 $0x1000;
	s8 =	sadd.s32 $0x0, s3  }
.LBB2_25:
0x165: {  	[tilespmem:s5], [sflag:$0x3] =	stream.linear.gather [spmem:s8], $0x80, $0x38;
	[tilespmem:$0x18200] =	vst v63  }
0x166: {  	s5 =	smov.u32 s2;
	p0 =	sne.s32 s2, $0x1F000  }
.Ltmp15:
0x167: {  	s2 =	sadd.s32 $0x1000, s2;
	(pc) =	sbr.rel @p0 .LBB2_25-.Ltmp15, $3  }
0x168: {  	_ =	sdelay $0x1  }
0x169: {  	s5 =	sshra.s32 s5, $0x2  }
0x16a: {  	s8 =	sadd.s32 s5, s3;
	s5 =	sadd.s32 $0x10380, s5  }
0x16b: {  	(v2sf) =	vpush v0, $0x4;
	_ =	sdelay $0xd  }
0x16c: {  	[tilespmem:s5], [sflag:$0x3] =	stream.linear.gather [spmem:s8], $0x80, $0x38;
	[tilespmem:$0x18200] =	vst v63  }
0x16d: {  	s2 =	spop (v2sf)  }
0x16e: {  	s3 =	sshll.u32 s2, $0xC  }
0x16f: {  	s2 =	sshll.u32 s2, $0x7;
	s3 =	sand.u32 $0xFFFF8000, s3  }
0x170: {  	s2 =	sand.u32 $0x380, s2;
	s3 =	sadd.s32 s3, s4  }
0x171: {  	s3 =	sadd.s32 s2, s3  }
0x172: {  	s5 =	simm.s32 $0x10400;
	s2 =	simm.s32 $0x1000;
	s8 =	sadd.s32 $0x0, s3  }
.LBB2_27:
0x173: {  	[tilespmem:s5], [sflag:$0x3] =	stream.linear.gather [spmem:s8], $0x80, $0x38;
	[tilespmem:$0x18200] =	vst v63  }
0x174: {  	s5 =	smov.u32 s2;
	p0 =	sne.s32 s2, $0x1F000  }
.Ltmp16:
0x175: {  	s2 =	sadd.s32 $0x1000, s2;
	(pc) =	sbr.rel @p0 .LBB2_27-.Ltmp16, $3  }
0x176: {  	_ =	sdelay $0x1  }
0x177: {  	s5 =	sshra.s32 s5, $0x2  }
0x178: {  	s8 =	sadd.s32 s5, s3;
	s5 =	sadd.s32 $0x10400, s5  }
0x179: {  	(v2sf) =	vpush v0, $0x5;
	_ =	sdelay $0xd  }
0x17a: {  	[tilespmem:s5], [sflag:$0x3] =	stream.linear.gather [spmem:s8], $0x80, $0x38;
	[tilespmem:$0x18200] =	vst v63  }
0x17b: {  	s2 =	spop (v2sf)  }
0x17c: {  	s3 =	sshll.u32 s2, $0xC  }
0x17d: {  	s2 =	sshll.u32 s2, $0x7;
	s3 =	sand.u32 $0xFFFF8000, s3  }
0x17e: {  	s2 =	sand.u32 $0x380, s2;
	s3 =	sadd.s32 s3, s4  }
0x17f: {  	s3 =	sadd.s32 s2, s3  }
0x180: {  	s5 =	simm.s32 $0x10480;
	s2 =	simm.s32 $0x1000;
	s8 =	sadd.s32 $0x0, s3  }
.LBB2_29:
0x181: {  	[tilespmem:s5], [sflag:$0x3] =	stream.linear.gather [spmem:s8], $0x80, $0x38;
	[tilespmem:$0x18200] =	vst v63  }
0x182: {  	s5 =	smov.u32 s2;
	p0 =	sne.s32 s2, $0x1F000  }
.Ltmp17:
0x183: {  	s2 =	sadd.s32 $0x1000, s2;
	(pc) =	sbr.rel @p0 .LBB2_29-.Ltmp17, $3  }
0x184: {  	_ =	sdelay $0x1  }
0x185: {  	s5 =	sshra.s32 s5, $0x2  }
0x186: {  	s8 =	sadd.s32 s5, s3;
	s5 =	sadd.s32 $0x10480, s5  }
0x187: {  	(v2sf) =	vpush v0, $0x6;
	_ =	sdelay $0xd  }
0x188: {  	[tilespmem:s5], [sflag:$0x3] =	stream.linear.gather [spmem:s8], $0x80, $0x38;
	[tilespmem:$0x18200] =	vst v63  }
0x189: {  	s2 =	spop (v2sf)  }
0x18a: {  	s3 =	sshll.u32 s2, $0xC  }
0x18b: {  	s2 =	sshll.u32 s2, $0x7;
	s3 =	sand.u32 $0xFFFF8000, s3  }
0x18c: {  	s2 =	sand.u32 $0x380, s2;
	s3 =	sadd.s32 s3, s4  }
0x18d: {  	s3 =	sadd.s32 s2, s3  }
0x18e: {  	s5 =	simm.s32 $0x10500;
	s2 =	simm.s32 $0x1000;
	s8 =	sadd.s32 $0x0, s3  }
.LBB2_31:
0x18f: {  	[tilespmem:s5], [sflag:$0x3] =	stream.linear.gather [spmem:s8], $0x80, $0x38;
	[tilespmem:$0x18200] =	vst v63  }
0x190: {  	s5 =	smov.u32 s2;
	p0 =	sne.s32 s2, $0x1F000  }
.Ltmp18:
0x191: {  	s2 =	sadd.s32 $0x1000, s2;
	(pc) =	sbr.rel @p0 .LBB2_31-.Ltmp18, $3  }
0x192: {  	_ =	sdelay $0x1  }
0x193: {  	s5 =	sshra.s32 s5, $0x2  }
0x194: {  	s8 =	sadd.s32 s5, s3;
	s5 =	sadd.s32 $0x10500, s5  }
0x195: {  	(v2sf) =	vpush v0, $0x7;
	_ =	sdelay $0xd  }
0x196: {  	[tilespmem:s5], [sflag:$0x3] =	stream.linear.gather [spmem:s8], $0x80, $0x38;
	[tilespmem:$0x18200] =	vst v63  }
0x197: {  	s2 =	spop (v2sf)  }
0x198: {  	s3 =	sshll.u32 s2, $0xC  }
0x199: {  	s2 =	sshll.u32 s2, $0x7;
	s3 =	sand.u32 $0xFFFF8000, s3  }
0x19a: {  	s2 =	sand.u32 $0x380, s2;
	s3 =	sadd.s32 s3, s4  }
0x19b: {  	s3 =	sadd.s32 s2, s3  }
0x19c: {  	s5 =	simm.s32 $0x10580;
	s2 =	simm.s32 $0x1000;
	s8 =	sadd.s32 $0x0, s3  }
.LBB2_33:
0x19d: {  	[tilespmem:s5], [sflag:$0x3] =	stream.linear.gather [spmem:s8], $0x80, $0x38;
	[tilespmem:$0x18200] =	vst v63  }
0x19e: {  	s5 =	smov.u32 s2;
	p0 =	sne.s32 s2, $0x1F000  }
.Ltmp19:
0x19f: {  	s2 =	sadd.s32 $0x1000, s2;
	(pc) =	sbr.rel @p0 .LBB2_33-.Ltmp19, $3  }
0x1a0: {  	_ =	sdelay $0x1  }
0x1a1: {  	s5 =	sshra.s32 s5, $0x2  }
0x1a2: {  	s8 =	sadd.s32 s5, s3;
	s5 =	sadd.s32 $0x10580, s5  }
0x1a3: {  	[tilespmem:s5], [sflag:$0x3] =	stream.linear.gather [spmem:s8], $0x80, $0x38;
	[tilespmem:$0x18200] =	vst v63  }
0x1a4: {  	p0 =	seq.s32 s19, $0xB  }
0x1a5: {  	s2 =	simm.s32 @!p0 $0x1  }
0x1a6: {  	_ =	swait.ge @!p0 [sflag:s2], $0x200  }
0x1a7: {  	[sflag:s2] =	ssyncset.done @!p0 $0x0  }
0x1a8: {  	[sflag:s2] =	ssyncadd.s32 @!p0 $0xFFFFFE00  }
0x1a9: {  	_ =	swait.ge @!p0 [sflag:s2], $0x200  }
0x1aa: {  	[sflag:s2] =	ssyncset.done @!p0 $0x0  }
0x1ab: {  	[sflag:s2] =	ssyncadd.s32 @!p0 $0xFFFFFE00  }
0x1ac: {  	_ =	swait.ge @!p0 [sflag:s2], $0x200  }
0x1ad: {  	[sflag:s2] =	ssyncset.done @!p0 $0x0  }
0x1ae: {  	[sflag:s2] =	ssyncadd.s32 @!p0 $0xFFFFFE00  }
0x1af: {  	_ =	swait.ge @!p0 [sflag:s2], $0x200  }
0x1b0: {  	[sflag:s2] =	ssyncset.done @!p0 $0x0  }
0x1b1: {  	[sflag:s2] =	ssyncadd.s32 @!p0 $0xFFFFFE00  }
0x1b2: {  	_ =	swait.ge @!p0 [sflag:s2], $0x200  }
0x1b3: {  	[sflag:s2] =	ssyncset.done @!p0 $0x0  }
0x1b4: {  	[sflag:s2] =	ssyncadd.s32 @!p0 $0xFFFFFE00  }
0x1b5: {  	_ =	swait.ge @!p0 [sflag:s2], $0x200  }
0x1b6: {  	[sflag:s2] =	ssyncset.done @!p0 $0x0  }
0x1b7: {  	[sflag:s2] =	ssyncadd.s32 @!p0 $0xFFFFFE00  }
0x1b8: {  	_ =	swait.ge @!p0 [sflag:s2], $0x200  }
0x1b9: {  	[sflag:s2] =	ssyncset.done @!p0 $0x0  }
0x1ba: {  	[sflag:s2] =	ssyncadd.s32 @!p0 $0xFFFFFE00  }
0x1bb: {  	_ =	swait.ge @!p0 [sflag:s2], $0x200  }
0x1bc: {  	[sflag:s2] =	ssyncset.done @!p0 $0x0  }
0x1bd: {  	[sflag:s2] =	ssyncadd.s32 @!p0 $0xFFFFFE00  }
0x1be: {  	_ =	swait.ge @!p0 [sflag:s2], $0x200  }
0x1bf: {  	[sflag:s2] =	ssyncset.done @!p0 $0x0  }
0x1c0: {  	[sflag:s2] =	ssyncadd.s32 @!p0 $0xFFFFFE00  }
0x1c1: {  	_ =	swait.ge @!p0 [sflag:s2], $0x200  }
0x1c2: {  	[sflag:s2] =	ssyncset.done @!p0 $0x0  }
0x1c3: {  	[sflag:s2] =	ssyncadd.s32 @!p0 $0xFFFFFE00  }
0x1c4: {  	_ =	swait.ge @!p0 [sflag:s2], $0x200  }
0x1c5: {  	[sflag:s2] =	ssyncset.done @!p0 $0x0  }
0x1c6: {  	[sflag:s2] =	ssyncadd.s32 @!p0 $0xFFFFFE00  }
0x1c7: {  	_ =	swait.ge @!p0 [sflag:s2], $0x200  }
0x1c8: {  	[sflag:s2] =	ssyncset.done @!p0 $0x0  }
0x1c9: {  	[sflag:s2] =	ssyncadd.s32 @!p0 $0xFFFFFE00  }
0x1ca: {  	_ =	swait.ge @!p0 [sflag:s2], $0x200  }
0x1cb: {  	[sflag:s2] =	ssyncset.done @!p0 $0x0  }
0x1cc: {  	[sflag:s2] =	ssyncadd.s32 @!p0 $0xFFFFFE00  }
0x1cd: {  	_ =	swait.ge @!p0 [sflag:s2], $0x200  }
0x1ce: {  	[sflag:s2] =	ssyncset.done @!p0 $0x0  }
0x1cf: {  	[sflag:s2] =	ssyncadd.s32 @!p0 $0xFFFFFE00  }
0x1d0: {  	_ =	swait.ge @!p0 [sflag:s2], $0x200  }
0x1d1: {  	[sflag:s2] =	ssyncset.done @!p0 $0x0  }
0x1d2: {  	[sflag:s2] =	ssyncadd.s32 @!p0 $0xFFFFFE00  }
0x1d3: {  	_ =	swait.ge @!p0 [sflag:s2], $0x200  }
0x1d4: {  	[sflag:s2] =	ssyncset.done @!p0 $0x0  }
0x1d5: {  	[sflag:s2] =	ssyncadd.s32 @!p0 $0xFFFFFE00  }
0x1d6: {  	_ =	swait.ge [sflag:s21], $0x1000  }
0x1d7: {  	[sflag:s21] =	ssyncset.done $0x0  }
0x1d8: {  	[sflag:s21] =	ssyncadd.s32 $0xFFFFF000  }
0x1d9: {  	_ =	swait.ge [sflag:s21], $0x1000  }
0x1da: {  	[sflag:s21] =	ssyncset.done $0x0  }
0x1db: {  	[sflag:s21] =	ssyncadd.s32 $0xFFFFF000  }
0x1dc: {  	_ =	swait.ge [sflag:s21], $0x1000  }
0x1dd: {  	[sflag:s21] =	ssyncset.done $0x0  }
0x1de: {  	[sflag:s21] =	ssyncadd.s32 $0xFFFFF000  }
0x1df: {  	_ =	swait.ge [sflag:s21], $0x1000  }
0x1e0: {  	[sflag:s21] =	ssyncset.done $0x0  }
0x1e1: {  	[sflag:s21] =	ssyncadd.s32 $0xFFFFF000  }
0x1e2: {  	_ =	swait.ge [sflag:s21], $0x1000  }
0x1e3: {  	[sflag:s21] =	ssyncset.done $0x0  }
0x1e4: {  	[sflag:s21] =	ssyncadd.s32 $0xFFFFF000  }
0x1e5: {  	_ =	swait.ge [sflag:s21], $0x1000  }
0x1e6: {  	[sflag:s21] =	ssyncset.done $0x0  }
0x1e7: {  	[sflag:s21] =	ssyncadd.s32 $0xFFFFF000  }
0x1e8: {  	_ =	swait.ge [sflag:s21], $0x1000  }
0x1e9: {  	p1 =	sgt.u32 s19, $0x9;
	[sflag:s21] =	ssyncset.done $0x0  }
.Ltmp20:
0x1ea: {  	[sflag:s21] =	ssyncadd.s32 $0xFFFFF000;
	(pc) =	sbr.rel @p1 .LBB2_36-.Ltmp20, $4  }
0x1eb: {  	_ =	swait.ge [sflag:s21], $0x1000  }
0x1ec: {  	s5 =	sshll.u32 s19, $0xD;
	s3 =	simm.s32 $0x0;
	[sflag:s21] =	ssyncset.done $0x0  }
0x1ed: {  	s8 =	simm.s32 $0x8200;
	s2 =	sadd.s32 s5, s9;
	[sflag:s21] =	ssyncadd.s32 $0xFFFFF000  }
0x1ee: {  	[hbm4b:s2+s3] =	stream.linear.scatter [tilespmem:s8], [sflag:$0x4], $0x8000, $0x38;
	[tilespmem:$0x18200] =	vst v63  }
0x1ef: {  	s2 =	sshll.u32 s25, $0x4  }
0x1f0: {  	v0 =	vld [tilespmem:s2+$0xC0];
	_ =	sdelay $0x4  }
0x1f1: {  	(v2sf) =	vpush v0, $0x0;
	_ =	sdelay $0xe  }
0x1f2: {  	s3 =	spop (v2sf)  }
0x1f3: {  	s8 =	rddreg [dreg:$0x8];
	s5 =	sshll.u32 s3, $0xC  }
0x1f4: {  	s2 =	sadd.s32 s8, s2;
	s3 =	sshll.u32 s3, $0x7;
	s5 =	sand.u32 $0xFFFF8000, s5  }
0x1f5: {  	s2 =	sshll.u32 s2, $0x9;
	s3 =	sand.u32 $0x380, s3;
	s5 =	sadd.s32 s5, s4  }
0x1f6: {  	s25 =	sand.u32 $0x1FFFE000, s2;
	s3 =	sadd.s32 s3, s5  }
0x1f7: {  	s2 =	sadd.s32 s29, s25;
	s3 =	sshrl.u32 s3, $0x3  }
0x1f8: {  	[hbm:s2@s18], [sflag:s26] =	dma.strided [spmem:s3@s18], $0x200, s20, $0x10   }
0x1f9: {  	(v2sf) =	vpush v0, $0x1;
	_ =	sdelay $0xe  }
0x1fa: {  	s2 =	spop (v2sf)  }
0x1fb: {  	s8 =	sshll.u32 s2, $0xC  }
0x1fc: {  	s2 =	sshll.u32 s2, $0x7;
	s3 =	sand.u32 $0xFFFF8000, s8  }
0x1fd: {  	s2 =	sand.u32 $0x380, s2;
	s3 =	sadd.s32 s3, s4  }
0x1fe: {  	s5 =	rddreg [dreg:$0x1b];
	s2 =	sadd.s32 s2, s3  }
0x1ff: {  	s3 =	sadd.s32 s25, s5;
	s2 =	sshrl.u32 s2, $0x3  }
0x200: {  	[hbm:s3@s18], [sflag:s26] =	dma.strided [spmem:s2@s18], $0x200, s20, $0x10   }
0x201: {  	(v2sf) =	vpush v0, $0x2;
	_ =	sdelay $0xe  }
0x202: {  	s2 =	spop (v2sf)  }
0x203: {  	s8 =	sshll.u32 s2, $0xC  }
0x204: {  	s2 =	sshll.u32 s2, $0x7;
	s3 =	sand.u32 $0xFFFF8000, s8  }
0x205: {  	s2 =	sand.u32 $0x380, s2;
	s3 =	sadd.s32 s3, s4  }
0x206: {  	s2 =	sadd.s32 s2, s3  }
0x207: {  	s5 =	sadd.s32 s25, s30;
	s2 =	sshrl.u32 s2, $0x3  }
0x208: {  	[hbm:s5@s18], [sflag:s26] =	dma.strided [spmem:s2@s18], $0x200, s20, $0x10   }
0x209: {  	(v2sf) =	vpush v0, $0x3;
	_ =	sdelay $0xe  }
0x20a: {  	s2 =	spop (v2sf)  }
0x20b: {  	s8 =	sshll.u32 s2, $0xC  }
0x20c: {  	s2 =	sshll.u32 s2, $0x7;
	s3 =	sand.u32 $0xFFFF8000, s8  }
0x20d: {  	s2 =	sand.u32 $0x380, s2;
	s3 =	sadd.s32 s3, s4  }
0x20e: {  	s2 =	sadd.s32 s2, s3  }
0x20f: {  	s5 =	sadd.s32 s25, s31;
	s2 =	sshrl.u32 s2, $0x3  }
0x210: {  	[hbm:s5@s18], [sflag:s26] =	dma.strided [spmem:s2@s18], $0x200, s20, $0x10   }
0x211: {  	(v2sf) =	vpush v0, $0x4;
	_ =	sdelay $0xe  }
0x212: {  	s2 =	spop (v2sf)  }
0x213: {  	s8 =	sshll.u32 s2, $0xC  }
0x214: {  	s2 =	sshll.u32 s2, $0x7;
	s3 =	sand.u32 $0xFFFF8000, s8  }
0x215: {  	s2 =	sand.u32 $0x380, s2;
	s3 =	sadd.s32 s3, s4  }
0x216: {  	s2 =	sadd.s32 s2, s3  }
0x217: {  	s5 =	sadd.s32 s25, s1;
	s2 =	sshrl.u32 s2, $0x3  }
0x218: {  	[hbm:s5@s18], [sflag:s26] =	dma.strided [spmem:s2@s18], $0x200, s20, $0x10   }
0x219: {  	(v2sf) =	vpush v0, $0x5;
	_ =	sdelay $0xe  }
0x21a: {  	s2 =	spop (v2sf)  }
0x21b: {  	s8 =	sshll.u32 s2, $0xC  }
0x21c: {  	s2 =	sshll.u32 s2, $0x7;
	s3 =	sand.u32 $0xFFFF8000, s8  }
0x21d: {  	s2 =	sand.u32 $0x380, s2;
	s3 =	sadd.s32 s3, s4  }
0x21e: {  	s2 =	sadd.s32 s2, s3  }
0x21f: {  	s5 =	sadd.s32 s25, s0;
	s2 =	sshrl.u32 s2, $0x3  }
0x220: {  	[hbm:s5@s18], [sflag:s26] =	dma.strided [spmem:s2@s18], $0x200, s20, $0x10   }
0x221: {  	(v2sf) =	vpush v0, $0x6;
	_ =	sdelay $0xe  }
0x222: {  	s2 =	spop (v2sf)  }
0x223: {  	s8 =	sshll.u32 s2, $0xC  }
0x224: {  	s2 =	sshll.u32 s2, $0x7;
	s3 =	sand.u32 $0xFFFF8000, s8  }
0x225: {  	s2 =	sand.u32 $0x380, s2;
	s3 =	sadd.s32 s3, s4  }
0x226: {  	s2 =	sadd.s32 s2, s3  }
0x227: {  	s5 =	sadd.s32 s25, s6;
	s2 =	sshrl.u32 s2, $0x3  }
0x228: {  	[hbm:s5@s18], [sflag:s26] =	dma.strided [spmem:s2@s18], $0x200, s20, $0x10   }
0x229: {  	(v2sf) =	vpush v0, $0x7;
	_ =	sdelay $0xe  }
0x22a: {  	s2 =	spop (v2sf)  }
0x22b: {  	s8 =	sshll.u32 s2, $0xC  }
0x22c: {  	s2 =	sshll.u32 s2, $0x7;
	s3 =	sand.u32 $0xFFFF8000, s8  }
0x22d: {  	s2 =	sand.u32 $0x380, s2;
	s3 =	sadd.s32 s3, s4  }
0x22e: {  	s2 =	sadd.s32 s2, s3  }
0x22f: {  	s5 =	sadd.s32 s25, s7;
	s2 =	sshrl.u32 s2, $0x3  }
0x230: {  	[hbm:s5@s18], [sflag:s26] =	dma.strided [spmem:s2@s18], $0x200, s20, $0x10   }
0x231: {  	(v2sf) =	vpush v0, $0x8;
	_ =	sdelay $0xe  }
0x232: {  	s2 =	spop (v2sf)  }
0x233: {  	s8 =	sshll.u32 s2, $0xC  }
0x234: {  	s2 =	sshll.u32 s2, $0x7;
	s3 =	sand.u32 $0xFFFF8000, s8  }
0x235: {  	s2 =	sand.u32 $0x380, s2;
	s3 =	sadd.s32 s3, s4  }
0x236: {  	s2 =	sadd.s32 s2, s3  }
0x237: {  	s5 =	sadd.s32 s25, s10;
	s2 =	sshrl.u32 s2, $0x3  }
0x238: {  	[hbm:s5@s18], [sflag:s26] =	dma.strided [spmem:s2@s18], $0x200, s20, $0x10   }
0x239: {  	(v2sf) =	vpush v0, $0x9;
	_ =	sdelay $0xe  }
0x23a: {  	s2 =	spop (v2sf)  }
0x23b: {  	s8 =	sshll.u32 s2, $0xC  }
0x23c: {  	s2 =	sshll.u32 s2, $0x7;
	s3 =	sand.u32 $0xFFFF8000, s8  }
0x23d: {  	s2 =	sand.u32 $0x380, s2;
	s3 =	sadd.s32 s3, s4  }
0x23e: {  	s2 =	sadd.s32 s2, s3  }
0x23f: {  	s5 =	sadd.s32 s25, s11;
	s2 =	sshrl.u32 s2, $0x3  }
0x240: {  	[hbm:s5@s18], [sflag:s26] =	dma.strided [spmem:s2@s18], $0x200, s20, $0x10   }
0x241: {  	(v2sf) =	vpush v0, $0xA;
	_ =	sdelay $0xe  }
0x242: {  	s2 =	spop (v2sf)  }
0x243: {  	s8 =	sshll.u32 s2, $0xC  }
0x244: {  	s2 =	sshll.u32 s2, $0x7;
	s3 =	sand.u32 $0xFFFF8000, s8  }
0x245: {  	s2 =	sand.u32 $0x380, s2;
	s3 =	sadd.s32 s3, s4  }
0x246: {  	s2 =	sadd.s32 s2, s3  }
0x247: {  	s5 =	sadd.s32 s25, s12;
	s2 =	sshrl.u32 s2, $0x3  }
0x248: {  	[hbm:s5@s18], [sflag:s26] =	dma.strided [spmem:s2@s18], $0x200, s20, $0x10   }
0x249: {  	(v2sf) =	vpush v0, $0xB;
	_ =	sdelay $0xe  }
0x24a: {  	s2 =	spop (v2sf)  }
0x24b: {  	s8 =	sshll.u32 s2, $0xC  }
0x24c: {  	s2 =	sshll.u32 s2, $0x7;
	s3 =	sand.u32 $0xFFFF8000, s8  }
0x24d: {  	s2 =	sand.u32 $0x380, s2;
	s3 =	sadd.s32 s3, s4  }
0x24e: {  	s2 =	sadd.s32 s2, s3  }
0x24f: {  	s5 =	sadd.s32 s25, s13;
	s2 =	sshrl.u32 s2, $0x3  }
0x250: {  	[hbm:s5@s18], [sflag:s26] =	dma.strided [spmem:s2@s18], $0x200, s20, $0x10   }
0x251: {  	(v2sf) =	vpush v0, $0xC;
	_ =	sdelay $0xe  }
0x252: {  	s2 =	spop (v2sf)  }
0x253: {  	s8 =	sshll.u32 s2, $0xC  }
0x254: {  	s2 =	sshll.u32 s2, $0x7;
	s3 =	sand.u32 $0xFFFF8000, s8  }
0x255: {  	s2 =	sand.u32 $0x380, s2;
	s3 =	sadd.s32 s3, s4  }
0x256: {  	s2 =	sadd.s32 s2, s3  }
0x257: {  	s5 =	sadd.s32 s25, s14;
	s2 =	sshrl.u32 s2, $0x3  }
0x258: {  	[hbm:s5@s18], [sflag:s26] =	dma.strided [spmem:s2@s18], $0x200, s20, $0x10   }
0x259: {  	(v2sf) =	vpush v0, $0xD;
	_ =	sdelay $0xe  }
0x25a: {  	s2 =	spop (v2sf)  }
0x25b: {  	s8 =	sshll.u32 s2, $0xC  }
0x25c: {  	s2 =	sshll.u32 s2, $0x7;
	s3 =	sand.u32 $0xFFFF8000, s8  }
0x25d: {  	s2 =	sand.u32 $0x380, s2;
	s3 =	sadd.s32 s3, s4  }
0x25e: {  	s2 =	sadd.s32 s2, s3  }
0x25f: {  	s5 =	sadd.s32 s25, s15;
	s2 =	sshrl.u32 s2, $0x3  }
0x260: {  	[hbm:s5@s18], [sflag:s26] =	dma.strided [spmem:s2@s18], $0x200, s20, $0x10   }
0x261: {  	(v2sf) =	vpush v0, $0xE;
	_ =	sdelay $0xe  }
0x262: {  	s2 =	spop (v2sf)  }
0x263: {  	s8 =	sshll.u32 s2, $0xC  }
0x264: {  	s2 =	sshll.u32 s2, $0x7;
	s3 =	sand.u32 $0xFFFF8000, s8  }
0x265: {  	s2 =	sand.u32 $0x380, s2;
	s3 =	sadd.s32 s3, s4  }
0x266: {  	s2 =	sadd.s32 s2, s3  }
0x267: {  	s5 =	sadd.s32 s25, s16;
	s2 =	sshrl.u32 s2, $0x3  }
0x268: {  	[hbm:s5@s18], [sflag:s26] =	dma.strided [spmem:s2@s18], $0x200, s20, $0x10   }
0x269: {  	(v2sf) =	vpush v0, $0xF;
	_ =	sdelay $0xe  }
0x26a: {  	s2 =	spop (v2sf)  }
0x26b: {  	s8 =	sshll.u32 s2, $0xC  }
0x26c: {  	s2 =	sshll.u32 s2, $0x7;
	s3 =	sand.u32 $0xFFFF8000, s8  }
0x26d: {  	s2 =	sand.u32 $0x380, s2;
	s3 =	sadd.s32 s3, s4  }
0x26e: {  	s2 =	sadd.s32 s2, s3  }
0x26f: {  	s25 =	sadd.s32 s25, s17;
	s2 =	sshrl.u32 s2, $0x3  }
0x270: {  	[hbm:s25@s18], [sflag:s26] =	dma.strided [spmem:s2@s18], $0x200, s20, $0x10   }
.LBB2_36:
.Ltmp21:
0x271: {  	(pc) =	sbr.rel @p0 .LBB2_54-.Ltmp21, $4  }
0x272: {  	_ = 	snop  }
0x273: {  	_ =	swait.ge [sflag:s23], $0x8000  }
0x274: {  	[sflag:s23] =	ssyncset.done $0x0  }
0x275: {  	s22 =	sadd.s32 $0x2, s22;
	[sflag:s23] =	ssyncadd.s32 $0xFFFF8000  }
0x276: {  	s2 =	sshll.u32 s22, $0x3  }
0x277: {  	s2 =	sand.u32 $0x3FFFFFF8, s2  }
0x278: {  	v0 =	vld [tilespmem:s2+$0x0];
	_ =	sdelay $0x4  }
0x279: {  	(v2sf) =	vpush v0, $0x0;
	_ =	sdelay $0xe  }
0x27a: {  	s25 =	spop (v2sf)  }
0x27b: {  	s3 =	sshll.u32 s25, $0xC  }
0x27c: {  	s2 =	sshll.u32 s25, $0x7;
	s3 =	sand.u32 $0xFFFF8000, s3  }
0x27d: {  	s2 =	sand.u32 $0x380, s2;
	s3 =	sadd.s32 s3, s4  }
0x27e: {  	s3 =	sadd.s32 s2, s3  }
0x27f: {  	s5 =	simm.s32 $0x8200;
	s2 =	simm.s32 $0x1000;
	s8 =	sadd.s32 $0x0, s3  }
.LBB2_38:
0x280: {  	[tilespmem:s5], [sflag:$0x2] =	stream.linear.gather [spmem:s8], $0x80, $0x38;
	[tilespmem:$0x18200] =	vst v63  }
0x281: {  	s5 =	smov.u32 s2;
	p0 =	sne.s32 s2, $0x1F000  }
.Ltmp22:
0x282: {  	s2 =	sadd.s32 $0x1000, s2;
	(pc) =	sbr.rel @p0 .LBB2_38-.Ltmp22, $3  }
0x283: {  	_ =	sdelay $0x1  }
0x284: {  	s5 =	sshra.s32 s5, $0x2  }
0x285: {  	s8 =	sadd.s32 s5, s3;
	s5 =	sadd.s32 $0x8200, s5  }
0x286: {  	(v2sf) =	vpush v0, $0x1;
	_ =	sdelay $0xd  }
0x287: {  	[tilespmem:s5], [sflag:$0x2] =	stream.linear.gather [spmem:s8], $0x80, $0x38;
	[tilespmem:$0x18200] =	vst v63  }
0x288: {  	s2 =	spop (v2sf)  }
0x289: {  	s3 =	sshll.u32 s2, $0xC  }
0x28a: {  	s2 =	sshll.u32 s2, $0x7;
	s3 =	sand.u32 $0xFFFF8000, s3  }
0x28b: {  	s2 =	sand.u32 $0x380, s2;
	s3 =	sadd.s32 s3, s4  }
0x28c: {  	s3 =	sadd.s32 s2, s3  }
0x28d: {  	s5 =	simm.s32 $0x8280;
	s2 =	simm.s32 $0x1000;
	s8 =	sadd.s32 $0x0, s3  }
.LBB2_40:
0x28e: {  	[tilespmem:s5], [sflag:$0x2] =	stream.linear.gather [spmem:s8], $0x80, $0x38;
	[tilespmem:$0x18200] =	vst v63  }
0x28f: {  	s5 =	smov.u32 s2;
	p0 =	sne.s32 s2, $0x1F000  }
.Ltmp23:
0x290: {  	s2 =	sadd.s32 $0x1000, s2;
	(pc) =	sbr.rel @p0 .LBB2_40-.Ltmp23, $3  }
0x291: {  	_ =	sdelay $0x1  }
0x292: {  	s5 =	sshra.s32 s5, $0x2  }
0x293: {  	s8 =	sadd.s32 s5, s3;
	s5 =	sadd.s32 $0x8280, s5  }
0x294: {  	(v2sf) =	vpush v0, $0x2;
	_ =	sdelay $0xd  }
0x295: {  	[tilespmem:s5], [sflag:$0x2] =	stream.linear.gather [spmem:s8], $0x80, $0x38;
	[tilespmem:$0x18200] =	vst v63  }
0x296: {  	s2 =	spop (v2sf)  }
0x297: {  	s3 =	sshll.u32 s2, $0xC  }
0x298: {  	s2 =	sshll.u32 s2, $0x7;
	s3 =	sand.u32 $0xFFFF8000, s3  }
0x299: {  	s2 =	sand.u32 $0x380, s2;
	s3 =	sadd.s32 s3, s4  }
0x29a: {  	s3 =	sadd.s32 s2, s3  }
0x29b: {  	s5 =	simm.s32 $0x8300;
	s2 =	simm.s32 $0x1000;
	s8 =	sadd.s32 $0x0, s3  }
.LBB2_42:
0x29c: {  	[tilespmem:s5], [sflag:$0x2] =	stream.linear.gather [spmem:s8], $0x80, $0x38;
	[tilespmem:$0x18200] =	vst v63  }
0x29d: {  	s5 =	smov.u32 s2;
	p0 =	sne.s32 s2, $0x1F000  }
.Ltmp24:
0x29e: {  	s2 =	sadd.s32 $0x1000, s2;
	(pc) =	sbr.rel @p0 .LBB2_42-.Ltmp24, $3  }
0x29f: {  	_ =	sdelay $0x1  }
0x2a0: {  	s5 =	sshra.s32 s5, $0x2  }
0x2a1: {  	s8 =	sadd.s32 s5, s3;
	s5 =	sadd.s32 $0x8300, s5  }
0x2a2: {  	(v2sf) =	vpush v0, $0x3;
	_ =	sdelay $0xd  }
0x2a3: {  	[tilespmem:s5], [sflag:$0x2] =	stream.linear.gather [spmem:s8], $0x80, $0x38;
	[tilespmem:$0x18200] =	vst v63  }
0x2a4: {  	s2 =	spop (v2sf)  }
0x2a5: {  	s3 =	sshll.u32 s2, $0xC  }
0x2a6: {  	s2 =	sshll.u32 s2, $0x7;
	s3 =	sand.u32 $0xFFFF8000, s3  }
0x2a7: {  	s2 =	sand.u32 $0x380, s2;
	s3 =	sadd.s32 s3, s4  }
0x2a8: {  	s3 =	sadd.s32 s2, s3  }
0x2a9: {  	s5 =	simm.s32 $0x8380;
	s2 =	simm.s32 $0x1000;
	s8 =	sadd.s32 $0x0, s3  }
.LBB2_44:
0x2aa: {  	[tilespmem:s5], [sflag:$0x2] =	stream.linear.gather [spmem:s8], $0x80, $0x38;
	[tilespmem:$0x18200] =	vst v63  }
0x2ab: {  	s5 =	smov.u32 s2;
	p0 =	sne.s32 s2, $0x1F000  }
.Ltmp25:
0x2ac: {  	s2 =	sadd.s32 $0x1000, s2;
	(pc) =	sbr.rel @p0 .LBB2_44-.Ltmp25, $3  }
0x2ad: {  	_ =	sdelay $0x1  }
0x2ae: {  	s5 =	sshra.s32 s5, $0x2  }
0x2af: {  	s8 =	sadd.s32 s5, s3;
	s5 =	sadd.s32 $0x8380, s5  }
0x2b0: {  	(v2sf) =	vpush v0, $0x4;
	_ =	sdelay $0xd  }
0x2b1: {  	[tilespmem:s5], [sflag:$0x2] =	stream.linear.gather [spmem:s8], $0x80, $0x38;
	[tilespmem:$0x18200] =	vst v63  }
0x2b2: {  	s2 =	spop (v2sf)  }
0x2b3: {  	s3 =	sshll.u32 s2, $0xC  }
0x2b4: {  	s2 =	sshll.u32 s2, $0x7;
	s3 =	sand.u32 $0xFFFF8000, s3  }
0x2b5: {  	s2 =	sand.u32 $0x380, s2;
	s3 =	sadd.s32 s3, s4  }
0x2b6: {  	s3 =	sadd.s32 s2, s3  }
0x2b7: {  	s5 =	simm.s32 $0x8400;
	s2 =	simm.s32 $0x1000;
	s8 =	sadd.s32 $0x0, s3  }
.LBB2_46:
0x2b8: {  	[tilespmem:s5], [sflag:$0x2] =	stream.linear.gather [spmem:s8], $0x80, $0x38;
	[tilespmem:$0x18200] =	vst v63  }
0x2b9: {  	s5 =	smov.u32 s2;
	p0 =	sne.s32 s2, $0x1F000  }
.Ltmp26:
0x2ba: {  	s2 =	sadd.s32 $0x1000, s2;
	(pc) =	sbr.rel @p0 .LBB2_46-.Ltmp26, $3  }
0x2bb: {  	_ =	sdelay $0x1  }
0x2bc: {  	s5 =	sshra.s32 s5, $0x2  }
0x2bd: {  	s8 =	sadd.s32 s5, s3;
	s5 =	sadd.s32 $0x8400, s5  }
0x2be: {  	(v2sf) =	vpush v0, $0x5;
	_ =	sdelay $0xd  }
0x2bf: {  	[tilespmem:s5], [sflag:$0x2] =	stream.linear.gather [spmem:s8], $0x80, $0x38;
	[tilespmem:$0x18200] =	vst v63  }
0x2c0: {  	s2 =	spop (v2sf)  }
0x2c1: {  	s3 =	sshll.u32 s2, $0xC  }
0x2c2: {  	s2 =	sshll.u32 s2, $0x7;
	s3 =	sand.u32 $0xFFFF8000, s3  }
0x2c3: {  	s2 =	sand.u32 $0x380, s2;
	s3 =	sadd.s32 s3, s4  }
0x2c4: {  	s3 =	sadd.s32 s2, s3  }
0x2c5: {  	s5 =	simm.s32 $0x8480;
	s2 =	simm.s32 $0x1000;
	s8 =	sadd.s32 $0x0, s3  }
.LBB2_48:
0x2c6: {  	[tilespmem:s5], [sflag:$0x2] =	stream.linear.gather [spmem:s8], $0x80, $0x38;
	[tilespmem:$0x18200] =	vst v63  }
0x2c7: {  	s5 =	smov.u32 s2;
	p0 =	sne.s32 s2, $0x1F000  }
.Ltmp27:
0x2c8: {  	s2 =	sadd.s32 $0x1000, s2;
	(pc) =	sbr.rel @p0 .LBB2_48-.Ltmp27, $3  }
0x2c9: {  	_ =	sdelay $0x1  }
0x2ca: {  	s5 =	sshra.s32 s5, $0x2  }
0x2cb: {  	s8 =	sadd.s32 s5, s3;
	s5 =	sadd.s32 $0x8480, s5  }
0x2cc: {  	(v2sf) =	vpush v0, $0x6;
	_ =	sdelay $0xd  }
0x2cd: {  	[tilespmem:s5], [sflag:$0x2] =	stream.linear.gather [spmem:s8], $0x80, $0x38;
	[tilespmem:$0x18200] =	vst v63  }
0x2ce: {  	s2 =	spop (v2sf)  }
0x2cf: {  	s3 =	sshll.u32 s2, $0xC  }
0x2d0: {  	s2 =	sshll.u32 s2, $0x7;
	s3 =	sand.u32 $0xFFFF8000, s3  }
0x2d1: {  	s2 =	sand.u32 $0x380, s2;
	s3 =	sadd.s32 s3, s4  }
0x2d2: {  	s3 =	sadd.s32 s2, s3  }
0x2d3: {  	s5 =	simm.s32 $0x8500;
	s2 =	simm.s32 $0x1000;
	s8 =	sadd.s32 $0x0, s3  }
.LBB2_50:
0x2d4: {  	[tilespmem:s5], [sflag:$0x2] =	stream.linear.gather [spmem:s8], $0x80, $0x38;
	[tilespmem:$0x18200] =	vst v63  }
0x2d5: {  	s5 =	smov.u32 s2;
	p0 =	sne.s32 s2, $0x1F000  }
.Ltmp28:
0x2d6: {  	s2 =	sadd.s32 $0x1000, s2;
	(pc) =	sbr.rel @p0 .LBB2_50-.Ltmp28, $3  }
0x2d7: {  	_ =	sdelay $0x1  }
0x2d8: {  	s5 =	sshra.s32 s5, $0x2  }
0x2d9: {  	s8 =	sadd.s32 s5, s3;
	s5 =	sadd.s32 $0x8500, s5  }
0x2da: {  	(v2sf) =	vpush v0, $0x7;
	_ =	sdelay $0xd  }
0x2db: {  	[tilespmem:s5], [sflag:$0x2] =	stream.linear.gather [spmem:s8], $0x80, $0x38;
	[tilespmem:$0x18200] =	vst v63  }
0x2dc: {  	s2 =	spop (v2sf)  }
0x2dd: {  	s3 =	sshll.u32 s2, $0xC  }
0x2de: {  	s2 =	sshll.u32 s2, $0x7;
	s3 =	sand.u32 $0xFFFF8000, s3  }
0x2df: {  	s2 =	sand.u32 $0x380, s2;
	s3 =	sadd.s32 s3, s4  }
0x2e0: {  	s3 =	sadd.s32 s2, s3  }
0x2e1: {  	s5 =	simm.s32 $0x8580;
	s2 =	simm.s32 $0x1000;
	s8 =	sadd.s32 $0x0, s3  }
.LBB2_52:
0x2e2: {  	[tilespmem:s5], [sflag:$0x2] =	stream.linear.gather [spmem:s8], $0x80, $0x38;
	[tilespmem:$0x18200] =	vst v63  }
0x2e3: {  	s5 =	smov.u32 s2;
	p0 =	sne.s32 s2, $0x1F000  }
.Ltmp29:
0x2e4: {  	s2 =	sadd.s32 $0x1000, s2;
	(pc) =	sbr.rel @p0 .LBB2_52-.Ltmp29, $3  }
0x2e5: {  	_ =	sdelay $0x1  }
0x2e6: {  	s5 =	sshra.s32 s5, $0x2  }
0x2e7: {  	s8 =	sadd.s32 s5, s3;
	s5 =	sadd.s32 $0x8580, s5  }
0x2e8: {  	[tilespmem:s5], [sflag:$0x2] =	stream.linear.gather [spmem:s8], $0x80, $0x38;
	[tilespmem:$0x18200] =	vst v63  }
.LBB2_54:
0x2e9: {  	_ =	swait.ge [sflag:s24], $0x1000  }
0x2ea: {  	[sflag:s24] =	ssyncset.done $0x0  }
0x2eb: {  	[sflag:s24] =	ssyncadd.s32 $0xFFFFF000  }
0x2ec: {  	_ =	swait.ge [sflag:s24], $0x1000  }
0x2ed: {  	[sflag:s24] =	ssyncset.done $0x0  }
0x2ee: {  	[sflag:s24] =	ssyncadd.s32 $0xFFFFF000  }
0x2ef: {  	_ =	swait.ge [sflag:s24], $0x1000  }
0x2f0: {  	[sflag:s24] =	ssyncset.done $0x0  }
0x2f1: {  	[sflag:s24] =	ssyncadd.s32 $0xFFFFF000  }
0x2f2: {  	_ =	swait.ge [sflag:s24], $0x1000  }
0x2f3: {  	[sflag:s24] =	ssyncset.done $0x0  }
0x2f4: {  	[sflag:s24] =	ssyncadd.s32 $0xFFFFF000  }
0x2f5: {  	_ =	swait.ge [sflag:s24], $0x1000  }
0x2f6: {  	[sflag:s24] =	ssyncset.done $0x0  }
0x2f7: {  	[sflag:s24] =	ssyncadd.s32 $0xFFFFF000  }
0x2f8: {  	_ =	swait.ge [sflag:s24], $0x1000  }
0x2f9: {  	[sflag:s24] =	ssyncset.done $0x0  }
0x2fa: {  	[sflag:s24] =	ssyncadd.s32 $0xFFFFF000  }
0x2fb: {  	_ =	swait.ge [sflag:s24], $0x1000  }
0x2fc: {  	[sflag:s24] =	ssyncset.done $0x0  }
0x2fd: {  	[sflag:s24] =	ssyncadd.s32 $0xFFFFF000  }
0x2fe: {  	_ =	swait.ge [sflag:s24], $0x1000  }
0x2ff: {  	s2 =	rddreg [dreg:$0x5]  }
0x300: {  	s3 =	simm.s32 $0x0;
	s5 =	simm.s32 $0x10200;
	s2 =	sadd.s32 s2, s28  }
0x301: {  	[sflag:s24] =	ssyncset.done $0x0;
	s28 =	sadd.s32 $0xFFFFFFFF, s19;
	s2 =	sshll.u32 s2, $0x9  }
0x302: {  	[sflag:s24] =	ssyncadd.s32 $0xFFFFF000;
	p0 =	sgt.u32 s28, $0x8;
	s2 =	sadd.s32 s29, s2  }
0x303: {  	[hbm4b:s2+s3] =	stream.linear.scatter [tilespmem:s5], [sflag:$0x5], $0x8000, $0x38;
	[tilespmem:$0x18200] =	vst v63  }
0x304: {  	s2 =	simm.s32 @!p0 $0x1  }
0x305: {  	_ =	swait.ge @!p0 [sflag:s2], $0x200  }
0x306: {  	[sflag:s2] =	ssyncset.done @!p0 $0x0  }
0x307: {  	[sflag:s2] =	ssyncadd.s32 @!p0 $0xFFFFFE00  }
0x308: {  	_ =	swait.ge @!p0 [sflag:s2], $0x200  }
0x309: {  	[sflag:s2] =	ssyncset.done @!p0 $0x0  }
0x30a: {  	[sflag:s2] =	ssyncadd.s32 @!p0 $0xFFFFFE00  }
0x30b: {  	_ =	swait.ge @!p0 [sflag:s2], $0x200  }
0x30c: {  	[sflag:s2] =	ssyncset.done @!p0 $0x0  }
0x30d: {  	[sflag:s2] =	ssyncadd.s32 @!p0 $0xFFFFFE00  }
0x30e: {  	_ =	swait.ge @!p0 [sflag:s2], $0x200  }
0x30f: {  	[sflag:s2] =	ssyncset.done @!p0 $0x0  }
0x310: {  	[sflag:s2] =	ssyncadd.s32 @!p0 $0xFFFFFE00  }
0x311: {  	_ =	swait.ge @!p0 [sflag:s2], $0x200  }
0x312: {  	[sflag:s2] =	ssyncset.done @!p0 $0x0  }
0x313: {  	[sflag:s2] =	ssyncadd.s32 @!p0 $0xFFFFFE00  }
0x314: {  	_ =	swait.ge @!p0 [sflag:s2], $0x200  }
0x315: {  	[sflag:s2] =	ssyncset.done @!p0 $0x0  }
0x316: {  	[sflag:s2] =	ssyncadd.s32 @!p0 $0xFFFFFE00  }
0x317: {  	_ =	swait.ge @!p0 [sflag:s2], $0x200  }
0x318: {  	[sflag:s2] =	ssyncset.done @!p0 $0x0  }
0x319: {  	[sflag:s2] =	ssyncadd.s32 @!p0 $0xFFFFFE00  }
0x31a: {  	_ =	swait.ge @!p0 [sflag:s2], $0x200  }
0x31b: {  	[sflag:s2] =	ssyncset.done @!p0 $0x0  }
0x31c: {  	[sflag:s2] =	ssyncadd.s32 @!p0 $0xFFFFFE00  }
0x31d: {  	_ =	swait.ge @!p0 [sflag:s2], $0x200  }
0x31e: {  	[sflag:s2] =	ssyncset.done @!p0 $0x0  }
0x31f: {  	[sflag:s2] =	ssyncadd.s32 @!p0 $0xFFFFFE00  }
0x320: {  	_ =	swait.ge @!p0 [sflag:s2], $0x200  }
0x321: {  	[sflag:s2] =	ssyncset.done @!p0 $0x0  }
0x322: {  	[sflag:s2] =	ssyncadd.s32 @!p0 $0xFFFFFE00  }
0x323: {  	_ =	swait.ge @!p0 [sflag:s2], $0x200  }
0x324: {  	[sflag:s2] =	ssyncset.done @!p0 $0x0  }
0x325: {  	[sflag:s2] =	ssyncadd.s32 @!p0 $0xFFFFFE00  }
0x326: {  	_ =	swait.ge @!p0 [sflag:s2], $0x200  }
0x327: {  	[sflag:s2] =	ssyncset.done @!p0 $0x0  }
0x328: {  	[sflag:s2] =	ssyncadd.s32 @!p0 $0xFFFFFE00  }
0x329: {  	_ =	swait.ge @!p0 [sflag:s2], $0x200  }
0x32a: {  	[sflag:s2] =	ssyncset.done @!p0 $0x0  }
0x32b: {  	[sflag:s2] =	ssyncadd.s32 @!p0 $0xFFFFFE00  }
0x32c: {  	_ =	swait.ge @!p0 [sflag:s2], $0x200  }
0x32d: {  	[sflag:s2] =	ssyncset.done @!p0 $0x0  }
0x32e: {  	[sflag:s2] =	ssyncadd.s32 @!p0 $0xFFFFFE00  }
0x32f: {  	p1 =	sgt.u32 s19, $0x8;
	_ =	swait.ge @!p0 [sflag:s2], $0x200  }
.Ltmp30:
0x330: {  	[sflag:s2] =	ssyncset.done @!p0 $0x0;
	(pc) =	sbr.rel @p1 .LBB2_56-.Ltmp30, $4  }
0x331: {  	[sflag:s2] =	ssyncadd.s32 @!p0 $0xFFFFFE00  }
0x332: {  	_ =	swait.ge @!p0 [sflag:s2], $0x200  }
0x333: {  	[sflag:s2] =	ssyncset.done @!p0 $0x0  }
0x334: {  	[sflag:s2] =	ssyncadd.s32 @!p0 $0xFFFFFE00  }
0x335: {  	s2 =	sshll.u32 s22, $0x4  }
0x336: {  	v0 =	vld [tilespmem:s2+$0xC0];
	_ =	sdelay $0x4  }
0x337: {  	(v2sf) =	vpush v0, $0x0;
	_ =	sdelay $0xe  }
0x338: {  	s3 =	spop (v2sf)  }
0x339: {  	s8 =	rddreg [dreg:$0x8];
	s5 =	sshll.u32 s3, $0xC  }
0x33a: {  	s2 =	sadd.s32 s8, s2;
	s3 =	sshll.u32 s3, $0x7;
	s5 =	sand.u32 $0xFFFF8000, s5  }
0x33b: {  	s2 =	sshll.u32 s2, $0x9;
	s3 =	sand.u32 $0x380, s3;
	s5 =	sadd.s32 s5, s4  }
0x33c: {  	s22 =	sand.u32 $0x1FFFC000, s2;
	s3 =	sadd.s32 s3, s5  }
0x33d: {  	s2 =	sadd.s32 s29, s22;
	s3 =	sshrl.u32 s3, $0x3  }
0x33e: {  	[hbm:s2@s18], [sflag:s26] =	dma.strided [spmem:s3@s18], $0x200, s20, $0x10   }
0x33f: {  	(v2sf) =	vpush v0, $0x1;
	_ =	sdelay $0xe  }
0x340: {  	s2 =	spop (v2sf)  }
0x341: {  	s25 =	sshll.u32 s2, $0xC  }
0x342: {  	s2 =	sshll.u32 s2, $0x7;
	s3 =	sand.u32 $0xFFFF8000, s25  }
0x343: {  	s2 =	sand.u32 $0x380, s2;
	s3 =	sadd.s32 s3, s4  }
0x344: {  	s28 =	rddreg [dreg:$0x1b];
	s2 =	sadd.s32 s2, s3  }
0x345: {  	s3 =	sadd.s32 s22, s28;
	s2 =	sshrl.u32 s2, $0x3  }
0x346: {  	[hbm:s3@s18], [sflag:s26] =	dma.strided [spmem:s2@s18], $0x200, s20, $0x10   }
0x347: {  	(v2sf) =	vpush v0, $0x2;
	_ =	sdelay $0xe  }
0x348: {  	s2 =	spop (v2sf)  }
0x349: {  	s5 =	sshll.u32 s2, $0xC  }
0x34a: {  	s2 =	sshll.u32 s2, $0x7;
	s3 =	sand.u32 $0xFFFF8000, s5  }
0x34b: {  	s2 =	sand.u32 $0x380, s2;
	s3 =	sadd.s32 s3, s4  }
0x34c: {  	s2 =	sadd.s32 s2, s3  }
0x34d: {  	s8 =	sadd.s32 s22, s30;
	s2 =	sshrl.u32 s2, $0x3  }
0x34e: {  	[hbm:s8@s18], [sflag:s26] =	dma.strided [spmem:s2@s18], $0x200, s20, $0x10   }
0x34f: {  	(v2sf) =	vpush v0, $0x3;
	_ =	sdelay $0xe  }
0x350: {  	s2 =	spop (v2sf)  }
0x351: {  	s25 =	sshll.u32 s2, $0xC  }
0x352: {  	s2 =	sshll.u32 s2, $0x7;
	s3 =	sand.u32 $0xFFFF8000, s25  }
0x353: {  	s2 =	sand.u32 $0x380, s2;
	s3 =	sadd.s32 s3, s4  }
0x354: {  	s2 =	sadd.s32 s2, s3  }
0x355: {  	s28 =	sadd.s32 s22, s31;
	s2 =	sshrl.u32 s2, $0x3  }
0x356: {  	[hbm:s28@s18], [sflag:s26] =	dma.strided [spmem:s2@s18], $0x200, s20, $0x10   }
0x357: {  	(v2sf) =	vpush v0, $0x4;
	_ =	sdelay $0xe  }
0x358: {  	s2 =	spop (v2sf)  }
0x359: {  	s5 =	sshll.u32 s2, $0xC  }
0x35a: {  	s2 =	sshll.u32 s2, $0x7;
	s3 =	sand.u32 $0xFFFF8000, s5  }
0x35b: {  	s2 =	sand.u32 $0x380, s2;
	s3 =	sadd.s32 s3, s4  }
0x35c: {  	s2 =	sadd.s32 s2, s3  }
0x35d: {  	s8 =	sadd.s32 s22, s1;
	s2 =	sshrl.u32 s2, $0x3  }
0x35e: {  	[hbm:s8@s18], [sflag:s26] =	dma.strided [spmem:s2@s18], $0x200, s20, $0x10   }
0x35f: {  	(v2sf) =	vpush v0, $0x5;
	_ =	sdelay $0xe  }
0x360: {  	s2 =	spop (v2sf)  }
0x361: {  	s25 =	sshll.u32 s2, $0xC  }
0x362: {  	s2 =	sshll.u32 s2, $0x7;
	s3 =	sand.u32 $0xFFFF8000, s25  }
0x363: {  	s2 =	sand.u32 $0x380, s2;
	s3 =	sadd.s32 s3, s4  }
0x364: {  	s2 =	sadd.s32 s2, s3  }
0x365: {  	s28 =	sadd.s32 s22, s0;
	s2 =	sshrl.u32 s2, $0x3  }
0x366: {  	[hbm:s28@s18], [sflag:s26] =	dma.strided [spmem:s2@s18], $0x200, s20, $0x10   }
0x367: {  	(v2sf) =	vpush v0, $0x6;
	_ =	sdelay $0xe  }
0x368: {  	s2 =	spop (v2sf)  }
0x369: {  	s5 =	sshll.u32 s2, $0xC  }
0x36a: {  	s2 =	sshll.u32 s2, $0x7;
	s3 =	sand.u32 $0xFFFF8000, s5  }
0x36b: {  	s2 =	sand.u32 $0x380, s2;
	s3 =	sadd.s32 s3, s4  }
0x36c: {  	s2 =	sadd.s32 s2, s3  }
0x36d: {  	s8 =	sadd.s32 s22, s6;
	s2 =	sshrl.u32 s2, $0x3  }
0x36e: {  	[hbm:s8@s18], [sflag:s26] =	dma.strided [spmem:s2@s18], $0x200, s20, $0x10   }
0x36f: {  	(v2sf) =	vpush v0, $0x7;
	_ =	sdelay $0xe  }
0x370: {  	s2 =	spop (v2sf)  }
0x371: {  	s25 =	sshll.u32 s2, $0xC  }
0x372: {  	s2 =	sshll.u32 s2, $0x7;
	s3 =	sand.u32 $0xFFFF8000, s25  }
0x373: {  	s2 =	sand.u32 $0x380, s2;
	s3 =	sadd.s32 s3, s4  }
0x374: {  	s2 =	sadd.s32 s2, s3  }
0x375: {  	s28 =	sadd.s32 s22, s7;
	s2 =	sshrl.u32 s2, $0x3  }
0x376: {  	[hbm:s28@s18], [sflag:s26] =	dma.strided [spmem:s2@s18], $0x200, s20, $0x10   }
0x377: {  	(v2sf) =	vpush v0, $0x8;
	_ =	sdelay $0xe  }
0x378: {  	s2 =	spop (v2sf)  }
0x379: {  	s5 =	sshll.u32 s2, $0xC  }
0x37a: {  	s2 =	sshll.u32 s2, $0x7;
	s3 =	sand.u32 $0xFFFF8000, s5  }
0x37b: {  	s2 =	sand.u32 $0x380, s2;
	s3 =	sadd.s32 s3, s4  }
0x37c: {  	s2 =	sadd.s32 s2, s3  }
0x37d: {  	s8 =	sadd.s32 s22, s10;
	s2 =	sshrl.u32 s2, $0x3  }
0x37e: {  	[hbm:s8@s18], [sflag:s26] =	dma.strided [spmem:s2@s18], $0x200, s20, $0x10   }
0x37f: {  	(v2sf) =	vpush v0, $0x9;
	_ =	sdelay $0xe  }
0x380: {  	s2 =	spop (v2sf)  }
0x381: {  	s25 =	sshll.u32 s2, $0xC  }
0x382: {  	s2 =	sshll.u32 s2, $0x7;
	s3 =	sand.u32 $0xFFFF8000, s25  }
0x383: {  	s2 =	sand.u32 $0x380, s2;
	s3 =	sadd.s32 s3, s4  }
0x384: {  	s2 =	sadd.s32 s2, s3  }
0x385: {  	s28 =	sadd.s32 s22, s11;
	s2 =	sshrl.u32 s2, $0x3  }
0x386: {  	[hbm:s28@s18], [sflag:s26] =	dma.strided [spmem:s2@s18], $0x200, s20, $0x10   }
0x387: {  	(v2sf) =	vpush v0, $0xA;
	_ =	sdelay $0xe  }
0x388: {  	s2 =	spop (v2sf)  }
0x389: {  	s5 =	sshll.u32 s2, $0xC  }
0x38a: {  	s2 =	sshll.u32 s2, $0x7;
	s3 =	sand.u32 $0xFFFF8000, s5  }
0x38b: {  	s2 =	sand.u32 $0x380, s2;
	s3 =	sadd.s32 s3, s4  }
0x38c: {  	s2 =	sadd.s32 s2, s3  }
0x38d: {  	s8 =	sadd.s32 s22, s12;
	s2 =	sshrl.u32 s2, $0x3  }
0x38e: {  	[hbm:s8@s18], [sflag:s26] =	dma.strided [spmem:s2@s18], $0x200, s20, $0x10   }
0x38f: {  	(v2sf) =	vpush v0, $0xB;
	_ =	sdelay $0xe  }
0x390: {  	s2 =	spop (v2sf)  }
0x391: {  	s25 =	sshll.u32 s2, $0xC  }
0x392: {  	s2 =	sshll.u32 s2, $0x7;
	s3 =	sand.u32 $0xFFFF8000, s25  }
0x393: {  	s2 =	sand.u32 $0x380, s2;
	s3 =	sadd.s32 s3, s4  }
0x394: {  	s2 =	sadd.s32 s2, s3  }
0x395: {  	s28 =	sadd.s32 s22, s13;
	s2 =	sshrl.u32 s2, $0x3  }
0x396: {  	[hbm:s28@s18], [sflag:s26] =	dma.strided [spmem:s2@s18], $0x200, s20, $0x10   }
0x397: {  	(v2sf) =	vpush v0, $0xC;
	_ =	sdelay $0xe  }
0x398: {  	s2 =	spop (v2sf)  }
0x399: {  	s5 =	sshll.u32 s2, $0xC  }
0x39a: {  	s2 =	sshll.u32 s2, $0x7;
	s3 =	sand.u32 $0xFFFF8000, s5  }
0x39b: {  	s2 =	sand.u32 $0x380, s2;
	s3 =	sadd.s32 s3, s4  }
0x39c: {  	s2 =	sadd.s32 s2, s3  }
0x39d: {  	s8 =	sadd.s32 s22, s14;
	s2 =	sshrl.u32 s2, $0x3  }
0x39e: {  	[hbm:s8@s18], [sflag:s26] =	dma.strided [spmem:s2@s18], $0x200, s20, $0x10   }
0x39f: {  	(v2sf) =	vpush v0, $0xD;
	_ =	sdelay $0xe  }
0x3a0: {  	s2 =	spop (v2sf)  }
0x3a1: {  	s25 =	sshll.u32 s2, $0xC  }
0x3a2: {  	s2 =	sshll.u32 s2, $0x7;
	s3 =	sand.u32 $0xFFFF8000, s25  }
0x3a3: {  	s2 =	sand.u32 $0x380, s2;
	s3 =	sadd.s32 s3, s4  }
0x3a4: {  	s2 =	sadd.s32 s2, s3  }
0x3a5: {  	s28 =	sadd.s32 s22, s15;
	s2 =	sshrl.u32 s2, $0x3  }
0x3a6: {  	[hbm:s28@s18], [sflag:s26] =	dma.strided [spmem:s2@s18], $0x200, s20, $0x10   }
0x3a7: {  	(v2sf) =	vpush v0, $0xE;
	_ =	sdelay $0xe  }
0x3a8: {  	s2 =	spop (v2sf)  }
0x3a9: {  	s5 =	sshll.u32 s2, $0xC  }
0x3aa: {  	s2 =	sshll.u32 s2, $0x7;
	s3 =	sand.u32 $0xFFFF8000, s5  }
0x3ab: {  	s2 =	sand.u32 $0x380, s2;
	s3 =	sadd.s32 s3, s4  }
0x3ac: {  	s2 =	sadd.s32 s2, s3  }
0x3ad: {  	s8 =	sadd.s32 s22, s16;
	s2 =	sshrl.u32 s2, $0x3  }
0x3ae: {  	[hbm:s8@s18], [sflag:s26] =	dma.strided [spmem:s2@s18], $0x200, s20, $0x10   }
0x3af: {  	(v2sf) =	vpush v0, $0xF;
	_ =	sdelay $0xe  }
0x3b0: {  	s2 =	spop (v2sf)  }
0x3b1: {  	s25 =	sshll.u32 s2, $0xC  }
.Ltmp31:
0x3b2: {  	s2 =	sshll.u32 s2, $0x7;
	s3 =	sand.u32 $0xFFFF8000, s25;
	(pc) =	sbr.rel .LBB2_56-.Ltmp31, $4  }
0x3b3: {  	s2 =	sand.u32 $0x380, s2;
	s3 =	sadd.s32 s3, s4  }
0x3b4: {  	s2 =	sadd.s32 s2, s3  }
0x3b5: {  	s28 =	sadd.s32 s22, s17;
	s2 =	sshrl.u32 s2, $0x3  }
0x3b6: {  	[hbm:s28@s18], [sflag:s26] =	dma.strided [spmem:s2@s18], $0x200, s20, $0x10   }
.LBB2_58:
0x3b7: {  	_ =	sfence.sel $0x180000  }
0x3b8: {  	[bflag:$0x0] =	sbarrier.arrive $0xFFFF  }
0x3b9: {  	_ =	strace $0x90000047  }
0x3ba: {  	s0 =	stileid.u32;
	[bflag:$0x2] =	sbarrier.arrive $0xFFFF  }
0x3bb: {  	p0 =	sne.s32 s0, $0x0;
	s0 =	rddreg [dreg:$0x4]  }
0x3bc: {  	s0 =	sadd.s32 @!p0 $0x100000, s0  }
0x3bd: {  	[sflag:s0] =	ssyncadd.tile.s32 @!p0 $0x1;
	_ =	shalt  }
.Lfunc_end2:
_tile_overlayer_lowered:
.L_overlay_start_2:
0x3be: {  	(tag) =	ssettag $0x2  }
0x3bf: {  	s0 =	rddreg [dreg:$0x0];
	s2 =	stileid.u32  }
0x3c0: {  	s1 =	rddreg [dreg:$0x1];
	p0 =	sne.s32 s2, $0x0  }
0x3c1: {  	s3 =	rddreg [dreg:$0x2];
	[bflag:$0x3] =	sbarrier.arrive $0xFFFF;
	s2 =	simm.s32 @!p0 $0x1C06  }
0x3c2: {  	[timem:s3], [sflag:s2] =	dma.local @!p0 [hbm:s0], s1  }
0x3c3: {  	s0 =	simm.s32 @!p0 $0x6  }
0x3c4: {  	_ =	swait.ge @!p0 [sflag:s0], s1  }
0x3c5: {  	s1 =	ssub.s32 @!p0 $0x0, s1;
	[sflag:s0] =	ssyncset.done @!p0 $0x0  }
0x3c6: {  	[sflag:s0] =	ssyncadd.s32 @!p0 s1  }
0x3c7: {  	[bflag:$0x3] =	sbarrier.arrive $0xFFFF  }
0x3c8: {  	_ =	shalt  }

</sc_bundles>
